<compile_context>
chip_gen: v7x
topology: tpu7x:2x2x1
jax: 0.10.2.dev20260603
libtpu: 0.0.44.dev20260713+nightly
codegen_flags: <defaults>
</compile_context>

<pallas_src>
import functools

import jax
import jax.numpy as jnp
from jax import lax
from jax.experimental import pallas as pl
from jax.experimental.pallas import tpu as pltpu
from jax.experimental.pallas import tpu_sc as plsc

_NEG = float(jnp.finfo(jnp.float32).min)
_NC, _NS, _L = 2, 16, 16


def _elu(v):
    return jnp.where(v > 0, v, jnp.exp(jnp.minimum(v, 0.0)) - 1.0)


def _build_body(N, src2_hbm, dst2_hbm, za_hbm, A_hbm,
                srcA, dstA, srcB, dstB, Abuf,
                sem_sa, sem_da, sem_sb, sem_db):
    c = lax.axis_index("c")
    s = lax.axis_index("s")
    wid = s * _NC + c
    one_vec = jnp.full((_L,), 1.0, jnp.float32)
    zero_vec = jnp.full((_L,), 0.0, jnp.float32)
    zero_ivec = jnp.full((_L,), 0, jnp.int32)
    r32u = jnp.full((_L,), 32, jnp.uint32)

    bufs = ((srcA, dstA, sem_sa, sem_da), (srcB, dstB, sem_sb, sem_db))
    steps = [(p, ch) for p in range(2) for ch in range(4)]

    def start(i):
        sb, db, ss, ds_ = bufs[i % 2]
        ch = steps[i][1]
        return (pltpu.async_copy(src2_hbm.at[pl.ds(ch * 64, 64)], sb, ss),
                pltpu.async_copy(dst2_hbm.at[pl.ds(ch * 64, 64)], db, ds_))

    pending = {0: start(0)}
    for i, (p, ch) in enumerate(steps):
        if ch == 0:
            row0 = wid * 64 + p * 32
            lo_vec = jnp.full((_L,), row0, jnp.int32)
            pltpu.sync_copy(za_hbm, Abuf)
        if i + 1 < len(steps):
            pending[i + 1] = start(i + 1)
        for d in pending.pop(i):
            d.wait()
        sb, db = bufs[i % 2][0], bufs[i % 2][1]

        def scanrow(r, carry):
            for q in range(8):
                sv = sb[r, pl.ds(q * 16, 16)]
                dv = db[r, pl.ds(q * 16, 16)]
                u = dv - lo_vec
                m = plsc.bitcast(u, jnp.uint32) < r32u
                rowi = jnp.where(m, u, zero_ivec)
                val = jnp.where(m, one_vec, zero_vec)
                plsc.addupdate_scatter(Abuf, [rowi, sv], val)
            return carry

        lax.fori_loop(0, 64, scanrow, 0)
        if ch == 3:
            pltpu.sync_copy(Abuf, A_hbm.at[pl.ds(row0, 32)])


def _sc_build(src2, dst2, za):
    N = 2048
    mesh = plsc.VectorSubcoreMesh(core_axis_name="c", subcore_axis_name="s",
                                  num_cores=_NC, num_subcores=_NS)
    fn = pl.kernel(
        functools.partial(_build_body, N),
        out_type=jax.ShapeDtypeStruct((N, N), jnp.float32),
        mesh=mesh,
        compiler_params=pltpu.CompilerParams(needs_layout_passes=False),
        scratch_types=[
            pltpu.VMEM((64, 128), jnp.int32),
            pltpu.VMEM((64, 128), jnp.int32),
            pltpu.VMEM((64, 128), jnp.int32),
            pltpu.VMEM((64, 128), jnp.int32),
            pltpu.VMEM((32, 2048), jnp.float32),
            pltpu.SemaphoreType.DMA,
            pltpu.SemaphoreType.DMA,
            pltpu.SemaphoreType.DMA,
            pltpu.SemaphoreType.DMA,
        ],
    )
    return fn(src2, dst2, za)


def _mm_body(A_ref, x_ref, J_ref, W1_ref, W1s_ref, b1_ref,
             W2_ref, W2s_ref, b2_ref, p3_ref, mask_ref, gum_ref,
             Wae_ref, Wap_ref, ba_ref, Wb_ref, bb_ref, Wc_ref, bc_ref,
             act_ref, lm_ref, h_scr, mj_scr, rh_scr):
    b = pl.program_id(0)
    B = pl.num_programs(0)

    @pl.when(b == 0)
    def _():
        mj_scr[:, 0, :] = jnp.dot(J_ref[...], A_ref[...],
                                  preferred_element_type=jnp.float32)
        mj_scr[:, 1, :] = J_ref[...]

    agg = jnp.dot(A_ref[...], x_ref[...], preferred_element_type=jnp.float32)
    acc = jnp.dot(agg, W1_ref[...], preferred_element_type=jnp.float32)
    acc += jnp.dot(x_ref[...], W1s_ref[...],
                   preferred_element_type=jnp.float32)
    h_scr[...] = _elu(acc + b1_ref[...])
    rh_scr[b] = jnp.dot(mj_scr[b], h_scr[...],
                        preferred_element_type=jnp.float32)

    @pl.when(b == B - 1)
    def _():
        r2 = rh_scr[:, 0, :]
        hj = rh_scr[:, 1, :]
        out_rows = _elu(
            jnp.dot(r2, W2_ref[...], preferred_element_type=jnp.float32)
            + jnp.dot(hj, W2s_ref[...], preferred_element_type=jnp.float32)
            + b2_ref[...])
        h = _elu(
            jnp.dot(out_rows, Wae_ref[...], preferred_element_type=jnp.float32)
            + jnp.dot(p3_ref[...], Wap_ref[...],
                      preferred_element_type=jnp.float32)
            + ba_ref[...])
        h = _elu(jnp.dot(h, Wb_ref[...], preferred_element_type=jnp.float32)
                 + bb_ref[...])
        logits = (jnp.dot(h, Wc_ref[...], preferred_element_type=jnp.float32)
                  + bc_ref[...])
        lm = jnp.where(mask_ref[...] != 0, logits, _NEG)
        lm_ref[...] = lm
        act_ref[...] = jnp.argmax(
            lm + gum_ref[...], axis=-1).astype(jnp.int32)[None, :]


def _tc_mm(A, x_flat, J, W1, W1s, b1, W2, W2s, b2, p3, mask, gumbel,
           Wae, Wap, ba, Wb, bb, Wc, bc):
    BN, F = x_flat.shape
    H = W1.shape[1]
    B, N = J.shape
    NA = Wc.shape[1]
    blk = BN // B
    const = lambda shape: pl.BlockSpec(shape, lambda b: tuple(
        0 for _ in shape))
    return pl.pallas_call(
        _mm_body,
        grid=(B,),
        in_specs=[
            pl.BlockSpec((blk, blk), lambda b: (0, 0)),
            pl.BlockSpec((blk, F), lambda b: (b, 0)),
            const((B, N)),
            const((F, H)), const((F, H)), const((1, H)),
            const(W2.shape), const(W2s.shape), const((1, H)),
            const(p3.shape), const(mask.shape), const(gumbel.shape),
            const(Wae.shape), const(Wap.shape), const((1, Wae.shape[1])),
            const(Wb.shape), const((1, Wb.shape[1])),
            const(Wc.shape), const((1, NA)),
        ],
        out_specs=(pl.BlockSpec((1, B), lambda b: (0, 0)),
                   pl.BlockSpec((B, NA), lambda b: (0, 0))),
        out_shape=(jax.ShapeDtypeStruct((1, B), jnp.int32),
                   jax.ShapeDtypeStruct((B, NA), jnp.float32)),
        scratch_shapes=[pltpu.VMEM((blk, H), jnp.float32),
                        pltpu.VMEM((B, 2, N), jnp.float32),
                        pltpu.VMEM((B, 2, H), jnp.float32)],
        compiler_params=pltpu.CompilerParams(
            vmem_limit_bytes=56 * 1024 * 1024),
    )(A, x_flat, J, W1, W1s, b1[None, :], W2, W2s, b2[None, :], p3,
      mask, gumbel, Wae, Wap, ba[None, :], Wb, bb[None, :], Wc, bc[None, :])


def kernel(map_tensor, piece_tensor, edge_index, W1, W1s, b1, W2, W2s, b2,
           Wa, ba, Wb, bb, Wc, bc):
    B = map_tensor.shape[0]
    F = map_tensor.shape[2]
    x = map_tensor.reshape(B, -1, F)
    N = x.shape[1]
    x_flat = x.reshape(B * N, F)
    E = edge_index.shape[1]

    src = edge_index[0].astype(jnp.int32)
    dst = edge_index[1].astype(jnp.int32)
    src2 = src.reshape(E // 128, 128)
    dst2 = dst.reshape(E // 128, 128)
    za = jnp.zeros((32, N), jnp.float32)

    p_type = piece_tensor[:, 0].astype(jnp.int32)
    pos = piece_tensor[:, 1:3].astype(jnp.int32)
    action_mask = piece_tensor[:, 3:16].astype(jnp.int32)
    j = pos[:, 0] * 12 + pos[:, 1]
    p3 = jax.nn.one_hot(p_type, 3, dtype=jnp.float32)
    gumbel = jax.random.gumbel(jax.random.key(42), (B, Wc.shape[1]),
                               jnp.float32)

    A = _sc_build(src2, dst2, za)
    J = jax.nn.one_hot(j, N, dtype=jnp.float32)
    act2d, lm = _tc_mm(A, x_flat, J, W1, W1s, b1, W2, W2s, b2, p3,
                       action_mask, gumbel, Wa[:-3], Wa[-3:], ba, Wb, bb,
                       Wc, bc)
    return (act2d[0], lm)

# --- scband reference (transcript-rebuilt; emitter-appended) ---
"""Pipeline reference for scband-piece-actor-67242007987171 (READ-ONLY COPY).

The authoritative reference and input builder live on the scoring server;
editing this copy changes nothing except your own understanding.
"""

import jax, jax.numpy as jnp
import numpy as np

B = 16
GRID_D1 = 16
FEAT = 128
NPG = 2048
E_PER = 32768
HID = 256
OUT_DIM = 256
MLP_HID = 512
N_ACT = 13


def setup_inputs(seed: int = 0) -> dict:
    key = jax.random.key(seed)
    ks = jax.random.split(key, 16)
    map_tensor = jax.random.normal(ks[0], (B, GRID_D1, FEAT, FEAT), dtype=jnp.float32)
    piece_tensor = jax.random.randint(ks[1], (B, 16), 0, 2).astype(jnp.float32)
    edge_index = jax.random.randint(ks[2], (2, E_PER), 0, NPG)

    def w(k, shp, fan_in):
        return jax.random.normal(k, shp, dtype=jnp.float32) / np.sqrt(fan_in)

    W1 = w(ks[3], (FEAT, HID), FEAT)
    W1s = w(ks[4], (FEAT, HID), FEAT)
    b1 = jnp.zeros((HID,), jnp.float32)
    W2 = w(ks[5], (HID, OUT_DIM), HID)
    W2s = w(ks[6], (HID, OUT_DIM), HID)
    b2 = jnp.zeros((OUT_DIM,), jnp.float32)
    Wa = w(ks[7], (OUT_DIM + 3, MLP_HID), OUT_DIM + 3)
    ba = jnp.zeros((MLP_HID,), jnp.float32)
    Wb = w(ks[8], (MLP_HID, MLP_HID), MLP_HID)
    bb = jnp.zeros((MLP_HID,), jnp.float32)
    Wc = w(ks[9], (MLP_HID, N_ACT), MLP_HID)
    bc = jnp.zeros((N_ACT,), jnp.float32)
    return {"map_tensor": map_tensor, "piece_tensor": piece_tensor, "edge_index": edge_index,
            "W1": W1, "W1s": W1s, "b1": b1, "W2": W2, "W2s": W2s, "b2": b2,
            "Wa": Wa, "ba": ba, "Wb": Wb, "bb": bb, "Wc": Wc, "bc": bc}


def gnn_embed(x, src, dst, W1, W1s, b1, W2, W2s, b2):
    # 2-layer GCN-style embedding_model with output_dim = OUT_DIM
    agg = jnp.zeros_like(x).at[dst].add(x[src])
    h = jax.nn.elu(agg @ W1 + x @ W1s + b1)
    agg2 = jnp.zeros_like(h).at[dst].add(h[src])
    out = jax.nn.elu(agg2 @ W2 + h @ W2s + b2)
    return out


def reference(map_tensor, piece_tensor, edge_index, W1, W1s, b1, W2, W2s, b2, Wa, ba, Wb, bb, Wc, bc):
    batches = map_tensor.shape[0]
    features = map_tensor.shape[2]  # faithful to original code (uses size(2))
    map_flat = map_tensor.reshape(batches, -1, features)
    npg = map_flat.shape[1]
    # batches_to_large_graph: flatten nodes, offset per-graph edge_index by graph id
    x = map_flat.reshape(-1, features)
    offsets = jnp.arange(batches, dtype=edge_index.dtype) * npg
    lei = (edge_index[:, None, :] + offsets[None, :, None]).reshape(2, -1)
    emb = gnn_embed(x, lei[0], lei[1], W1, W1s, b1, W2, W2s, b2)
    # large_graph_to_batches
    map_emb_flat = emb.reshape(batches, npg, -1)
    # split_piece_tensor
    p_type = piece_tensor[:, 0].astype(jnp.int32)
    pos = piece_tensor[:, 1:3].astype(jnp.int32)
    action_mask = piece_tensor[:, 3:16].astype(bool)
    p_type_encoding = jax.nn.one_hot(p_type, 3, dtype=jnp.float32)
    j = pos[:, 0] * 12 + pos[:, 1]
    idx = jnp.broadcast_to(j[:, None, None], (batches, 1, map_emb_flat.shape[2]))
    cell_state = jnp.take_along_axis(map_emb_flat, idx, axis=1)[:, 0, :]
    piece_state = jnp.concatenate([cell_state, p_type_encoding], axis=1)
    h = jax.nn.elu(piece_state @ Wa + ba)
    h = jax.nn.elu(h @ Wb + bb)
    logits = h @ Wc + bc
    mask_value = jnp.finfo(logits.dtype).min
    logits_masked = jnp.where(action_mask, logits, mask_value)
    action = jax.random.categorical(jax.random.key(42), logits_masked, axis=-1)
    return (action, logits_masked)

if __name__ == "__main__":
    import jax
    _d = setup_inputs()
    print(jax.jit(kernel)(*tuple(_d.values())))

</pallas_src>

<mosaic_0001>
#map = affine_map<(d0, d1) -> (0, 0)>
module attributes {stable_mosaic.version = 14 : i64} {
  func.func @_build_body(%arg0: i32, %arg1: i32, %arg2: memref<256x128xi32, #tpu.memory_space<hbm>>, %arg3: memref<256x128xi32, #tpu.memory_space<hbm>>, %arg4: memref<32x2048xf32, #tpu.memory_space<hbm>>, %arg5: memref<2048x2048xf32, #tpu.memory_space<hbm>>, %arg6: memref<64x128xi32, #tpu.memory_space<vmem>>, %arg7: memref<64x128xi32, #tpu.memory_space<vmem>>, %arg8: memref<64x128xi32, #tpu.memory_space<vmem>>, %arg9: memref<64x128xi32, #tpu.memory_space<vmem>>, %arg10: memref<32x2048xf32, #tpu.memory_space<vmem>>, %arg11: memref<!tpu.dma_semaphore, #tpu.memory_space<semaphore_mem>>, %arg12: memref<!tpu.dma_semaphore, #tpu.memory_space<semaphore_mem>>, %arg13: memref<!tpu.dma_semaphore, #tpu.memory_space<semaphore_mem>>, %arg14: memref<!tpu.dma_semaphore, #tpu.memory_space<semaphore_mem>>) attributes {dimension_semantics = [#tpu.dimension_semantics<core_parallel>, #tpu.dimension_semantics<subcore_parallel>], iteration_bounds = array<i64: 2, 16>, scalar_prefetch = 0 : i64, scratch_operands = 9 : i64, tpu.core_type = #tpu.core_type<sc_vector_subcore>, window_params = [{transform_indices = #map}, {transform_indices = #map}, {transform_indices = #map}, {transform_indices = #map}]} {
    %mul3A = arith.constant 2 : i32
    %mul3A_0 = arith.muli %arg1, %mul3A : i32
    %add3A = arith.addi %mul3A_0, %arg0 : i32
    %broadcast_in_dim3A = arith.constant 1.000000e+00 : f32
    %broadcast_in_dim3A_1 = vector.broadcast %broadcast_in_dim3A : f32 to vector<16xf32>
    %broadcast_in_dim3A_2 = arith.constant 0.000000e+00 : f32
    %broadcast_in_dim3A_3 = vector.broadcast %broadcast_in_dim3A_2 : f32 to vector<16xf32>
    %broadcast_in_dim3A_4 = arith.constant 0 : i32
    %broadcast_in_dim3A_5 = vector.broadcast %broadcast_in_dim3A_4 : i32 to vector<16xi32>
    %broadcast_in_dim3A_6 = arith.constant 32 : i32
    %broadcast_in_dim3A_7 = vector.broadcast %broadcast_in_dim3A_6 : i32 to vector<16xi32>
    %dma_start3A = arith.constant 0 : i32
    %dma_start3A_8 = arith.constant 0 : i32
    %dma_start3A_9 = tpu.memref_slice %arg2[%dma_start3A, %dma_start3A_8] : memref<256x128xi32, #tpu.memory_space<hbm>> -> memref<64x128xi32, #tpu.memory_space<hbm>>
    %dma_start3A_10 = arith.constant 0 : i32
    %dma_start3A_11 = arith.constant 0 : i32
    %dma_start3A_12 = tpu.memref_slice %arg2[%dma_start3A_10, %dma_start3A_11] : memref<256x128xi32, #tpu.memory_space<hbm>> -> memref<64x128xi32, #tpu.memory_space<hbm>>
    tpu.enqueue_dma source(%dma_start3A_12 : memref<64x128xi32, #tpu.memory_space<hbm>>) target(%arg6 : memref<64x128xi32, #tpu.memory_space<vmem>>) target_semaphore(%arg11 : memref<!tpu.dma_semaphore, #tpu.memory_space<semaphore_mem>>)
    %dma_start3A_13 = arith.constant 0 : i32
    %dma_start3A_14 = arith.constant 0 : i32
    %dma_start3A_15 = tpu.memref_slice %arg3[%dma_start3A_13, %dma_start3A_14] : memref<256x128xi32, #tpu.memory_space<hbm>> -> memref<64x128xi32, #tpu.memory_space<hbm>>
    %dma_start3A_16 = arith.constant 0 : i32
    %dma_start3A_17 = arith.constant 0 : i32
    %dma_start3A_18 = tpu.memref_slice %arg3[%dma_start3A_16, %dma_start3A_17] : memref<256x128xi32, #tpu.memory_space<hbm>> -> memref<64x128xi32, #tpu.memory_space<hbm>>
    tpu.enqueue_dma source(%dma_start3A_18 : memref<64x128xi32, #tpu.memory_space<hbm>>) target(%arg7 : memref<64x128xi32, #tpu.memory_space<vmem>>) target_semaphore(%arg12 : memref<!tpu.dma_semaphore, #tpu.memory_space<semaphore_mem>>)
    %mul3A_19 = arith.constant 64 : i32
    %mul3A_20 = arith.muli %add3A, %mul3A_19 : i32
    %add3A_21 = arith.constant 0 : i32
    %add3A_22 = arith.addi %mul3A_20, %add3A_21 : i32
    %broadcast_in_dim3A_23 = vector.broadcast %add3A_22 : i32 to vector<16xi32>
    "tpu.region"() ({
      %run_scoped3A = tpu.sem_alloc : memref<!tpu.dma_semaphore, #tpu.memory_space<semaphore_mem>>
      tpu.enqueue_dma source(%arg4 : memref<32x2048xf32, #tpu.memory_space<hbm>>) target(%arg10 : memref<32x2048xf32, #tpu.memory_space<vmem>>) target_semaphore(%run_scoped3A : memref<!tpu.dma_semaphore, #tpu.memory_space<semaphore_mem>>)
      tpu.wait_dma2 semaphore(%run_scoped3A : memref<!tpu.dma_semaphore, #tpu.memory_space<semaphore_mem>>) src(%arg4 : memref<32x2048xf32, #tpu.memory_space<hbm>>) dst(%arg10 : memref<32x2048xf32, #tpu.memory_space<vmem>>)
      tpu.yield
    }) : () -> ()
    %dma_start3A_24 = arith.constant 64 : i32
    %dma_start3A_25 = arith.constant 0 : i32
    %dma_start3A_26 = tpu.memref_slice %arg2[%dma_start3A_24, %dma_start3A_25] : memref<256x128xi32, #tpu.memory_space<hbm>> -> memref<64x128xi32, #tpu.memory_space<hbm>>
    %dma_start3A_27 = arith.constant 64 : i32
    %dma_start3A_28 = arith.constant 0 : i32
    %dma_start3A_29 = tpu.memref_slice %arg2[%dma_start3A_27, %dma_start3A_28] : memref<256x128xi32, #tpu.memory_space<hbm>> -> memref<64x128xi32, #tpu.memory_space<hbm>>
    tpu.enqueue_dma source(%dma_start3A_29 : memref<64x128xi32, #tpu.memory_space<hbm>>) target(%arg8 : memref<64x128xi32, #tpu.memory_space<vmem>>) target_semaphore(%arg13 : memref<!tpu.dma_semaphore, #tpu.memory_space<semaphore_mem>>)
    %dma_start3A_30 = arith.constant 64 : i32
    %dma_start3A_31 = arith.constant 0 : i32
    %dma_start3A_32 = tpu.memref_slice %arg3[%dma_start3A_30, %dma_start3A_31] : memref<256x128xi32, #tpu.memory_space<hbm>> -> memref<64x128xi32, #tpu.memory_space<hbm>>
    %dma_start3A_33 = arith.constant 64 : i32
    %dma_start3A_34 = arith.constant 0 : i32
    %dma_start3A_35 = tpu.memref_slice %arg3[%dma_start3A_33, %dma_start3A_34] : memref<256x128xi32, #tpu.memory_space<hbm>> -> memref<64x128xi32, #tpu.memory_space<hbm>>
    tpu.enqueue_dma source(%dma_start3A_35 : memref<64x128xi32, #tpu.memory_space<hbm>>) target(%arg9 : memref<64x128xi32, #tpu.memory_space<vmem>>) target_semaphore(%arg14 : memref<!tpu.dma_semaphore, #tpu.memory_space<semaphore_mem>>)
    %dma_wait3A = arith.constant 0 : i32
    %dma_wait3A_36 = arith.constant 0 : i32
    %dma_wait3A_37 = tpu.memref_slice %arg2[%dma_wait3A, %dma_wait3A_36] : memref<256x128xi32, #tpu.memory_space<hbm>> -> memref<64x128xi32, #tpu.memory_space<hbm>>
    %dma_wait3A_38 = arith.constant 0 : i32
    %dma_wait3A_39 = arith.constant 0 : i32
    %dma_wait3A_40 = tpu.memref_slice %arg2[%dma_wait3A_38, %dma_wait3A_39] : memref<256x128xi32, #tpu.memory_space<hbm>> -> memref<64x128xi32, #tpu.memory_space<hbm>>
    tpu.wait_dma2 semaphore(%arg11 : memref<!tpu.dma_semaphore, #tpu.memory_space<semaphore_mem>>) src(%dma_wait3A_40 : memref<64x128xi32, #tpu.memory_space<hbm>>) dst(%arg6 : memref<64x128xi32, #tpu.memory_space<vmem>>)
    %dma_wait3A_41 = arith.constant 0 : i32
    %dma_wait3A_42 = arith.constant 0 : i32
    %dma_wait3A_43 = tpu.memref_slice %arg3[%dma_wait3A_41, %dma_wait3A_42] : memref<256x128xi32, #tpu.memory_space<hbm>> -> memref<64x128xi32, #tpu.memory_space<hbm>>
    %dma_wait3A_44 = arith.constant 0 : i32
    %dma_wait3A_45 = arith.constant 0 : i32
    %dma_wait3A_46 = tpu.memref_slice %arg3[%dma_wait3A_44, %dma_wait3A_45] : memref<256x128xi32, #tpu.memory_space<hbm>> -> memref<64x128xi32, #tpu.memory_space<hbm>>
    tpu.wait_dma2 semaphore(%arg12 : memref<!tpu.dma_semaphore, #tpu.memory_space<semaphore_mem>>) src(%dma_wait3A_46 : memref<64x128xi32, #tpu.memory_space<hbm>>) dst(%arg7 : memref<64x128xi32, #tpu.memory_space<vmem>>)
    %scan3A = arith.constant 0 : i32
    %scan3A_47 = arith.constant 0 : i32
    %scan3A_48 = arith.constant 64 : i32
    %scan3A_49 = arith.addi %scan3A_47, %scan3A_48 : i32
    %scan3A_50 = arith.constant 1 : i32
    scf.for %scan3A_255 = %scan3A_47 to %scan3A_49 step %scan3A_50  : i32 {
      %get3A = arith.index_cast %scan3A_255 : i32 to index
      %get3A_256 = arith.constant 0 : index
      %get3A_257 = tpu.vector_load %arg6[%get3A, %get3A_256] {strides = array<i32>} : memref<64x128xi32, #tpu.memory_space<vmem>>, vector<16xi32>,
      %get3A_258 = arith.index_cast %scan3A_255 : i32 to index
      %get3A_259 = arith.constant 0 : index
      %get3A_260 = tpu.vector_load %arg7[%get3A_258, %get3A_259] {strides = array<i32>} : memref<64x128xi32, #tpu.memory_space<vmem>>, vector<16xi32>,
      %sub3A = arith.subi %get3A_260, %broadcast_in_dim3A_23 : vector<16xi32>
      %bitcast3A = vector.bitcast %sub3A : vector<16xi32> to vector<16xi32>
      %lt3A = arith.cmpi ult, %bitcast3A, %broadcast_in_dim3A_7 : vector<16xi32>
      %select_n3A = arith.select %lt3A, %sub3A, %broadcast_in_dim3A_5 : vector<16xi1>, vector<16xi32>
      %select_n3A_261 = arith.select %lt3A, %broadcast_in_dim3A_1, %broadcast_in_dim3A_3 : vector<16xi1>, vector<16xf32>
      tpu.vector_store_idx %arg10[%select_n3A, %get3A_257], %select_n3A_261 {add = true} : memref<32x2048xf32, #tpu.memory_space<vmem>>[vector<16xi32>, vector<16xi32>], vector<16xf32>,
      %get3A_262 = arith.index_cast %scan3A_255 : i32 to index
      %get3A_263 = arith.constant 16 : index
      %get3A_264 = tpu.vector_load %arg6[%get3A_262, %get3A_263] {strides = array<i32>} : memref<64x128xi32, #tpu.memory_space<vmem>>, vector<16xi32>,
      %get3A_265 = arith.index_cast %scan3A_255 : i32 to index
      %get3A_266 = arith.constant 16 : index
      %get3A_267 = tpu.vector_load %arg7[%get3A_265, %get3A_266] {strides = array<i32>} : memref<64x128xi32, #tpu.memory_space<vmem>>, vector<16xi32>,
      %sub3A_268 = arith.subi %get3A_267, %broadcast_in_dim3A_23 : vector<16xi32>
      %bitcast3A_269 = vector.bitcast %sub3A_268 : vector<16xi32> to vector<16xi32>
      %lt3A_270 = arith.cmpi ult, %bitcast3A_269, %broadcast_in_dim3A_7 : vector<16xi32>
      %select_n3A_271 = arith.select %lt3A_270, %sub3A_268, %broadcast_in_dim3A_5 : vector<16xi1>, vector<16xi32>
      %select_n3A_272 = arith.select %lt3A_270, %broadcast_in_dim3A_1, %broadcast_in_dim3A_3 : vector<16xi1>, vector<16xf32>
      tpu.vector_store_idx %arg10[%select_n3A_271, %get3A_264], %select_n3A_272 {add = true} : memref<32x2048xf32, #tpu.memory_space<vmem>>[vector<16xi32>, vector<16xi32>], vector<16xf32>,
      %get3A_273 = arith.index_cast %scan3A_255 : i32 to index
      %get3A_274 = arith.constant 32 : index
      %get3A_275 = tpu.vector_load %arg6[%get3A_273, %get3A_274] {strides = array<i32>} : memref<64x128xi32, #tpu.memory_space<vmem>>, vector<16xi32>,
      %get3A_276 = arith.index_cast %scan3A_255 : i32 to index
      %get3A_277 = arith.constant 32 : index
      %get3A_278 = tpu.vector_load %arg7[%get3A_276, %get3A_277] {strides = array<i32>} : memref<64x128xi32, #tpu.memory_space<vmem>>, vector<16xi32>,
      %sub3A_279 = arith.subi %get3A_278, %broadcast_in_dim3A_23 : vector<16xi32>
      %bitcast3A_280 = vector.bitcast %sub3A_279 : vector<16xi32> to vector<16xi32>
      %lt3A_281 = arith.cmpi ult, %bitcast3A_280, %broadcast_in_dim3A_7 : vector<16xi32>
      %select_n3A_282 = arith.select %lt3A_281, %sub3A_279, %broadcast_in_dim3A_5 : vector<16xi1>, vector<16xi32>
      %select_n3A_283 = arith.select %lt3A_281, %broadcast_in_dim3A_1, %broadcast_in_dim3A_3 : vector<16xi1>, vector<16xf32>
      tpu.vector_store_idx %arg10[%select_n3A_282, %get3A_275], %select_n3A_283 {add = true} : memref<32x2048xf32, #tpu.memory_space<vmem>>[vector<16xi32>, vector<16xi32>], vector<16xf32>,
      %get3A_284 = arith.index_cast %scan3A_255 : i32 to index
      %get3A_285 = arith.constant 48 : index
      %get3A_286 = tpu.vector_load %arg6[%get3A_284, %get3A_285] {strides = array<i32>} : memref<64x128xi32, #tpu.memory_space<vmem>>, vector<16xi32>,
      %get3A_287 = arith.index_cast %scan3A_255 : i32 to index
      %get3A_288 = arith.constant 48 : index
      %get3A_289 = tpu.vector_load %arg7[%get3A_287, %get3A_288] {strides = array<i32>} : memref<64x128xi32, #tpu.memory_space<vmem>>, vector<16xi32>,
      %sub3A_290 = arith.subi %get3A_289, %broadcast_in_dim3A_23 : vector<16xi32>
      %bitcast3A_291 = vector.bitcast %sub3A_290 : vector<16xi32> to vector<16xi32>
      %lt3A_292 = arith.cmpi ult, %bitcast3A_291, %broadcast_in_dim3A_7 : vector<16xi32>
      %select_n3A_293 = arith.select %lt3A_292, %sub3A_290, %broadcast_in_dim3A_5 : vector<16xi1>, vector<16xi32>
      %select_n3A_294 = arith.select %lt3A_292, %broadcast_in_dim3A_1, %broadcast_in_dim3A_3 : vector<16xi1>, vector<16xf32>
      tpu.vector_store_idx %arg10[%select_n3A_293, %get3A_286], %select_n3A_294 {add = true} : memref<32x2048xf32, #tpu.memory_space<vmem>>[vector<16xi32>, vector<16xi32>], vector<16xf32>,
      %get3A_295 = arith.index_cast %scan3A_255 : i32 to index
      %get3A_296 = arith.constant 64 : index
      %get3A_297 = tpu.vector_load %arg6[%get3A_295, %get3A_296] {strides = array<i32>} : memref<64x128xi32, #tpu.memory_space<vmem>>, vector<16xi32>,
      %get3A_298 = arith.index_cast %scan3A_255 : i32 to index
      %get3A_299 = arith.constant 64 : index
      %get3A_300 = tpu.vector_load %arg7[%get3A_298, %get3A_299] {strides = array<i32>} : memref<64x128xi32, #tpu.memory_space<vmem>>, vector<16xi32>,
      %sub3A_301 = arith.subi %get3A_300, %broadcast_in_dim3A_23 : vector<16xi32>
      %bitcast3A_302 = vector.bitcast %sub3A_301 : vector<16xi32> to vector<16xi32>
      %lt3A_303 = arith.cmpi ult, %bitcast3A_302, %broadcast_in_dim3A_7 : vector<16xi32>
      %select_n3A_304 = arith.select %lt3A_303, %sub3A_301, %broadcast_in_dim3A_5 : vector<16xi1>, vector<16xi32>
      %select_n3A_305 = arith.select %lt3A_303, %broadcast_in_dim3A_1, %broadcast_in_dim3A_3 : vector<16xi1>, vector<16xf32>
      tpu.vector_store_idx %arg10[%select_n3A_304, %get3A_297], %select_n3A_305 {add = true} : memref<32x2048xf32, #tpu.memory_space<vmem>>[vector<16xi32>, vector<16xi32>], vector<16xf32>,
      %get3A_306 = arith.index_cast %scan3A_255 : i32 to index
      %get3A_307 = arith.constant 80 : index
      %get3A_308 = tpu.vector_load %arg6[%get3A_306, %get3A_307] {strides = array<i32>} : memref<64x128xi32, #tpu.memory_space<vmem>>, vector<16xi32>,
      %get3A_309 = arith.index_cast %scan3A_255 : i32 to index
      %get3A_310 = arith.constant 80 : index
      %get3A_311 = tpu.vector_load %arg7[%get3A_309, %get3A_310] {strides = array<i32>} : memref<64x128xi32, #tpu.memory_space<vmem>>, vector<16xi32>,
      %sub3A_312 = arith.subi %get3A_311, %broadcast_in_dim3A_23 : vector<16xi32>
      %bitcast3A_313 = vector.bitcast %sub3A_312 : vector<16xi32> to vector<16xi32>
      %lt3A_314 = arith.cmpi ult, %bitcast3A_313, %broadcast_in_dim3A_7 : vector<16xi32>
      %select_n3A_315 = arith.select %lt3A_314, %sub3A_312, %broadcast_in_dim3A_5 : vector<16xi1>, vector<16xi32>
      %select_n3A_316 = arith.select %lt3A_314, %broadcast_in_dim3A_1, %broadcast_in_dim3A_3 : vector<16xi1>, vector<16xf32>
      tpu.vector_store_idx %arg10[%select_n3A_315, %get3A_308], %select_n3A_316 {add = true} : memref<32x2048xf32, #tpu.memory_space<vmem>>[vector<16xi32>, vector<16xi32>], vector<16xf32>,
      %get3A_317 = arith.index_cast %scan3A_255 : i32 to index
      %get3A_318 = arith.constant 96 : index
      %get3A_319 = tpu.vector_load %arg6[%get3A_317, %get3A_318] {strides = array<i32>} : memref<64x128xi32, #tpu.memory_space<vmem>>, vector<16xi32>,
      %get3A_320 = arith.index_cast %scan3A_255 : i32 to index
      %get3A_321 = arith.constant 96 : index
      %get3A_322 = tpu.vector_load %arg7[%get3A_320, %get3A_321] {strides = array<i32>} : memref<64x128xi32, #tpu.memory_space<vmem>>, vector<16xi32>,
      %sub3A_323 = arith.subi %get3A_322, %broadcast_in_dim3A_23 : vector<16xi32>
      %bitcast3A_324 = vector.bitcast %sub3A_323 : vector<16xi32> to vector<16xi32>
      %lt3A_325 = arith.cmpi ult, %bitcast3A_324, %broadcast_in_dim3A_7 : vector<16xi32>
      %select_n3A_326 = arith.select %lt3A_325, %sub3A_323, %broadcast_in_dim3A_5 : vector<16xi1>, vector<16xi32>
      %select_n3A_327 = arith.select %lt3A_325, %broadcast_in_dim3A_1, %broadcast_in_dim3A_3 : vector<16xi1>, vector<16xf32>
      tpu.vector_store_idx %arg10[%select_n3A_326, %get3A_319], %select_n3A_327 {add = true} : memref<32x2048xf32, #tpu.memory_space<vmem>>[vector<16xi32>, vector<16xi32>], vector<16xf32>,
      %get3A_328 = arith.index_cast %scan3A_255 : i32 to index
      %get3A_329 = arith.constant 112 : index
      %get3A_330 = tpu.vector_load %arg6[%get3A_328, %get3A_329] {strides = array<i32>} : memref<64x128xi32, #tpu.memory_space<vmem>>, vector<16xi32>,
      %get3A_331 = arith.index_cast %scan3A_255 : i32 to index
      %get3A_332 = arith.constant 112 : index
      %get3A_333 = tpu.vector_load %arg7[%get3A_331, %get3A_332] {strides = array<i32>} : memref<64x128xi32, #tpu.memory_space<vmem>>, vector<16xi32>,
      %sub3A_334 = arith.subi %get3A_333, %broadcast_in_dim3A_23 : vector<16xi32>
      %bitcast3A_335 = vector.bitcast %sub3A_334 : vector<16xi32> to vector<16xi32>
      %lt3A_336 = arith.cmpi ult, %bitcast3A_335, %broadcast_in_dim3A_7 : vector<16xi32>
      %select_n3A_337 = arith.select %lt3A_336, %sub3A_334, %broadcast_in_dim3A_5 : vector<16xi1>, vector<16xi32>
      %select_n3A_338 = arith.select %lt3A_336, %broadcast_in_dim3A_1, %broadcast_in_dim3A_3 : vector<16xi1>, vector<16xf32>
      tpu.vector_store_idx %arg10[%select_n3A_337, %get3A_330], %select_n3A_338 {add = true} : memref<32x2048xf32, #tpu.memory_space<vmem>>[vector<16xi32>, vector<16xi32>], vector<16xf32>,
    }
    %scan3A_51 = arith.constant 64 : i32
    %dma_start3A_52 = arith.constant 128 : i32
    %dma_start3A_53 = arith.constant 0 : i32
    %dma_start3A_54 = tpu.memref_slice %arg2[%dma_start3A_52, %dma_start3A_53] : memref<256x128xi32, #tpu.memory_space<hbm>> -> memref<64x128xi32, #tpu.memory_space<hbm>>
    %dma_start3A_55 = arith.constant 128 : i32
    %dma_start3A_56 = arith.constant 0 : i32
    %dma_start3A_57 = tpu.memref_slice %arg2[%dma_start3A_55, %dma_start3A_56] : memref<256x128xi32, #tpu.memory_space<hbm>> -> memref<64x128xi32, #tpu.memory_space<hbm>>
    tpu.enqueue_dma source(%dma_start3A_57 : memref<64x128xi32, #tpu.memory_space<hbm>>) target(%arg6 : memref<64x128xi32, #tpu.memory_space<vmem>>) target_semaphore(%arg11 : memref<!tpu.dma_semaphore, #tpu.memory_space<semaphore_mem>>)
    %dma_start3A_58 = arith.constant 128 : i32
    %dma_start3A_59 = arith.constant 0 : i32
    %dma_start3A_60 = tpu.memref_slice %arg3[%dma_start3A_58, %dma_start3A_59] : memref<256x128xi32, #tpu.memory_space<hbm>> -> memref<64x128xi32, #tpu.memory_space<hbm>>
    %dma_start3A_61 = arith.constant 128 : i32
    %dma_start3A_62 = arith.constant 0 : i32
    %dma_start3A_63 = tpu.memref_slice %arg3[%dma_start3A_61, %dma_start3A_62] : memref<256x128xi32, #tpu.memory_space<hbm>> -> memref<64x128xi32, #tpu.memory_space<hbm>>
    tpu.enqueue_dma source(%dma_start3A_63 : memref<64x128xi32, #tpu.memory_space<hbm>>) target(%arg7 : memref<64x128xi32, #tpu.memory_space<vmem>>) target_semaphore(%arg12 : memref<!tpu.dma_semaphore, #tpu.memory_space<semaphore_mem>>)
    %dma_wait3A_64 = arith.constant 64 : i32
    %dma_wait3A_65 = arith.constant 0 : i32
    %dma_wait3A_66 = tpu.memref_slice %arg2[%dma_wait3A_64, %dma_wait3A_65] : memref<256x128xi32, #tpu.memory_space<hbm>> -> memref<64x128xi32, #tpu.memory_space<hbm>>
    %dma_wait3A_67 = arith.constant 64 : i32
    %dma_wait3A_68 = arith.constant 0 : i32
    %dma_wait3A_69 = tpu.memref_slice %arg2[%dma_wait3A_67, %dma_wait3A_68] : memref<256x128xi32, #tpu.memory_space<hbm>> -> memref<64x128xi32, #tpu.memory_space<hbm>>
    tpu.wait_dma2 semaphore(%arg13 : memref<!tpu.dma_semaphore, #tpu.memory_space<semaphore_mem>>) src(%dma_wait3A_69 : memref<64x128xi32, #tpu.memory_space<hbm>>) dst(%arg8 : memref<64x128xi32, #tpu.memory_space<vmem>>)
    %dma_wait3A_70 = arith.constant 64 : i32
    %dma_wait3A_71 = arith.constant 0 : i32
    %dma_wait3A_72 = tpu.memref_slice %arg3[%dma_wait3A_70, %dma_wait3A_71] : memref<256x128xi32, #tpu.memory_space<hbm>> -> memref<64x128xi32, #tpu.memory_space<hbm>>
    %dma_wait3A_73 = arith.constant 64 : i32
    %dma_wait3A_74 = arith.constant 0 : i32
    %dma_wait3A_75 = tpu.memref_slice %arg3[%dma_wait3A_73, %dma_wait3A_74] : memref<256x128xi32, #tpu.memory_space<hbm>> -> memref<64x128xi32, #tpu.memory_space<hbm>>
    tpu.wait_dma2 semaphore(%arg14 : memref<!tpu.dma_semaphore, #tpu.memory_space<semaphore_mem>>) src(%dma_wait3A_75 : memref<64x128xi32, #tpu.memory_space<hbm>>) dst(%arg9 : memref<64x128xi32, #tpu.memory_space<vmem>>)
    %scan3A_76 = arith.constant 0 : i32
    %scan3A_77 = arith.constant 0 : i32
    %scan3A_78 = arith.constant 64 : i32
    %scan3A_79 = arith.addi %scan3A_77, %scan3A_78 : i32
    %scan3A_80 = arith.constant 1 : i32
    scf.for %scan3A_255 = %scan3A_77 to %scan3A_79 step %scan3A_80  : i32 {
      %get3A = arith.index_cast %scan3A_255 : i32 to index
      %get3A_256 = arith.constant 0 : index
      %get3A_257 = tpu.vector_load %arg8[%get3A, %get3A_256] {strides = array<i32>} : memref<64x128xi32, #tpu.memory_space<vmem>>, vector<16xi32>,
      %get3A_258 = arith.index_cast %scan3A_255 : i32 to index
      %get3A_259 = arith.constant 0 : index
      %get3A_260 = tpu.vector_load %arg9[%get3A_258, %get3A_259] {strides = array<i32>} : memref<64x128xi32, #tpu.memory_space<vmem>>, vector<16xi32>,
      %sub3A = arith.subi %get3A_260, %broadcast_in_dim3A_23 : vector<16xi32>
      %bitcast3A = vector.bitcast %sub3A : vector<16xi32> to vector<16xi32>
      %lt3A = arith.cmpi ult, %bitcast3A, %broadcast_in_dim3A_7 : vector<16xi32>
      %select_n3A = arith.select %lt3A, %sub3A, %broadcast_in_dim3A_5 : vector<16xi1>, vector<16xi32>
      %select_n3A_261 = arith.select %lt3A, %broadcast_in_dim3A_1, %broadcast_in_dim3A_3 : vector<16xi1>, vector<16xf32>
      tpu.vector_store_idx %arg10[%select_n3A, %get3A_257], %select_n3A_261 {add = true} : memref<32x2048xf32, #tpu.memory_space<vmem>>[vector<16xi32>, vector<16xi32>], vector<16xf32>,
      %get3A_262 = arith.index_cast %scan3A_255 : i32 to index
      %get3A_263 = arith.constant 16 : index
      %get3A_264 = tpu.vector_load %arg8[%get3A_262, %get3A_263] {strides = array<i32>} : memref<64x128xi32, #tpu.memory_space<vmem>>, vector<16xi32>,
      %get3A_265 = arith.index_cast %scan3A_255 : i32 to index
      %get3A_266 = arith.constant 16 : index
      %get3A_267 = tpu.vector_load %arg9[%get3A_265, %get3A_266] {strides = array<i32>} : memref<64x128xi32, #tpu.memory_space<vmem>>, vector<16xi32>,
      %sub3A_268 = arith.subi %get3A_267, %broadcast_in_dim3A_23 : vector<16xi32>
      %bitcast3A_269 = vector.bitcast %sub3A_268 : vector<16xi32> to vector<16xi32>
      %lt3A_270 = arith.cmpi ult, %bitcast3A_269, %broadcast_in_dim3A_7 : vector<16xi32>
      %select_n3A_271 = arith.select %lt3A_270, %sub3A_268, %broadcast_in_dim3A_5 : vector<16xi1>, vector<16xi32>
      %select_n3A_272 = arith.select %lt3A_270, %broadcast_in_dim3A_1, %broadcast_in_dim3A_3 : vector<16xi1>, vector<16xf32>
      tpu.vector_store_idx %arg10[%select_n3A_271, %get3A_264], %select_n3A_272 {add = true} : memref<32x2048xf32, #tpu.memory_space<vmem>>[vector<16xi32>, vector<16xi32>], vector<16xf32>,
      %get3A_273 = arith.index_cast %scan3A_255 : i32 to index
      %get3A_274 = arith.constant 32 : index
      %get3A_275 = tpu.vector_load %arg8[%get3A_273, %get3A_274] {strides = array<i32>} : memref<64x128xi32, #tpu.memory_space<vmem>>, vector<16xi32>,
      %get3A_276 = arith.index_cast %scan3A_255 : i32 to index
      %get3A_277 = arith.constant 32 : index
      %get3A_278 = tpu.vector_load %arg9[%get3A_276, %get3A_277] {strides = array<i32>} : memref<64x128xi32, #tpu.memory_space<vmem>>, vector<16xi32>,
      %sub3A_279 = arith.subi %get3A_278, %broadcast_in_dim3A_23 : vector<16xi32>
      %bitcast3A_280 = vector.bitcast %sub3A_279 : vector<16xi32> to vector<16xi32>
      %lt3A_281 = arith.cmpi ult, %bitcast3A_280, %broadcast_in_dim3A_7 : vector<16xi32>
      %select_n3A_282 = arith.select %lt3A_281, %sub3A_279, %broadcast_in_dim3A_5 : vector<16xi1>, vector<16xi32>
      %select_n3A_283 = arith.select %lt3A_281, %broadcast_in_dim3A_1, %broadcast_in_dim3A_3 : vector<16xi1>, vector<16xf32>
      tpu.vector_store_idx %arg10[%select_n3A_282, %get3A_275], %select_n3A_283 {add = true} : memref<32x2048xf32, #tpu.memory_space<vmem>>[vector<16xi32>, vector<16xi32>], vector<16xf32>,
      %get3A_284 = arith.index_cast %scan3A_255 : i32 to index
      %get3A_285 = arith.constant 48 : index
      %get3A_286 = tpu.vector_load %arg8[%get3A_284, %get3A_285] {strides = array<i32>} : memref<64x128xi32, #tpu.memory_space<vmem>>, vector<16xi32>,
      %get3A_287 = arith.index_cast %scan3A_255 : i32 to index
      %get3A_288 = arith.constant 48 : index
      %get3A_289 = tpu.vector_load %arg9[%get3A_287, %get3A_288] {strides = array<i32>} : memref<64x128xi32, #tpu.memory_space<vmem>>, vector<16xi32>,
      %sub3A_290 = arith.subi %get3A_289, %broadcast_in_dim3A_23 : vector<16xi32>
      %bitcast3A_291 = vector.bitcast %sub3A_290 : vector<16xi32> to vector<16xi32>
      %lt3A_292 = arith.cmpi ult, %bitcast3A_291, %broadcast_in_dim3A_7 : vector<16xi32>
      %select_n3A_293 = arith.select %lt3A_292, %sub3A_290, %broadcast_in_dim3A_5 : vector<16xi1>, vector<16xi32>
      %select_n3A_294 = arith.select %lt3A_292, %broadcast_in_dim3A_1, %broadcast_in_dim3A_3 : vector<16xi1>, vector<16xf32>
      tpu.vector_store_idx %arg10[%select_n3A_293, %get3A_286], %select_n3A_294 {add = true} : memref<32x2048xf32, #tpu.memory_space<vmem>>[vector<16xi32>, vector<16xi32>], vector<16xf32>,
      %get3A_295 = arith.index_cast %scan3A_255 : i32 to index
      %get3A_296 = arith.constant 64 : index
      %get3A_297 = tpu.vector_load %arg8[%get3A_295, %get3A_296] {strides = array<i32>} : memref<64x128xi32, #tpu.memory_space<vmem>>, vector<16xi32>,
      %get3A_298 = arith.index_cast %scan3A_255 : i32 to index
      %get3A_299 = arith.constant 64 : index
      %get3A_300 = tpu.vector_load %arg9[%get3A_298, %get3A_299] {strides = array<i32>} : memref<64x128xi32, #tpu.memory_space<vmem>>, vector<16xi32>,
      %sub3A_301 = arith.subi %get3A_300, %broadcast_in_dim3A_23 : vector<16xi32>
      %bitcast3A_302 = vector.bitcast %sub3A_301 : vector<16xi32> to vector<16xi32>
      %lt3A_303 = arith.cmpi ult, %bitcast3A_302, %broadcast_in_dim3A_7 : vector<16xi32>
      %select_n3A_304 = arith.select %lt3A_303, %sub3A_301, %broadcast_in_dim3A_5 : vector<16xi1>, vector<16xi32>
      %select_n3A_305 = arith.select %lt3A_303, %broadcast_in_dim3A_1, %broadcast_in_dim3A_3 : vector<16xi1>, vector<16xf32>
      tpu.vector_store_idx %arg10[%select_n3A_304, %get3A_297], %select_n3A_305 {add = true} : memref<32x2048xf32, #tpu.memory_space<vmem>>[vector<16xi32>, vector<16xi32>], vector<16xf32>,
      %get3A_306 = arith.index_cast %scan3A_255 : i32 to index
      %get3A_307 = arith.constant 80 : index
      %get3A_308 = tpu.vector_load %arg8[%get3A_306, %get3A_307] {strides = array<i32>} : memref<64x128xi32, #tpu.memory_space<vmem>>, vector<16xi32>,
      %get3A_309 = arith.index_cast %scan3A_255 : i32 to index
      %get3A_310 = arith.constant 80 : index
      %get3A_311 = tpu.vector_load %arg9[%get3A_309, %get3A_310] {strides = array<i32>} : memref<64x128xi32, #tpu.memory_space<vmem>>, vector<16xi32>,
      %sub3A_312 = arith.subi %get3A_311, %broadcast_in_dim3A_23 : vector<16xi32>
      %bitcast3A_313 = vector.bitcast %sub3A_312 : vector<16xi32> to vector<16xi32>
      %lt3A_314 = arith.cmpi ult, %bitcast3A_313, %broadcast_in_dim3A_7 : vector<16xi32>
      %select_n3A_315 = arith.select %lt3A_314, %sub3A_312, %broadcast_in_dim3A_5 : vector<16xi1>, vector<16xi32>
      %select_n3A_316 = arith.select %lt3A_314, %broadcast_in_dim3A_1, %broadcast_in_dim3A_3 : vector<16xi1>, vector<16xf32>
      tpu.vector_store_idx %arg10[%select_n3A_315, %get3A_308], %select_n3A_316 {add = true} : memref<32x2048xf32, #tpu.memory_space<vmem>>[vector<16xi32>, vector<16xi32>], vector<16xf32>,
      %get3A_317 = arith.index_cast %scan3A_255 : i32 to index
      %get3A_318 = arith.constant 96 : index
      %get3A_319 = tpu.vector_load %arg8[%get3A_317, %get3A_318] {strides = array<i32>} : memref<64x128xi32, #tpu.memory_space<vmem>>, vector<16xi32>,
      %get3A_320 = arith.index_cast %scan3A_255 : i32 to index
      %get3A_321 = arith.constant 96 : index
      %get3A_322 = tpu.vector_load %arg9[%get3A_320, %get3A_321] {strides = array<i32>} : memref<64x128xi32, #tpu.memory_space<vmem>>, vector<16xi32>,
      %sub3A_323 = arith.subi %get3A_322, %broadcast_in_dim3A_23 : vector<16xi32>
      %bitcast3A_324 = vector.bitcast %sub3A_323 : vector<16xi32> to vector<16xi32>
      %lt3A_325 = arith.cmpi ult, %bitcast3A_324, %broadcast_in_dim3A_7 : vector<16xi32>
      %select_n3A_326 = arith.select %lt3A_325, %sub3A_323, %broadcast_in_dim3A_5 : vector<16xi1>, vector<16xi32>
      %select_n3A_327 = arith.select %lt3A_325, %broadcast_in_dim3A_1, %broadcast_in_dim3A_3 : vector<16xi1>, vector<16xf32>
      tpu.vector_store_idx %arg10[%select_n3A_326, %get3A_319], %select_n3A_327 {add = true} : memref<32x2048xf32, #tpu.memory_space<vmem>>[vector<16xi32>, vector<16xi32>], vector<16xf32>,
      %get3A_328 = arith.index_cast %scan3A_255 : i32 to index
      %get3A_329 = arith.constant 112 : index
      %get3A_330 = tpu.vector_load %arg8[%get3A_328, %get3A_329] {strides = array<i32>} : memref<64x128xi32, #tpu.memory_space<vmem>>, vector<16xi32>,
      %get3A_331 = arith.index_cast %scan3A_255 : i32 to index
      %get3A_332 = arith.constant 112 : index
      %get3A_333 = tpu.vector_load %arg9[%get3A_331, %get3A_332] {strides = array<i32>} : memref<64x128xi32, #tpu.memory_space<vmem>>, vector<16xi32>,
      %sub3A_334 = arith.subi %get3A_333, %broadcast_in_dim3A_23 : vector<16xi32>
      %bitcast3A_335 = vector.bitcast %sub3A_334 : vector<16xi32> to vector<16xi32>
      %lt3A_336 = arith.cmpi ult, %bitcast3A_335, %broadcast_in_dim3A_7 : vector<16xi32>
      %select_n3A_337 = arith.select %lt3A_336, %sub3A_334, %broadcast_in_dim3A_5 : vector<16xi1>, vector<16xi32>
      %select_n3A_338 = arith.select %lt3A_336, %broadcast_in_dim3A_1, %broadcast_in_dim3A_3 : vector<16xi1>, vector<16xf32>
      tpu.vector_store_idx %arg10[%select_n3A_337, %get3A_330], %select_n3A_338 {add = true} : memref<32x2048xf32, #tpu.memory_space<vmem>>[vector<16xi32>, vector<16xi32>], vector<16xf32>,
    }
    %scan3A_81 = arith.constant 64 : i32
    %dma_start3A_82 = arith.constant 192 : i32
    %dma_start3A_83 = arith.constant 0 : i32
    %dma_start3A_84 = tpu.memref_slice %arg2[%dma_start3A_82, %dma_start3A_83] : memref<256x128xi32, #tpu.memory_space<hbm>> -> memref<64x128xi32, #tpu.memory_space<hbm>>
    %dma_start3A_85 = arith.constant 192 : i32
    %dma_start3A_86 = arith.constant 0 : i32
    %dma_start3A_87 = tpu.memref_slice %arg2[%dma_start3A_85, %dma_start3A_86] : memref<256x128xi32, #tpu.memory_space<hbm>> -> memref<64x128xi32, #tpu.memory_space<hbm>>
    tpu.enqueue_dma source(%dma_start3A_87 : memref<64x128xi32, #tpu.memory_space<hbm>>) target(%arg8 : memref<64x128xi32, #tpu.memory_space<vmem>>) target_semaphore(%arg13 : memref<!tpu.dma_semaphore, #tpu.memory_space<semaphore_mem>>)
    %dma_start3A_88 = arith.constant 192 : i32
    %dma_start3A_89 = arith.constant 0 : i32
    %dma_start3A_90 = tpu.memref_slice %arg3[%dma_start3A_88, %dma_start3A_89] : memref<256x128xi32, #tpu.memory_space<hbm>> -> memref<64x128xi32, #tpu.memory_space<hbm>>
    %dma_start3A_91 = arith.constant 192 : i32
    %dma_start3A_92 = arith.constant 0 : i32
    %dma_start3A_93 = tpu.memref_slice %arg3[%dma_start3A_91, %dma_start3A_92] : memref<256x128xi32, #tpu.memory_space<hbm>> -> memref<64x128xi32, #tpu.memory_space<hbm>>
    tpu.enqueue_dma source(%dma_start3A_93 : memref<64x128xi32, #tpu.memory_space<hbm>>) target(%arg9 : memref<64x128xi32, #tpu.memory_space<vmem>>) target_semaphore(%arg14 : memref<!tpu.dma_semaphore, #tpu.memory_space<semaphore_mem>>)
    %dma_wait3A_94 = arith.constant 128 : i32
    %dma_wait3A_95 = arith.constant 0 : i32
    %dma_wait3A_96 = tpu.memref_slice %arg2[%dma_wait3A_94, %dma_wait3A_95] : memref<256x128xi32, #tpu.memory_space<hbm>> -> memref<64x128xi32, #tpu.memory_space<hbm>>
    %dma_wait3A_97 = arith.constant 128 : i32
    %dma_wait3A_98 = arith.constant 0 : i32
    %dma_wait3A_99 = tpu.memref_slice %arg2[%dma_wait3A_97, %dma_wait3A_98] : memref<256x128xi32, #tpu.memory_space<hbm>> -> memref<64x128xi32, #tpu.memory_space<hbm>>
    tpu.wait_dma2 semaphore(%arg11 : memref<!tpu.dma_semaphore, #tpu.memory_space<semaphore_mem>>) src(%dma_wait3A_99 : memref<64x128xi32, #tpu.memory_space<hbm>>) dst(%arg6 : memref<64x128xi32, #tpu.memory_space<vmem>>)
    %dma_wait3A_100 = arith.constant 128 : i32
    %dma_wait3A_101 = arith.constant 0 : i32
    %dma_wait3A_102 = tpu.memref_slice %arg3[%dma_wait3A_100, %dma_wait3A_101] : memref<256x128xi32, #tpu.memory_space<hbm>> -> memref<64x128xi32, #tpu.memory_space<hbm>>
    %dma_wait3A_103 = arith.constant 128 : i32
    %dma_wait3A_104 = arith.constant 0 : i32
    %dma_wait3A_105 = tpu.memref_slice %arg3[%dma_wait3A_103, %dma_wait3A_104] : memref<256x128xi32, #tpu.memory_space<hbm>> -> memref<64x128xi32, #tpu.memory_space<hbm>>
    tpu.wait_dma2 semaphore(%arg12 : memref<!tpu.dma_semaphore, #tpu.memory_space<semaphore_mem>>) src(%dma_wait3A_105 : memref<64x128xi32, #tpu.memory_space<hbm>>) dst(%arg7 : memref<64x128xi32, #tpu.memory_space<vmem>>)
    %scan3A_106 = arith.constant 0 : i32
    %scan3A_107 = arith.constant 0 : i32
    %scan3A_108 = arith.constant 64 : i32
    %scan3A_109 = arith.addi %scan3A_107, %scan3A_108 : i32
    %scan3A_110 = arith.constant 1 : i32
    scf.for %scan3A_255 = %scan3A_107 to %scan3A_109 step %scan3A_110  : i32 {
      %get3A = arith.index_cast %scan3A_255 : i32 to index
      %get3A_256 = arith.constant 0 : index
      %get3A_257 = tpu.vector_load %arg6[%get3A, %get3A_256] {strides = array<i32>} : memref<64x128xi32, #tpu.memory_space<vmem>>, vector<16xi32>,
      %get3A_258 = arith.index_cast %scan3A_255 : i32 to index
      %get3A_259 = arith.constant 0 : index
      %get3A_260 = tpu.vector_load %arg7[%get3A_258, %get3A_259] {strides = array<i32>} : memref<64x128xi32, #tpu.memory_space<vmem>>, vector<16xi32>,
      %sub3A = arith.subi %get3A_260, %broadcast_in_dim3A_23 : vector<16xi32>
      %bitcast3A = vector.bitcast %sub3A : vector<16xi32> to vector<16xi32>
      %lt3A = arith.cmpi ult, %bitcast3A, %broadcast_in_dim3A_7 : vector<16xi32>
      %select_n3A = arith.select %lt3A, %sub3A, %broadcast_in_dim3A_5 : vector<16xi1>, vector<16xi32>
      %select_n3A_261 = arith.select %lt3A, %broadcast_in_dim3A_1, %broadcast_in_dim3A_3 : vector<16xi1>, vector<16xf32>
      tpu.vector_store_idx %arg10[%select_n3A, %get3A_257], %select_n3A_261 {add = true} : memref<32x2048xf32, #tpu.memory_space<vmem>>[vector<16xi32>, vector<16xi32>], vector<16xf32>,
      %get3A_262 = arith.index_cast %scan3A_255 : i32 to index
      %get3A_263 = arith.constant 16 : index
      %get3A_264 = tpu.vector_load %arg6[%get3A_262, %get3A_263] {strides = array<i32>} : memref<64x128xi32, #tpu.memory_space<vmem>>, vector<16xi32>,
      %get3A_265 = arith.index_cast %scan3A_255 : i32 to index
      %get3A_266 = arith.constant 16 : index
      %get3A_267 = tpu.vector_load %arg7[%get3A_265, %get3A_266] {strides = array<i32>} : memref<64x128xi32, #tpu.memory_space<vmem>>, vector<16xi32>,
      %sub3A_268 = arith.subi %get3A_267, %broadcast_in_dim3A_23 : vector<16xi32>
      %bitcast3A_269 = vector.bitcast %sub3A_268 : vector<16xi32> to vector<16xi32>
      %lt3A_270 = arith.cmpi ult, %bitcast3A_269, %broadcast_in_dim3A_7 : vector<16xi32>
      %select_n3A_271 = arith.select %lt3A_270, %sub3A_268, %broadcast_in_dim3A_5 : vector<16xi1>, vector<16xi32>
      %select_n3A_272 = arith.select %lt3A_270, %broadcast_in_dim3A_1, %broadcast_in_dim3A_3 : vector<16xi1>, vector<16xf32>
      tpu.vector_store_idx %arg10[%select_n3A_271, %get3A_264], %select_n3A_272 {add = true} : memref<32x2048xf32, #tpu.memory_space<vmem>>[vector<16xi32>, vector<16xi32>], vector<16xf32>,
      %get3A_273 = arith.index_cast %scan3A_255 : i32 to index
      %get3A_274 = arith.constant 32 : index
      %get3A_275 = tpu.vector_load %arg6[%get3A_273, %get3A_274] {strides = array<i32>} : memref<64x128xi32, #tpu.memory_space<vmem>>, vector<16xi32>,
      %get3A_276 = arith.index_cast %scan3A_255 : i32 to index
      %get3A_277 = arith.constant 32 : index
      %get3A_278 = tpu.vector_load %arg7[%get3A_276, %get3A_277] {strides = array<i32>} : memref<64x128xi32, #tpu.memory_space<vmem>>, vector<16xi32>,
      %sub3A_279 = arith.subi %get3A_278, %broadcast_in_dim3A_23 : vector<16xi32>
      %bitcast3A_280 = vector.bitcast %sub3A_279 : vector<16xi32> to vector<16xi32>
      %lt3A_281 = arith.cmpi ult, %bitcast3A_280, %broadcast_in_dim3A_7 : vector<16xi32>
      %select_n3A_282 = arith.select %lt3A_281, %sub3A_279, %broadcast_in_dim3A_5 : vector<16xi1>, vector<16xi32>
      %select_n3A_283 = arith.select %lt3A_281, %broadcast_in_dim3A_1, %broadcast_in_dim3A_3 : vector<16xi1>, vector<16xf32>
      tpu.vector_store_idx %arg10[%select_n3A_282, %get3A_275], %select_n3A_283 {add = true} : memref<32x2048xf32, #tpu.memory_space<vmem>>[vector<16xi32>, vector<16xi32>], vector<16xf32>,
      %get3A_284 = arith.index_cast %scan3A_255 : i32 to index
      %get3A_285 = arith.constant 48 : index
      %get3A_286 = tpu.vector_load %arg6[%get3A_284, %get3A_285] {strides = array<i32>} : memref<64x128xi32, #tpu.memory_space<vmem>>, vector<16xi32>,
      %get3A_287 = arith.index_cast %scan3A_255 : i32 to index
      %get3A_288 = arith.constant 48 : index
      %get3A_289 = tpu.vector_load %arg7[%get3A_287, %get3A_288] {strides = array<i32>} : memref<64x128xi32, #tpu.memory_space<vmem>>, vector<16xi32>,
      %sub3A_290 = arith.subi %get3A_289, %broadcast_in_dim3A_23 : vector<16xi32>
      %bitcast3A_291 = vector.bitcast %sub3A_290 : vector<16xi32> to vector<16xi32>
      %lt3A_292 = arith.cmpi ult, %bitcast3A_291, %broadcast_in_dim3A_7 : vector<16xi32>
      %select_n3A_293 = arith.select %lt3A_292, %sub3A_290, %broadcast_in_dim3A_5 : vector<16xi1>, vector<16xi32>
      %select_n3A_294 = arith.select %lt3A_292, %broadcast_in_dim3A_1, %broadcast_in_dim3A_3 : vector<16xi1>, vector<16xf32>
      tpu.vector_store_idx %arg10[%select_n3A_293, %get3A_286], %select_n3A_294 {add = true} : memref<32x2048xf32, #tpu.memory_space<vmem>>[vector<16xi32>, vector<16xi32>], vector<16xf32>,
      %get3A_295 = arith.index_cast %scan3A_255 : i32 to index
      %get3A_296 = arith.constant 64 : index
      %get3A_297 = tpu.vector_load %arg6[%get3A_295, %get3A_296] {strides = array<i32>} : memref<64x128xi32, #tpu.memory_space<vmem>>, vector<16xi32>,
      %get3A_298 = arith.index_cast %scan3A_255 : i32 to index
      %get3A_299 = arith.constant 64 : index
      %get3A_300 = tpu.vector_load %arg7[%get3A_298, %get3A_299] {strides = array<i32>} : memref<64x128xi32, #tpu.memory_space<vmem>>, vector<16xi32>,
      %sub3A_301 = arith.subi %get3A_300, %broadcast_in_dim3A_23 : vector<16xi32>
      %bitcast3A_302 = vector.bitcast %sub3A_301 : vector<16xi32> to vector<16xi32>
      %lt3A_303 = arith.cmpi ult, %bitcast3A_302, %broadcast_in_dim3A_7 : vector<16xi32>
      %select_n3A_304 = arith.select %lt3A_303, %sub3A_301, %broadcast_in_dim3A_5 : vector<16xi1>, vector<16xi32>
      %select_n3A_305 = arith.select %lt3A_303, %broadcast_in_dim3A_1, %broadcast_in_dim3A_3 : vector<16xi1>, vector<16xf32>
      tpu.vector_store_idx %arg10[%select_n3A_304, %get3A_297], %select_n3A_305 {add = true} : memref<32x2048xf32, #tpu.memory_space<vmem>>[vector<16xi32>, vector<16xi32>], vector<16xf32>,
      %get3A_306 = arith.index_cast %scan3A_255 : i32 to index
      %get3A_307 = arith.constant 80 : index
      %get3A_308 = tpu.vector_load %arg6[%get3A_306, %get3A_307] {strides = array<i32>} : memref<64x128xi32, #tpu.memory_space<vmem>>, vector<16xi32>,
      %get3A_309 = arith.index_cast %scan3A_255 : i32 to index
      %get3A_310 = arith.constant 80 : index
      %get3A_311 = tpu.vector_load %arg7[%get3A_309, %get3A_310] {strides = array<i32>} : memref<64x128xi32, #tpu.memory_space<vmem>>, vector<16xi32>,
      %sub3A_312 = arith.subi %get3A_311, %broadcast_in_dim3A_23 : vector<16xi32>
      %bitcast3A_313 = vector.bitcast %sub3A_312 : vector<16xi32> to vector<16xi32>
      %lt3A_314 = arith.cmpi ult, %bitcast3A_313, %broadcast_in_dim3A_7 : vector<16xi32>
      %select_n3A_315 = arith.select %lt3A_314, %sub3A_312, %broadcast_in_dim3A_5 : vector<16xi1>, vector<16xi32>
      %select_n3A_316 = arith.select %lt3A_314, %broadcast_in_dim3A_1, %broadcast_in_dim3A_3 : vector<16xi1>, vector<16xf32>
      tpu.vector_store_idx %arg10[%select_n3A_315, %get3A_308], %select_n3A_316 {add = true} : memref<32x2048xf32, #tpu.memory_space<vmem>>[vector<16xi32>, vector<16xi32>], vector<16xf32>,
      %get3A_317 = arith.index_cast %scan3A_255 : i32 to index
      %get3A_318 = arith.constant 96 : index
      %get3A_319 = tpu.vector_load %arg6[%get3A_317, %get3A_318] {strides = array<i32>} : memref<64x128xi32, #tpu.memory_space<vmem>>, vector<16xi32>,
      %get3A_320 = arith.index_cast %scan3A_255 : i32 to index
      %get3A_321 = arith.constant 96 : index
      %get3A_322 = tpu.vector_load %arg7[%get3A_320, %get3A_321] {strides = array<i32>} : memref<64x128xi32, #tpu.memory_space<vmem>>, vector<16xi32>,
      %sub3A_323 = arith.subi %get3A_322, %broadcast_in_dim3A_23 : vector<16xi32>
      %bitcast3A_324 = vector.bitcast %sub3A_323 : vector<16xi32> to vector<16xi32>
      %lt3A_325 = arith.cmpi ult, %bitcast3A_324, %broadcast_in_dim3A_7 : vector<16xi32>
      %select_n3A_326 = arith.select %lt3A_325, %sub3A_323, %broadcast_in_dim3A_5 : vector<16xi1>, vector<16xi32>
      %select_n3A_327 = arith.select %lt3A_325, %broadcast_in_dim3A_1, %broadcast_in_dim3A_3 : vector<16xi1>, vector<16xf32>
      tpu.vector_store_idx %arg10[%select_n3A_326, %get3A_319], %select_n3A_327 {add = true} : memref<32x2048xf32, #tpu.memory_space<vmem>>[vector<16xi32>, vector<16xi32>], vector<16xf32>,
      %get3A_328 = arith.index_cast %scan3A_255 : i32 to index
      %get3A_329 = arith.constant 112 : index
      %get3A_330 = tpu.vector_load %arg6[%get3A_328, %get3A_329] {strides = array<i32>} : memref<64x128xi32, #tpu.memory_space<vmem>>, vector<16xi32>,
      %get3A_331 = arith.index_cast %scan3A_255 : i32 to index
      %get3A_332 = arith.constant 112 : index
      %get3A_333 = tpu.vector_load %arg7[%get3A_331, %get3A_332] {strides = array<i32>} : memref<64x128xi32, #tpu.memory_space<vmem>>, vector<16xi32>,
      %sub3A_334 = arith.subi %get3A_333, %broadcast_in_dim3A_23 : vector<16xi32>
      %bitcast3A_335 = vector.bitcast %sub3A_334 : vector<16xi32> to vector<16xi32>
      %lt3A_336 = arith.cmpi ult, %bitcast3A_335, %broadcast_in_dim3A_7 : vector<16xi32>
      %select_n3A_337 = arith.select %lt3A_336, %sub3A_334, %broadcast_in_dim3A_5 : vector<16xi1>, vector<16xi32>
      %select_n3A_338 = arith.select %lt3A_336, %broadcast_in_dim3A_1, %broadcast_in_dim3A_3 : vector<16xi1>, vector<16xf32>
      tpu.vector_store_idx %arg10[%select_n3A_337, %get3A_330], %select_n3A_338 {add = true} : memref<32x2048xf32, #tpu.memory_space<vmem>>[vector<16xi32>, vector<16xi32>], vector<16xf32>,
    }
    %scan3A_111 = arith.constant 64 : i32
    %dma_start3A_112 = arith.constant 0 : i32
    %dma_start3A_113 = arith.constant 0 : i32
    %dma_start3A_114 = tpu.memref_slice %arg2[%dma_start3A_112, %dma_start3A_113] : memref<256x128xi32, #tpu.memory_space<hbm>> -> memref<64x128xi32, #tpu.memory_space<hbm>>
    %dma_start3A_115 = arith.constant 0 : i32
    %dma_start3A_116 = arith.constant 0 : i32
    %dma_start3A_117 = tpu.memref_slice %arg2[%dma_start3A_115, %dma_start3A_116] : memref<256x128xi32, #tpu.memory_space<hbm>> -> memref<64x128xi32, #tpu.memory_space<hbm>>
    tpu.enqueue_dma source(%dma_start3A_117 : memref<64x128xi32, #tpu.memory_space<hbm>>) target(%arg6 : memref<64x128xi32, #tpu.memory_space<vmem>>) target_semaphore(%arg11 : memref<!tpu.dma_semaphore, #tpu.memory_space<semaphore_mem>>)
    %dma_start3A_118 = arith.constant 0 : i32
    %dma_start3A_119 = arith.constant 0 : i32
    %dma_start3A_120 = tpu.memref_slice %arg3[%dma_start3A_118, %dma_start3A_119] : memref<256x128xi32, #tpu.memory_space<hbm>> -> memref<64x128xi32, #tpu.memory_space<hbm>>
    %dma_start3A_121 = arith.constant 0 : i32
    %dma_start3A_122 = arith.constant 0 : i32
    %dma_start3A_123 = tpu.memref_slice %arg3[%dma_start3A_121, %dma_start3A_122] : memref<256x128xi32, #tpu.memory_space<hbm>> -> memref<64x128xi32, #tpu.memory_space<hbm>>
    tpu.enqueue_dma source(%dma_start3A_123 : memref<64x128xi32, #tpu.memory_space<hbm>>) target(%arg7 : memref<64x128xi32, #tpu.memory_space<vmem>>) target_semaphore(%arg12 : memref<!tpu.dma_semaphore, #tpu.memory_space<semaphore_mem>>)
    %dma_wait3A_124 = arith.constant 192 : i32
    %dma_wait3A_125 = arith.constant 0 : i32
    %dma_wait3A_126 = tpu.memref_slice %arg2[%dma_wait3A_124, %dma_wait3A_125] : memref<256x128xi32, #tpu.memory_space<hbm>> -> memref<64x128xi32, #tpu.memory_space<hbm>>
    %dma_wait3A_127 = arith.constant 192 : i32
    %dma_wait3A_128 = arith.constant 0 : i32
    %dma_wait3A_129 = tpu.memref_slice %arg2[%dma_wait3A_127, %dma_wait3A_128] : memref<256x128xi32, #tpu.memory_space<hbm>> -> memref<64x128xi32, #tpu.memory_space<hbm>>
    tpu.wait_dma2 semaphore(%arg13 : memref<!tpu.dma_semaphore, #tpu.memory_space<semaphore_mem>>) src(%dma_wait3A_129 : memref<64x128xi32, #tpu.memory_space<hbm>>) dst(%arg8 : memref<64x128xi32, #tpu.memory_space<vmem>>)
    %dma_wait3A_130 = arith.constant 192 : i32
    %dma_wait3A_131 = arith.constant 0 : i32
    %dma_wait3A_132 = tpu.memref_slice %arg3[%dma_wait3A_130, %dma_wait3A_131] : memref<256x128xi32, #tpu.memory_space<hbm>> -> memref<64x128xi32, #tpu.memory_space<hbm>>
    %dma_wait3A_133 = arith.constant 192 : i32
    %dma_wait3A_134 = arith.constant 0 : i32
    %dma_wait3A_135 = tpu.memref_slice %arg3[%dma_wait3A_133, %dma_wait3A_134] : memref<256x128xi32, #tpu.memory_space<hbm>> -> memref<64x128xi32, #tpu.memory_space<hbm>>
    tpu.wait_dma2 semaphore(%arg14 : memref<!tpu.dma_semaphore, #tpu.memory_space<semaphore_mem>>) src(%dma_wait3A_135 : memref<64x128xi32, #tpu.memory_space<hbm>>) dst(%arg9 : memref<64x128xi32, #tpu.memory_space<vmem>>)
    %scan3A_136 = arith.constant 0 : i32
    %scan3A_137 = arith.constant 0 : i32
    %scan3A_138 = arith.constant 64 : i32
    %scan3A_139 = arith.addi %scan3A_137, %scan3A_138 : i32
    %scan3A_140 = arith.constant 1 : i32
    scf.for %scan3A_255 = %scan3A_137 to %scan3A_139 step %scan3A_140  : i32 {
      %get3A = arith.index_cast %scan3A_255 : i32 to index
      %get3A_256 = arith.constant 0 : index
      %get3A_257 = tpu.vector_load %arg8[%get3A, %get3A_256] {strides = array<i32>} : memref<64x128xi32, #tpu.memory_space<vmem>>, vector<16xi32>,
      %get3A_258 = arith.index_cast %scan3A_255 : i32 to index
      %get3A_259 = arith.constant 0 : index
      %get3A_260 = tpu.vector_load %arg9[%get3A_258, %get3A_259] {strides = array<i32>} : memref<64x128xi32, #tpu.memory_space<vmem>>, vector<16xi32>,
      %sub3A = arith.subi %get3A_260, %broadcast_in_dim3A_23 : vector<16xi32>
      %bitcast3A = vector.bitcast %sub3A : vector<16xi32> to vector<16xi32>
      %lt3A = arith.cmpi ult, %bitcast3A, %broadcast_in_dim3A_7 : vector<16xi32>
      %select_n3A = arith.select %lt3A, %sub3A, %broadcast_in_dim3A_5 : vector<16xi1>, vector<16xi32>
      %select_n3A_261 = arith.select %lt3A, %broadcast_in_dim3A_1, %broadcast_in_dim3A_3 : vector<16xi1>, vector<16xf32>
      tpu.vector_store_idx %arg10[%select_n3A, %get3A_257], %select_n3A_261 {add = true} : memref<32x2048xf32, #tpu.memory_space<vmem>>[vector<16xi32>, vector<16xi32>], vector<16xf32>,
      %get3A_262 = arith.index_cast %scan3A_255 : i32 to index
      %get3A_263 = arith.constant 16 : index
      %get3A_264 = tpu.vector_load %arg8[%get3A_262, %get3A_263] {strides = array<i32>} : memref<64x128xi32, #tpu.memory_space<vmem>>, vector<16xi32>,
      %get3A_265 = arith.index_cast %scan3A_255 : i32 to index
      %get3A_266 = arith.constant 16 : index
      %get3A_267 = tpu.vector_load %arg9[%get3A_265, %get3A_266] {strides = array<i32>} : memref<64x128xi32, #tpu.memory_space<vmem>>, vector<16xi32>,
      %sub3A_268 = arith.subi %get3A_267, %broadcast_in_dim3A_23 : vector<16xi32>
      %bitcast3A_269 = vector.bitcast %sub3A_268 : vector<16xi32> to vector<16xi32>
      %lt3A_270 = arith.cmpi ult, %bitcast3A_269, %broadcast_in_dim3A_7 : vector<16xi32>
      %select_n3A_271 = arith.select %lt3A_270, %sub3A_268, %broadcast_in_dim3A_5 : vector<16xi1>, vector<16xi32>
      %select_n3A_272 = arith.select %lt3A_270, %broadcast_in_dim3A_1, %broadcast_in_dim3A_3 : vector<16xi1>, vector<16xf32>
      tpu.vector_store_idx %arg10[%select_n3A_271, %get3A_264], %select_n3A_272 {add = true} : memref<32x2048xf32, #tpu.memory_space<vmem>>[vector<16xi32>, vector<16xi32>], vector<16xf32>,
      %get3A_273 = arith.index_cast %scan3A_255 : i32 to index
      %get3A_274 = arith.constant 32 : index
      %get3A_275 = tpu.vector_load %arg8[%get3A_273, %get3A_274] {strides = array<i32>} : memref<64x128xi32, #tpu.memory_space<vmem>>, vector<16xi32>,
      %get3A_276 = arith.index_cast %scan3A_255 : i32 to index
      %get3A_277 = arith.constant 32 : index
      %get3A_278 = tpu.vector_load %arg9[%get3A_276, %get3A_277] {strides = array<i32>} : memref<64x128xi32, #tpu.memory_space<vmem>>, vector<16xi32>,
      %sub3A_279 = arith.subi %get3A_278, %broadcast_in_dim3A_23 : vector<16xi32>
      %bitcast3A_280 = vector.bitcast %sub3A_279 : vector<16xi32> to vector<16xi32>
      %lt3A_281 = arith.cmpi ult, %bitcast3A_280, %broadcast_in_dim3A_7 : vector<16xi32>
      %select_n3A_282 = arith.select %lt3A_281, %sub3A_279, %broadcast_in_dim3A_5 : vector<16xi1>, vector<16xi32>
      %select_n3A_283 = arith.select %lt3A_281, %broadcast_in_dim3A_1, %broadcast_in_dim3A_3 : vector<16xi1>, vector<16xf32>
      tpu.vector_store_idx %arg10[%select_n3A_282, %get3A_275], %select_n3A_283 {add = true} : memref<32x2048xf32, #tpu.memory_space<vmem>>[vector<16xi32>, vector<16xi32>], vector<16xf32>,
      %get3A_284 = arith.index_cast %scan3A_255 : i32 to index
      %get3A_285 = arith.constant 48 : index
      %get3A_286 = tpu.vector_load %arg8[%get3A_284, %get3A_285] {strides = array<i32>} : memref<64x128xi32, #tpu.memory_space<vmem>>, vector<16xi32>,
      %get3A_287 = arith.index_cast %scan3A_255 : i32 to index
      %get3A_288 = arith.constant 48 : index
      %get3A_289 = tpu.vector_load %arg9[%get3A_287, %get3A_288] {strides = array<i32>} : memref<64x128xi32, #tpu.memory_space<vmem>>, vector<16xi32>,
      %sub3A_290 = arith.subi %get3A_289, %broadcast_in_dim3A_23 : vector<16xi32>
      %bitcast3A_291 = vector.bitcast %sub3A_290 : vector<16xi32> to vector<16xi32>
      %lt3A_292 = arith.cmpi ult, %bitcast3A_291, %broadcast_in_dim3A_7 : vector<16xi32>
      %select_n3A_293 = arith.select %lt3A_292, %sub3A_290, %broadcast_in_dim3A_5 : vector<16xi1>, vector<16xi32>
      %select_n3A_294 = arith.select %lt3A_292, %broadcast_in_dim3A_1, %broadcast_in_dim3A_3 : vector<16xi1>, vector<16xf32>
      tpu.vector_store_idx %arg10[%select_n3A_293, %get3A_286], %select_n3A_294 {add = true} : memref<32x2048xf32, #tpu.memory_space<vmem>>[vector<16xi32>, vector<16xi32>], vector<16xf32>,
      %get3A_295 = arith.index_cast %scan3A_255 : i32 to index
      %get3A_296 = arith.constant 64 : index
      %get3A_297 = tpu.vector_load %arg8[%get3A_295, %get3A_296] {strides = array<i32>} : memref<64x128xi32, #tpu.memory_space<vmem>>, vector<16xi32>,
      %get3A_298 = arith.index_cast %scan3A_255 : i32 to index
      %get3A_299 = arith.constant 64 : index
      %get3A_300 = tpu.vector_load %arg9[%get3A_298, %get3A_299] {strides = array<i32>} : memref<64x128xi32, #tpu.memory_space<vmem>>, vector<16xi32>,
      %sub3A_301 = arith.subi %get3A_300, %broadcast_in_dim3A_23 : vector<16xi32>
      %bitcast3A_302 = vector.bitcast %sub3A_301 : vector<16xi32> to vector<16xi32>
      %lt3A_303 = arith.cmpi ult, %bitcast3A_302, %broadcast_in_dim3A_7 : vector<16xi32>
      %select_n3A_304 = arith.select %lt3A_303, %sub3A_301, %broadcast_in_dim3A_5 : vector<16xi1>, vector<16xi32>
      %select_n3A_305 = arith.select %lt3A_303, %broadcast_in_dim3A_1, %broadcast_in_dim3A_3 : vector<16xi1>, vector<16xf32>
      tpu.vector_store_idx %arg10[%select_n3A_304, %get3A_297], %select_n3A_305 {add = true} : memref<32x2048xf32, #tpu.memory_space<vmem>>[vector<16xi32>, vector<16xi32>], vector<16xf32>,
      %get3A_306 = arith.index_cast %scan3A_255 : i32 to index
      %get3A_307 = arith.constant 80 : index
      %get3A_308 = tpu.vector_load %arg8[%get3A_306, %get3A_307] {strides = array<i32>} : memref<64x128xi32, #tpu.memory_space<vmem>>, vector<16xi32>,
      %get3A_309 = arith.index_cast %scan3A_255 : i32 to index
      %get3A_310 = arith.constant 80 : index
      %get3A_311 = tpu.vector_load %arg9[%get3A_309, %get3A_310] {strides = array<i32>} : memref<64x128xi32, #tpu.memory_space<vmem>>, vector<16xi32>,
      %sub3A_312 = arith.subi %get3A_311, %broadcast_in_dim3A_23 : vector<16xi32>
      %bitcast3A_313 = vector.bitcast %sub3A_312 : vector<16xi32> to vector<16xi32>
      %lt3A_314 = arith.cmpi ult, %bitcast3A_313, %broadcast_in_dim3A_7 : vector<16xi32>
      %select_n3A_315 = arith.select %lt3A_314, %sub3A_312, %broadcast_in_dim3A_5 : vector<16xi1>, vector<16xi32>
      %select_n3A_316 = arith.select %lt3A_314, %broadcast_in_dim3A_1, %broadcast_in_dim3A_3 : vector<16xi1>, vector<16xf32>
      tpu.vector_store_idx %arg10[%select_n3A_315, %get3A_308], %select_n3A_316 {add = true} : memref<32x2048xf32, #tpu.memory_space<vmem>>[vector<16xi32>, vector<16xi32>], vector<16xf32>,
      %get3A_317 = arith.index_cast %scan3A_255 : i32 to index
      %get3A_318 = arith.constant 96 : index
      %get3A_319 = tpu.vector_load %arg8[%get3A_317, %get3A_318] {strides = array<i32>} : memref<64x128xi32, #tpu.memory_space<vmem>>, vector<16xi32>,
      %get3A_320 = arith.index_cast %scan3A_255 : i32 to index
      %get3A_321 = arith.constant 96 : index
      %get3A_322 = tpu.vector_load %arg9[%get3A_320, %get3A_321] {strides = array<i32>} : memref<64x128xi32, #tpu.memory_space<vmem>>, vector<16xi32>,
      %sub3A_323 = arith.subi %get3A_322, %broadcast_in_dim3A_23 : vector<16xi32>
      %bitcast3A_324 = vector.bitcast %sub3A_323 : vector<16xi32> to vector<16xi32>
      %lt3A_325 = arith.cmpi ult, %bitcast3A_324, %broadcast_in_dim3A_7 : vector<16xi32>
      %select_n3A_326 = arith.select %lt3A_325, %sub3A_323, %broadcast_in_dim3A_5 : vector<16xi1>, vector<16xi32>
      %select_n3A_327 = arith.select %lt3A_325, %broadcast_in_dim3A_1, %broadcast_in_dim3A_3 : vector<16xi1>, vector<16xf32>
      tpu.vector_store_idx %arg10[%select_n3A_326, %get3A_319], %select_n3A_327 {add = true} : memref<32x2048xf32, #tpu.memory_space<vmem>>[vector<16xi32>, vector<16xi32>], vector<16xf32>,
      %get3A_328 = arith.index_cast %scan3A_255 : i32 to index
      %get3A_329 = arith.constant 112 : index
      %get3A_330 = tpu.vector_load %arg8[%get3A_328, %get3A_329] {strides = array<i32>} : memref<64x128xi32, #tpu.memory_space<vmem>>, vector<16xi32>,
      %get3A_331 = arith.index_cast %scan3A_255 : i32 to index
      %get3A_332 = arith.constant 112 : index
      %get3A_333 = tpu.vector_load %arg9[%get3A_331, %get3A_332] {strides = array<i32>} : memref<64x128xi32, #tpu.memory_space<vmem>>, vector<16xi32>,
      %sub3A_334 = arith.subi %get3A_333, %broadcast_in_dim3A_23 : vector<16xi32>
      %bitcast3A_335 = vector.bitcast %sub3A_334 : vector<16xi32> to vector<16xi32>
      %lt3A_336 = arith.cmpi ult, %bitcast3A_335, %broadcast_in_dim3A_7 : vector<16xi32>
      %select_n3A_337 = arith.select %lt3A_336, %sub3A_334, %broadcast_in_dim3A_5 : vector<16xi1>, vector<16xi32>
      %select_n3A_338 = arith.select %lt3A_336, %broadcast_in_dim3A_1, %broadcast_in_dim3A_3 : vector<16xi1>, vector<16xf32>
      tpu.vector_store_idx %arg10[%select_n3A_337, %get3A_330], %select_n3A_338 {add = true} : memref<32x2048xf32, #tpu.memory_space<vmem>>[vector<16xi32>, vector<16xi32>], vector<16xf32>,
    }
    %scan3A_141 = arith.constant 64 : i32
    "tpu.region"() ({
      %run_scoped3A = tpu.sem_alloc : memref<!tpu.dma_semaphore, #tpu.memory_space<semaphore_mem>>
      %dma_start3A_255 = arith.constant 0 : i32
      %dma_start3A_256 = tpu.memref_slice %arg5[%add3A_22, %dma_start3A_255] : memref<2048x2048xf32, #tpu.memory_space<hbm>> -> memref<32x2048xf32, #tpu.memory_space<hbm>>
      %dma_start3A_257 = arith.constant 0 : i32
      %dma_start3A_258 = tpu.memref_slice %arg5[%add3A_22, %dma_start3A_257] : memref<2048x2048xf32, #tpu.memory_space<hbm>> -> memref<32x2048xf32, #tpu.memory_space<hbm>>
      tpu.enqueue_dma source(%arg10 : memref<32x2048xf32, #tpu.memory_space<vmem>>) target(%dma_start3A_258 : memref<32x2048xf32, #tpu.memory_space<hbm>>) target_semaphore(%run_scoped3A : memref<!tpu.dma_semaphore, #tpu.memory_space<semaphore_mem>>)
      %dma_wait3A_259 = arith.constant 0 : i32
      %dma_wait3A_260 = tpu.memref_slice %arg5[%add3A_22, %dma_wait3A_259] : memref<2048x2048xf32, #tpu.memory_space<hbm>> -> memref<32x2048xf32, #tpu.memory_space<hbm>>
      %dma_wait3A_261 = arith.constant 0 : i32
      %dma_wait3A_262 = tpu.memref_slice %arg5[%add3A_22, %dma_wait3A_261] : memref<2048x2048xf32, #tpu.memory_space<hbm>> -> memref<32x2048xf32, #tpu.memory_space<hbm>>
      tpu.wait_dma2 semaphore(%run_scoped3A : memref<!tpu.dma_semaphore, #tpu.memory_space<semaphore_mem>>) src(%arg10 : memref<32x2048xf32, #tpu.memory_space<vmem>>) dst(%dma_wait3A_262 : memref<32x2048xf32, #tpu.memory_space<hbm>>)
      tpu.yield
    }) : () -> ()
    %mul3A_142 = arith.constant 64 : i32
    %mul3A_143 = arith.muli %add3A, %mul3A_142 : i32
    %add3A_144 = arith.constant 32 : i32
    %add3A_145 = arith.addi %mul3A_143, %add3A_144 : i32
    %broadcast_in_dim3A_146 = vector.broadcast %add3A_145 : i32 to vector<16xi32>
    "tpu.region"() ({
      %run_scoped3A = tpu.sem_alloc : memref<!tpu.dma_semaphore, #tpu.memory_space<semaphore_mem>>
      tpu.enqueue_dma source(%arg4 : memref<32x2048xf32, #tpu.memory_space<hbm>>) target(%arg10 : memref<32x2048xf32, #tpu.memory_space<vmem>>) target_semaphore(%run_scoped3A : memref<!tpu.dma_semaphore, #tpu.memory_space<semaphore_mem>>)
      tpu.wait_dma2 semaphore(%run_scoped3A : memref<!tpu.dma_semaphore, #tpu.memory_space<semaphore_mem>>) src(%arg4 : memref<32x2048xf32, #tpu.memory_space<hbm>>) dst(%arg10 : memref<32x2048xf32, #tpu.memory_space<vmem>>)
      tpu.yield
    }) : () -> ()
    %dma_start3A_147 = arith.constant 64 : i32
    %dma_start3A_148 = arith.constant 0 : i32
    %dma_start3A_149 = tpu.memref_slice %arg2[%dma_start3A_147, %dma_start3A_148] : memref<256x128xi32, #tpu.memory_space<hbm>> -> memref<64x128xi32, #tpu.memory_space<hbm>>
    %dma_start3A_150 = arith.constant 64 : i32
    %dma_start3A_151 = arith.constant 0 : i32
    %dma_start3A_152 = tpu.memref_slice %arg2[%dma_start3A_150, %dma_start3A_151] : memref<256x128xi32, #tpu.memory_space<hbm>> -> memref<64x128xi32, #tpu.memory_space<hbm>>
    tpu.enqueue_dma source(%dma_start3A_152 : memref<64x128xi32, #tpu.memory_space<hbm>>) target(%arg8 : memref<64x128xi32, #tpu.memory_space<vmem>>) target_semaphore(%arg13 : memref<!tpu.dma_semaphore, #tpu.memory_space<semaphore_mem>>)
    %dma_start3A_153 = arith.constant 64 : i32
    %dma_start3A_154 = arith.constant 0 : i32
    %dma_start3A_155 = tpu.memref_slice %arg3[%dma_start3A_153, %dma_start3A_154] : memref<256x128xi32, #tpu.memory_space<hbm>> -> memref<64x128xi32, #tpu.memory_space<hbm>>
    %dma_start3A_156 = arith.constant 64 : i32
    %dma_start3A_157 = arith.constant 0 : i32
    %dma_start3A_158 = tpu.memref_slice %arg3[%dma_start3A_156, %dma_start3A_157] : memref<256x128xi32, #tpu.memory_space<hbm>> -> memref<64x128xi32, #tpu.memory_space<hbm>>
    tpu.enqueue_dma source(%dma_start3A_158 : memref<64x128xi32, #tpu.memory_space<hbm>>) target(%arg9 : memref<64x128xi32, #tpu.memory_space<vmem>>) target_semaphore(%arg14 : memref<!tpu.dma_semaphore, #tpu.memory_space<semaphore_mem>>)
    %dma_wait3A_159 = arith.constant 0 : i32
    %dma_wait3A_160 = arith.constant 0 : i32
    %dma_wait3A_161 = tpu.memref_slice %arg2[%dma_wait3A_159, %dma_wait3A_160] : memref<256x128xi32, #tpu.memory_space<hbm>> -> memref<64x128xi32, #tpu.memory_space<hbm>>
    %dma_wait3A_162 = arith.constant 0 : i32
    %dma_wait3A_163 = arith.constant 0 : i32
    %dma_wait3A_164 = tpu.memref_slice %arg2[%dma_wait3A_162, %dma_wait3A_163] : memref<256x128xi32, #tpu.memory_space<hbm>> -> memref<64x128xi32, #tpu.memory_space<hbm>>
    tpu.wait_dma2 semaphore(%arg11 : memref<!tpu.dma_semaphore, #tpu.memory_space<semaphore_mem>>) src(%dma_wait3A_164 : memref<64x128xi32, #tpu.memory_space<hbm>>) dst(%arg6 : memref<64x128xi32, #tpu.memory_space<vmem>>)
    %dma_wait3A_165 = arith.constant 0 : i32
    %dma_wait3A_166 = arith.constant 0 : i32
    %dma_wait3A_167 = tpu.memref_slice %arg3[%dma_wait3A_165, %dma_wait3A_166] : memref<256x128xi32, #tpu.memory_space<hbm>> -> memref<64x128xi32, #tpu.memory_space<hbm>>
    %dma_wait3A_168 = arith.constant 0 : i32
    %dma_wait3A_169 = arith.constant 0 : i32
    %dma_wait3A_170 = tpu.memref_slice %arg3[%dma_wait3A_168, %dma_wait3A_169] : memref<256x128xi32, #tpu.memory_space<hbm>> -> memref<64x128xi32, #tpu.memory_space<hbm>>
    tpu.wait_dma2 semaphore(%arg12 : memref<!tpu.dma_semaphore, #tpu.memory_space<semaphore_mem>>) src(%dma_wait3A_170 : memref<64x128xi32, #tpu.memory_space<hbm>>) dst(%arg7 : memref<64x128xi32, #tpu.memory_space<vmem>>)
    %scan3A_171 = arith.constant 0 : i32
    %scan3A_172 = arith.constant 0 : i32
    %scan3A_173 = arith.constant 64 : i32
    %scan3A_174 = arith.addi %scan3A_172, %scan3A_173 : i32
    %scan3A_175 = arith.constant 1 : i32
    scf.for %scan3A_255 = %scan3A_172 to %scan3A_174 step %scan3A_175  : i32 {
      %get3A = arith.index_cast %scan3A_255 : i32 to index
      %get3A_256 = arith.constant 0 : index
      %get3A_257 = tpu.vector_load %arg6[%get3A, %get3A_256] {strides = array<i32>} : memref<64x128xi32, #tpu.memory_space<vmem>>, vector<16xi32>,
      %get3A_258 = arith.index_cast %scan3A_255 : i32 to index
      %get3A_259 = arith.constant 0 : index
      %get3A_260 = tpu.vector_load %arg7[%get3A_258, %get3A_259] {strides = array<i32>} : memref<64x128xi32, #tpu.memory_space<vmem>>, vector<16xi32>,
      %sub3A = arith.subi %get3A_260, %broadcast_in_dim3A_146 : vector<16xi32>
      %bitcast3A = vector.bitcast %sub3A : vector<16xi32> to vector<16xi32>
      %lt3A = arith.cmpi ult, %bitcast3A, %broadcast_in_dim3A_7 : vector<16xi32>
      %select_n3A = arith.select %lt3A, %sub3A, %broadcast_in_dim3A_5 : vector<16xi1>, vector<16xi32>
      %select_n3A_261 = arith.select %lt3A, %broadcast_in_dim3A_1, %broadcast_in_dim3A_3 : vector<16xi1>, vector<16xf32>
      tpu.vector_store_idx %arg10[%select_n3A, %get3A_257], %select_n3A_261 {add = true} : memref<32x2048xf32, #tpu.memory_space<vmem>>[vector<16xi32>, vector<16xi32>], vector<16xf32>,
      %get3A_262 = arith.index_cast %scan3A_255 : i32 to index
      %get3A_263 = arith.constant 16 : index
      %get3A_264 = tpu.vector_load %arg6[%get3A_262, %get3A_263] {strides = array<i32>} : memref<64x128xi32, #tpu.memory_space<vmem>>, vector<16xi32>,
      %get3A_265 = arith.index_cast %scan3A_255 : i32 to index
      %get3A_266 = arith.constant 16 : index
      %get3A_267 = tpu.vector_load %arg7[%get3A_265, %get3A_266] {strides = array<i32>} : memref<64x128xi32, #tpu.memory_space<vmem>>, vector<16xi32>,
      %sub3A_268 = arith.subi %get3A_267, %broadcast_in_dim3A_146 : vector<16xi32>
      %bitcast3A_269 = vector.bitcast %sub3A_268 : vector<16xi32> to vector<16xi32>
      %lt3A_270 = arith.cmpi ult, %bitcast3A_269, %broadcast_in_dim3A_7 : vector<16xi32>
      %select_n3A_271 = arith.select %lt3A_270, %sub3A_268, %broadcast_in_dim3A_5 : vector<16xi1>, vector<16xi32>
      %select_n3A_272 = arith.select %lt3A_270, %broadcast_in_dim3A_1, %broadcast_in_dim3A_3 : vector<16xi1>, vector<16xf32>
      tpu.vector_store_idx %arg10[%select_n3A_271, %get3A_264], %select_n3A_272 {add = true} : memref<32x2048xf32, #tpu.memory_space<vmem>>[vector<16xi32>, vector<16xi32>], vector<16xf32>,
      %get3A_273 = arith.index_cast %scan3A_255 : i32 to index
      %get3A_274 = arith.constant 32 : index
      %get3A_275 = tpu.vector_load %arg6[%get3A_273, %get3A_274] {strides = array<i32>} : memref<64x128xi32, #tpu.memory_space<vmem>>, vector<16xi32>,
      %get3A_276 = arith.index_cast %scan3A_255 : i32 to index
      %get3A_277 = arith.constant 32 : index
      %get3A_278 = tpu.vector_load %arg7[%get3A_276, %get3A_277] {strides = array<i32>} : memref<64x128xi32, #tpu.memory_space<vmem>>, vector<16xi32>,
      %sub3A_279 = arith.subi %get3A_278, %broadcast_in_dim3A_146 : vector<16xi32>
      %bitcast3A_280 = vector.bitcast %sub3A_279 : vector<16xi32> to vector<16xi32>
      %lt3A_281 = arith.cmpi ult, %bitcast3A_280, %broadcast_in_dim3A_7 : vector<16xi32>
      %select_n3A_282 = arith.select %lt3A_281, %sub3A_279, %broadcast_in_dim3A_5 : vector<16xi1>, vector<16xi32>
      %select_n3A_283 = arith.select %lt3A_281, %broadcast_in_dim3A_1, %broadcast_in_dim3A_3 : vector<16xi1>, vector<16xf32>
      tpu.vector_store_idx %arg10[%select_n3A_282, %get3A_275], %select_n3A_283 {add = true} : memref<32x2048xf32, #tpu.memory_space<vmem>>[vector<16xi32>, vector<16xi32>], vector<16xf32>,
      %get3A_284 = arith.index_cast %scan3A_255 : i32 to index
      %get3A_285 = arith.constant 48 : index
      %get3A_286 = tpu.vector_load %arg6[%get3A_284, %get3A_285] {strides = array<i32>} : memref<64x128xi32, #tpu.memory_space<vmem>>, vector<16xi32>,
      %get3A_287 = arith.index_cast %scan3A_255 : i32 to index
      %get3A_288 = arith.constant 48 : index
      %get3A_289 = tpu.vector_load %arg7[%get3A_287, %get3A_288] {strides = array<i32>} : memref<64x128xi32, #tpu.memory_space<vmem>>, vector<16xi32>,
      %sub3A_290 = arith.subi %get3A_289, %broadcast_in_dim3A_146 : vector<16xi32>
      %bitcast3A_291 = vector.bitcast %sub3A_290 : vector<16xi32> to vector<16xi32>
      %lt3A_292 = arith.cmpi ult, %bitcast3A_291, %broadcast_in_dim3A_7 : vector<16xi32>
      %select_n3A_293 = arith.select %lt3A_292, %sub3A_290, %broadcast_in_dim3A_5 : vector<16xi1>, vector<16xi32>
      %select_n3A_294 = arith.select %lt3A_292, %broadcast_in_dim3A_1, %broadcast_in_dim3A_3 : vector<16xi1>, vector<16xf32>
      tpu.vector_store_idx %arg10[%select_n3A_293, %get3A_286], %select_n3A_294 {add = true} : memref<32x2048xf32, #tpu.memory_space<vmem>>[vector<16xi32>, vector<16xi32>], vector<16xf32>,
      %get3A_295 = arith.index_cast %scan3A_255 : i32 to index
      %get3A_296 = arith.constant 64 : index
      %get3A_297 = tpu.vector_load %arg6[%get3A_295, %get3A_296] {strides = array<i32>} : memref<64x128xi32, #tpu.memory_space<vmem>>, vector<16xi32>,
      %get3A_298 = arith.index_cast %scan3A_255 : i32 to index
      %get3A_299 = arith.constant 64 : index
      %get3A_300 = tpu.vector_load %arg7[%get3A_298, %get3A_299] {strides = array<i32>} : memref<64x128xi32, #tpu.memory_space<vmem>>, vector<16xi32>,
      %sub3A_301 = arith.subi %get3A_300, %broadcast_in_dim3A_146 : vector<16xi32>
      %bitcast3A_302 = vector.bitcast %sub3A_301 : vector<16xi32> to vector<16xi32>
      %lt3A_303 = arith.cmpi ult, %bitcast3A_302, %broadcast_in_dim3A_7 : vector<16xi32>
      %select_n3A_304 = arith.select %lt3A_303, %sub3A_301, %broadcast_in_dim3A_5 : vector<16xi1>, vector<16xi32>
      %select_n3A_305 = arith.select %lt3A_303, %broadcast_in_dim3A_1, %broadcast_in_dim3A_3 : vector<16xi1>, vector<16xf32>
      tpu.vector_store_idx %arg10[%select_n3A_304, %get3A_297], %select_n3A_305 {add = true} : memref<32x2048xf32, #tpu.memory_space<vmem>>[vector<16xi32>, vector<16xi32>], vector<16xf32>,
      %get3A_306 = arith.index_cast %scan3A_255 : i32 to index
      %get3A_307 = arith.constant 80 : index
      %get3A_308 = tpu.vector_load %arg6[%get3A_306, %get3A_307] {strides = array<i32>} : memref<64x128xi32, #tpu.memory_space<vmem>>, vector<16xi32>,
      %get3A_309 = arith.index_cast %scan3A_255 : i32 to index
      %get3A_310 = arith.constant 80 : index
      %get3A_311 = tpu.vector_load %arg7[%get3A_309, %get3A_310] {strides = array<i32>} : memref<64x128xi32, #tpu.memory_space<vmem>>, vector<16xi32>,
      %sub3A_312 = arith.subi %get3A_311, %broadcast_in_dim3A_146 : vector<16xi32>
      %bitcast3A_313 = vector.bitcast %sub3A_312 : vector<16xi32> to vector<16xi32>
      %lt3A_314 = arith.cmpi ult, %bitcast3A_313, %broadcast_in_dim3A_7 : vector<16xi32>
      %select_n3A_315 = arith.select %lt3A_314, %sub3A_312, %broadcast_in_dim3A_5 : vector<16xi1>, vector<16xi32>
      %select_n3A_316 = arith.select %lt3A_314, %broadcast_in_dim3A_1, %broadcast_in_dim3A_3 : vector<16xi1>, vector<16xf32>
      tpu.vector_store_idx %arg10[%select_n3A_315, %get3A_308], %select_n3A_316 {add = true} : memref<32x2048xf32, #tpu.memory_space<vmem>>[vector<16xi32>, vector<16xi32>], vector<16xf32>,
      %get3A_317 = arith.index_cast %scan3A_255 : i32 to index
      %get3A_318 = arith.constant 96 : index
      %get3A_319 = tpu.vector_load %arg6[%get3A_317, %get3A_318] {strides = array<i32>} : memref<64x128xi32, #tpu.memory_space<vmem>>, vector<16xi32>,
      %get3A_320 = arith.index_cast %scan3A_255 : i32 to index
      %get3A_321 = arith.constant 96 : index
      %get3A_322 = tpu.vector_load %arg7[%get3A_320, %get3A_321] {strides = array<i32>} : memref<64x128xi32, #tpu.memory_space<vmem>>, vector<16xi32>,
      %sub3A_323 = arith.subi %get3A_322, %broadcast_in_dim3A_146 : vector<16xi32>
      %bitcast3A_324 = vector.bitcast %sub3A_323 : vector<16xi32> to vector<16xi32>
      %lt3A_325 = arith.cmpi ult, %bitcast3A_324, %broadcast_in_dim3A_7 : vector<16xi32>
      %select_n3A_326 = arith.select %lt3A_325, %sub3A_323, %broadcast_in_dim3A_5 : vector<16xi1>, vector<16xi32>
      %select_n3A_327 = arith.select %lt3A_325, %broadcast_in_dim3A_1, %broadcast_in_dim3A_3 : vector<16xi1>, vector<16xf32>
      tpu.vector_store_idx %arg10[%select_n3A_326, %get3A_319], %select_n3A_327 {add = true} : memref<32x2048xf32, #tpu.memory_space<vmem>>[vector<16xi32>, vector<16xi32>], vector<16xf32>,
      %get3A_328 = arith.index_cast %scan3A_255 : i32 to index
      %get3A_329 = arith.constant 112 : index
      %get3A_330 = tpu.vector_load %arg6[%get3A_328, %get3A_329] {strides = array<i32>} : memref<64x128xi32, #tpu.memory_space<vmem>>, vector<16xi32>,
      %get3A_331 = arith.index_cast %scan3A_255 : i32 to index
      %get3A_332 = arith.constant 112 : index
      %get3A_333 = tpu.vector_load %arg7[%get3A_331, %get3A_332] {strides = array<i32>} : memref<64x128xi32, #tpu.memory_space<vmem>>, vector<16xi32>,
      %sub3A_334 = arith.subi %get3A_333, %broadcast_in_dim3A_146 : vector<16xi32>
      %bitcast3A_335 = vector.bitcast %sub3A_334 : vector<16xi32> to vector<16xi32>
      %lt3A_336 = arith.cmpi ult, %bitcast3A_335, %broadcast_in_dim3A_7 : vector<16xi32>
      %select_n3A_337 = arith.select %lt3A_336, %sub3A_334, %broadcast_in_dim3A_5 : vector<16xi1>, vector<16xi32>
      %select_n3A_338 = arith.select %lt3A_336, %broadcast_in_dim3A_1, %broadcast_in_dim3A_3 : vector<16xi1>, vector<16xf32>
      tpu.vector_store_idx %arg10[%select_n3A_337, %get3A_330], %select_n3A_338 {add = true} : memref<32x2048xf32, #tpu.memory_space<vmem>>[vector<16xi32>, vector<16xi32>], vector<16xf32>,
    }
    %scan3A_176 = arith.constant 64 : i32
    %dma_start3A_177 = arith.constant 128 : i32
    %dma_start3A_178 = arith.constant 0 : i32
    %dma_start3A_179 = tpu.memref_slice %arg2[%dma_start3A_177, %dma_start3A_178] : memref<256x128xi32, #tpu.memory_space<hbm>> -> memref<64x128xi32, #tpu.memory_space<hbm>>
    %dma_start3A_180 = arith.constant 128 : i32
    %dma_start3A_181 = arith.constant 0 : i32
    %dma_start3A_182 = tpu.memref_slice %arg2[%dma_start3A_180, %dma_start3A_181] : memref<256x128xi32, #tpu.memory_space<hbm>> -> memref<64x128xi32, #tpu.memory_space<hbm>>
    tpu.enqueue_dma source(%dma_start3A_182 : memref<64x128xi32, #tpu.memory_space<hbm>>) target(%arg6 : memref<64x128xi32, #tpu.memory_space<vmem>>) target_semaphore(%arg11 : memref<!tpu.dma_semaphore, #tpu.memory_space<semaphore_mem>>)
    %dma_start3A_183 = arith.constant 128 : i32
    %dma_start3A_184 = arith.constant 0 : i32
    %dma_start3A_185 = tpu.memref_slice %arg3[%dma_start3A_183, %dma_start3A_184] : memref<256x128xi32, #tpu.memory_space<hbm>> -> memref<64x128xi32, #tpu.memory_space<hbm>>
    %dma_start3A_186 = arith.constant 128 : i32
    %dma_start3A_187 = arith.constant 0 : i32
    %dma_start3A_188 = tpu.memref_slice %arg3[%dma_start3A_186, %dma_start3A_187] : memref<256x128xi32, #tpu.memory_space<hbm>> -> memref<64x128xi32, #tpu.memory_space<hbm>>
    tpu.enqueue_dma source(%dma_start3A_188 : memref<64x128xi32, #tpu.memory_space<hbm>>) target(%arg7 : memref<64x128xi32, #tpu.memory_space<vmem>>) target_semaphore(%arg12 : memref<!tpu.dma_semaphore, #tpu.memory_space<semaphore_mem>>)
    %dma_wait3A_189 = arith.constant 64 : i32
    %dma_wait3A_190 = arith.constant 0 : i32
    %dma_wait3A_191 = tpu.memref_slice %arg2[%dma_wait3A_189, %dma_wait3A_190] : memref<256x128xi32, #tpu.memory_space<hbm>> -> memref<64x128xi32, #tpu.memory_space<hbm>>
    %dma_wait3A_192 = arith.constant 64 : i32
    %dma_wait3A_193 = arith.constant 0 : i32
    %dma_wait3A_194 = tpu.memref_slice %arg2[%dma_wait3A_192, %dma_wait3A_193] : memref<256x128xi32, #tpu.memory_space<hbm>> -> memref<64x128xi32, #tpu.memory_space<hbm>>
    tpu.wait_dma2 semaphore(%arg13 : memref<!tpu.dma_semaphore, #tpu.memory_space<semaphore_mem>>) src(%dma_wait3A_194 : memref<64x128xi32, #tpu.memory_space<hbm>>) dst(%arg8 : memref<64x128xi32, #tpu.memory_space<vmem>>)
    %dma_wait3A_195 = arith.constant 64 : i32
    %dma_wait3A_196 = arith.constant 0 : i32
    %dma_wait3A_197 = tpu.memref_slice %arg3[%dma_wait3A_195, %dma_wait3A_196] : memref<256x128xi32, #tpu.memory_space<hbm>> -> memref<64x128xi32, #tpu.memory_space<hbm>>
    %dma_wait3A_198 = arith.constant 64 : i32
    %dma_wait3A_199 = arith.constant 0 : i32
    %dma_wait3A_200 = tpu.memref_slice %arg3[%dma_wait3A_198, %dma_wait3A_199] : memref<256x128xi32, #tpu.memory_space<hbm>> -> memref<64x128xi32, #tpu.memory_space<hbm>>
    tpu.wait_dma2 semaphore(%arg14 : memref<!tpu.dma_semaphore, #tpu.memory_space<semaphore_mem>>) src(%dma_wait3A_200 : memref<64x128xi32, #tpu.memory_space<hbm>>) dst(%arg9 : memref<64x128xi32, #tpu.memory_space<vmem>>)
    %scan3A_201 = arith.constant 0 : i32
    %scan3A_202 = arith.constant 0 : i32
    %scan3A_203 = arith.constant 64 : i32
    %scan3A_204 = arith.addi %scan3A_202, %scan3A_203 : i32
    %scan3A_205 = arith.constant 1 : i32
    scf.for %scan3A_255 = %scan3A_202 to %scan3A_204 step %scan3A_205  : i32 {
      %get3A = arith.index_cast %scan3A_255 : i32 to index
      %get3A_256 = arith.constant 0 : index
      %get3A_257 = tpu.vector_load %arg8[%get3A, %get3A_256] {strides = array<i32>} : memref<64x128xi32, #tpu.memory_space<vmem>>, vector<16xi32>,
      %get3A_258 = arith.index_cast %scan3A_255 : i32 to index
      %get3A_259 = arith.constant 0 : index
      %get3A_260 = tpu.vector_load %arg9[%get3A_258, %get3A_259] {strides = array<i32>} : memref<64x128xi32, #tpu.memory_space<vmem>>, vector<16xi32>,
      %sub3A = arith.subi %get3A_260, %broadcast_in_dim3A_146 : vector<16xi32>
      %bitcast3A = vector.bitcast %sub3A : vector<16xi32> to vector<16xi32>
      %lt3A = arith.cmpi ult, %bitcast3A, %broadcast_in_dim3A_7 : vector<16xi32>
      %select_n3A = arith.select %lt3A, %sub3A, %broadcast_in_dim3A_5 : vector<16xi1>, vector<16xi32>
      %select_n3A_261 = arith.select %lt3A, %broadcast_in_dim3A_1, %broadcast_in_dim3A_3 : vector<16xi1>, vector<16xf32>
      tpu.vector_store_idx %arg10[%select_n3A, %get3A_257], %select_n3A_261 {add = true} : memref<32x2048xf32, #tpu.memory_space<vmem>>[vector<16xi32>, vector<16xi32>], vector<16xf32>,
      %get3A_262 = arith.index_cast %scan3A_255 : i32 to index
      %get3A_263 = arith.constant 16 : index
      %get3A_264 = tpu.vector_load %arg8[%get3A_262, %get3A_263] {strides = array<i32>} : memref<64x128xi32, #tpu.memory_space<vmem>>, vector<16xi32>,
      %get3A_265 = arith.index_cast %scan3A_255 : i32 to index
      %get3A_266 = arith.constant 16 : index
      %get3A_267 = tpu.vector_load %arg9[%get3A_265, %get3A_266] {strides = array<i32>} : memref<64x128xi32, #tpu.memory_space<vmem>>, vector<16xi32>,
      %sub3A_268 = arith.subi %get3A_267, %broadcast_in_dim3A_146 : vector<16xi32>
      %bitcast3A_269 = vector.bitcast %sub3A_268 : vector<16xi32> to vector<16xi32>
      %lt3A_270 = arith.cmpi ult, %bitcast3A_269, %broadcast_in_dim3A_7 : vector<16xi32>
      %select_n3A_271 = arith.select %lt3A_270, %sub3A_268, %broadcast_in_dim3A_5 : vector<16xi1>, vector<16xi32>
      %select_n3A_272 = arith.select %lt3A_270, %broadcast_in_dim3A_1, %broadcast_in_dim3A_3 : vector<16xi1>, vector<16xf32>
      tpu.vector_store_idx %arg10[%select_n3A_271, %get3A_264], %select_n3A_272 {add = true} : memref<32x2048xf32, #tpu.memory_space<vmem>>[vector<16xi32>, vector<16xi32>], vector<16xf32>,
      %get3A_273 = arith.index_cast %scan3A_255 : i32 to index
      %get3A_274 = arith.constant 32 : index
      %get3A_275 = tpu.vector_load %arg8[%get3A_273, %get3A_274] {strides = array<i32>} : memref<64x128xi32, #tpu.memory_space<vmem>>, vector<16xi32>,
      %get3A_276 = arith.index_cast %scan3A_255 : i32 to index
      %get3A_277 = arith.constant 32 : index
      %get3A_278 = tpu.vector_load %arg9[%get3A_276, %get3A_277] {strides = array<i32>} : memref<64x128xi32, #tpu.memory_space<vmem>>, vector<16xi32>,
      %sub3A_279 = arith.subi %get3A_278, %broadcast_in_dim3A_146 : vector<16xi32>
      %bitcast3A_280 = vector.bitcast %sub3A_279 : vector<16xi32> to vector<16xi32>
      %lt3A_281 = arith.cmpi ult, %bitcast3A_280, %broadcast_in_dim3A_7 : vector<16xi32>
      %select_n3A_282 = arith.select %lt3A_281, %sub3A_279, %broadcast_in_dim3A_5 : vector<16xi1>, vector<16xi32>
      %select_n3A_283 = arith.select %lt3A_281, %broadcast_in_dim3A_1, %broadcast_in_dim3A_3 : vector<16xi1>, vector<16xf32>
      tpu.vector_store_idx %arg10[%select_n3A_282, %get3A_275], %select_n3A_283 {add = true} : memref<32x2048xf32, #tpu.memory_space<vmem>>[vector<16xi32>, vector<16xi32>], vector<16xf32>,
      %get3A_284 = arith.index_cast %scan3A_255 : i32 to index
      %get3A_285 = arith.constant 48 : index
      %get3A_286 = tpu.vector_load %arg8[%get3A_284, %get3A_285] {strides = array<i32>} : memref<64x128xi32, #tpu.memory_space<vmem>>, vector<16xi32>,
      %get3A_287 = arith.index_cast %scan3A_255 : i32 to index
      %get3A_288 = arith.constant 48 : index
      %get3A_289 = tpu.vector_load %arg9[%get3A_287, %get3A_288] {strides = array<i32>} : memref<64x128xi32, #tpu.memory_space<vmem>>, vector<16xi32>,
      %sub3A_290 = arith.subi %get3A_289, %broadcast_in_dim3A_146 : vector<16xi32>
      %bitcast3A_291 = vector.bitcast %sub3A_290 : vector<16xi32> to vector<16xi32>
      %lt3A_292 = arith.cmpi ult, %bitcast3A_291, %broadcast_in_dim3A_7 : vector<16xi32>
      %select_n3A_293 = arith.select %lt3A_292, %sub3A_290, %broadcast_in_dim3A_5 : vector<16xi1>, vector<16xi32>
      %select_n3A_294 = arith.select %lt3A_292, %broadcast_in_dim3A_1, %broadcast_in_dim3A_3 : vector<16xi1>, vector<16xf32>
      tpu.vector_store_idx %arg10[%select_n3A_293, %get3A_286], %select_n3A_294 {add = true} : memref<32x2048xf32, #tpu.memory_space<vmem>>[vector<16xi32>, vector<16xi32>], vector<16xf32>,
      %get3A_295 = arith.index_cast %scan3A_255 : i32 to index
      %get3A_296 = arith.constant 64 : index
      %get3A_297 = tpu.vector_load %arg8[%get3A_295, %get3A_296] {strides = array<i32>} : memref<64x128xi32, #tpu.memory_space<vmem>>, vector<16xi32>,
      %get3A_298 = arith.index_cast %scan3A_255 : i32 to index
      %get3A_299 = arith.constant 64 : index
      %get3A_300 = tpu.vector_load %arg9[%get3A_298, %get3A_299] {strides = array<i32>} : memref<64x128xi32, #tpu.memory_space<vmem>>, vector<16xi32>,
      %sub3A_301 = arith.subi %get3A_300, %broadcast_in_dim3A_146 : vector<16xi32>
      %bitcast3A_302 = vector.bitcast %sub3A_301 : vector<16xi32> to vector<16xi32>
      %lt3A_303 = arith.cmpi ult, %bitcast3A_302, %broadcast_in_dim3A_7 : vector<16xi32>
      %select_n3A_304 = arith.select %lt3A_303, %sub3A_301, %broadcast_in_dim3A_5 : vector<16xi1>, vector<16xi32>
      %select_n3A_305 = arith.select %lt3A_303, %broadcast_in_dim3A_1, %broadcast_in_dim3A_3 : vector<16xi1>, vector<16xf32>
      tpu.vector_store_idx %arg10[%select_n3A_304, %get3A_297], %select_n3A_305 {add = true} : memref<32x2048xf32, #tpu.memory_space<vmem>>[vector<16xi32>, vector<16xi32>], vector<16xf32>,
      %get3A_306 = arith.index_cast %scan3A_255 : i32 to index
      %get3A_307 = arith.constant 80 : index
      %get3A_308 = tpu.vector_load %arg8[%get3A_306, %get3A_307] {strides = array<i32>} : memref<64x128xi32, #tpu.memory_space<vmem>>, vector<16xi32>,
      %get3A_309 = arith.index_cast %scan3A_255 : i32 to index
      %get3A_310 = arith.constant 80 : index
      %get3A_311 = tpu.vector_load %arg9[%get3A_309, %get3A_310] {strides = array<i32>} : memref<64x128xi32, #tpu.memory_space<vmem>>, vector<16xi32>,
      %sub3A_312 = arith.subi %get3A_311, %broadcast_in_dim3A_146 : vector<16xi32>
      %bitcast3A_313 = vector.bitcast %sub3A_312 : vector<16xi32> to vector<16xi32>
      %lt3A_314 = arith.cmpi ult, %bitcast3A_313, %broadcast_in_dim3A_7 : vector<16xi32>
      %select_n3A_315 = arith.select %lt3A_314, %sub3A_312, %broadcast_in_dim3A_5 : vector<16xi1>, vector<16xi32>
      %select_n3A_316 = arith.select %lt3A_314, %broadcast_in_dim3A_1, %broadcast_in_dim3A_3 : vector<16xi1>, vector<16xf32>
      tpu.vector_store_idx %arg10[%select_n3A_315, %get3A_308], %select_n3A_316 {add = true} : memref<32x2048xf32, #tpu.memory_space<vmem>>[vector<16xi32>, vector<16xi32>], vector<16xf32>,
      %get3A_317 = arith.index_cast %scan3A_255 : i32 to index
      %get3A_318 = arith.constant 96 : index
      %get3A_319 = tpu.vector_load %arg8[%get3A_317, %get3A_318] {strides = array<i32>} : memref<64x128xi32, #tpu.memory_space<vmem>>, vector<16xi32>,
      %get3A_320 = arith.index_cast %scan3A_255 : i32 to index
      %get3A_321 = arith.constant 96 : index
      %get3A_322 = tpu.vector_load %arg9[%get3A_320, %get3A_321] {strides = array<i32>} : memref<64x128xi32, #tpu.memory_space<vmem>>, vector<16xi32>,
      %sub3A_323 = arith.subi %get3A_322, %broadcast_in_dim3A_146 : vector<16xi32>
      %bitcast3A_324 = vector.bitcast %sub3A_323 : vector<16xi32> to vector<16xi32>
      %lt3A_325 = arith.cmpi ult, %bitcast3A_324, %broadcast_in_dim3A_7 : vector<16xi32>
      %select_n3A_326 = arith.select %lt3A_325, %sub3A_323, %broadcast_in_dim3A_5 : vector<16xi1>, vector<16xi32>
      %select_n3A_327 = arith.select %lt3A_325, %broadcast_in_dim3A_1, %broadcast_in_dim3A_3 : vector<16xi1>, vector<16xf32>
      tpu.vector_store_idx %arg10[%select_n3A_326, %get3A_319], %select_n3A_327 {add = true} : memref<32x2048xf32, #tpu.memory_space<vmem>>[vector<16xi32>, vector<16xi32>], vector<16xf32>,
      %get3A_328 = arith.index_cast %scan3A_255 : i32 to index
      %get3A_329 = arith.constant 112 : index
      %get3A_330 = tpu.vector_load %arg8[%get3A_328, %get3A_329] {strides = array<i32>} : memref<64x128xi32, #tpu.memory_space<vmem>>, vector<16xi32>,
      %get3A_331 = arith.index_cast %scan3A_255 : i32 to index
      %get3A_332 = arith.constant 112 : index
      %get3A_333 = tpu.vector_load %arg9[%get3A_331, %get3A_332] {strides = array<i32>} : memref<64x128xi32, #tpu.memory_space<vmem>>, vector<16xi32>,
      %sub3A_334 = arith.subi %get3A_333, %broadcast_in_dim3A_146 : vector<16xi32>
      %bitcast3A_335 = vector.bitcast %sub3A_334 : vector<16xi32> to vector<16xi32>
      %lt3A_336 = arith.cmpi ult, %bitcast3A_335, %broadcast_in_dim3A_7 : vector<16xi32>
      %select_n3A_337 = arith.select %lt3A_336, %sub3A_334, %broadcast_in_dim3A_5 : vector<16xi1>, vector<16xi32>
      %select_n3A_338 = arith.select %lt3A_336, %broadcast_in_dim3A_1, %broadcast_in_dim3A_3 : vector<16xi1>, vector<16xf32>
      tpu.vector_store_idx %arg10[%select_n3A_337, %get3A_330], %select_n3A_338 {add = true} : memref<32x2048xf32, #tpu.memory_space<vmem>>[vector<16xi32>, vector<16xi32>], vector<16xf32>,
    }
    %scan3A_206 = arith.constant 64 : i32
    %dma_start3A_207 = arith.constant 192 : i32
    %dma_start3A_208 = arith.constant 0 : i32
    %dma_start3A_209 = tpu.memref_slice %arg2[%dma_start3A_207, %dma_start3A_208] : memref<256x128xi32, #tpu.memory_space<hbm>> -> memref<64x128xi32, #tpu.memory_space<hbm>>
    %dma_start3A_210 = arith.constant 192 : i32
    %dma_start3A_211 = arith.constant 0 : i32
    %dma_start3A_212 = tpu.memref_slice %arg2[%dma_start3A_210, %dma_start3A_211] : memref<256x128xi32, #tpu.memory_space<hbm>> -> memref<64x128xi32, #tpu.memory_space<hbm>>
    tpu.enqueue_dma source(%dma_start3A_212 : memref<64x128xi32, #tpu.memory_space<hbm>>) target(%arg8 : memref<64x128xi32, #tpu.memory_space<vmem>>) target_semaphore(%arg13 : memref<!tpu.dma_semaphore, #tpu.memory_space<semaphore_mem>>)
    %dma_start3A_213 = arith.constant 192 : i32
    %dma_start3A_214 = arith.constant 0 : i32
    %dma_start3A_215 = tpu.memref_slice %arg3[%dma_start3A_213, %dma_start3A_214] : memref<256x128xi32, #tpu.memory_space<hbm>> -> memref<64x128xi32, #tpu.memory_space<hbm>>
    %dma_start3A_216 = arith.constant 192 : i32
    %dma_start3A_217 = arith.constant 0 : i32
    %dma_start3A_218 = tpu.memref_slice %arg3[%dma_start3A_216, %dma_start3A_217] : memref<256x128xi32, #tpu.memory_space<hbm>> -> memref<64x128xi32, #tpu.memory_space<hbm>>
    tpu.enqueue_dma source(%dma_start3A_218 : memref<64x128xi32, #tpu.memory_space<hbm>>) target(%arg9 : memref<64x128xi32, #tpu.memory_space<vmem>>) target_semaphore(%arg14 : memref<!tpu.dma_semaphore, #tpu.memory_space<semaphore_mem>>)
    %dma_wait3A_219 = arith.constant 128 : i32
    %dma_wait3A_220 = arith.constant 0 : i32
    %dma_wait3A_221 = tpu.memref_slice %arg2[%dma_wait3A_219, %dma_wait3A_220] : memref<256x128xi32, #tpu.memory_space<hbm>> -> memref<64x128xi32, #tpu.memory_space<hbm>>
    %dma_wait3A_222 = arith.constant 128 : i32
    %dma_wait3A_223 = arith.constant 0 : i32
    %dma_wait3A_224 = tpu.memref_slice %arg2[%dma_wait3A_222, %dma_wait3A_223] : memref<256x128xi32, #tpu.memory_space<hbm>> -> memref<64x128xi32, #tpu.memory_space<hbm>>
    tpu.wait_dma2 semaphore(%arg11 : memref<!tpu.dma_semaphore, #tpu.memory_space<semaphore_mem>>) src(%dma_wait3A_224 : memref<64x128xi32, #tpu.memory_space<hbm>>) dst(%arg6 : memref<64x128xi32, #tpu.memory_space<vmem>>)
    %dma_wait3A_225 = arith.constant 128 : i32
    %dma_wait3A_226 = arith.constant 0 : i32
    %dma_wait3A_227 = tpu.memref_slice %arg3[%dma_wait3A_225, %dma_wait3A_226] : memref<256x128xi32, #tpu.memory_space<hbm>> -> memref<64x128xi32, #tpu.memory_space<hbm>>
    %dma_wait3A_228 = arith.constant 128 : i32
    %dma_wait3A_229 = arith.constant 0 : i32
    %dma_wait3A_230 = tpu.memref_slice %arg3[%dma_wait3A_228, %dma_wait3A_229] : memref<256x128xi32, #tpu.memory_space<hbm>> -> memref<64x128xi32, #tpu.memory_space<hbm>>
    tpu.wait_dma2 semaphore(%arg12 : memref<!tpu.dma_semaphore, #tpu.memory_space<semaphore_mem>>) src(%dma_wait3A_230 : memref<64x128xi32, #tpu.memory_space<hbm>>) dst(%arg7 : memref<64x128xi32, #tpu.memory_space<vmem>>)
    %scan3A_231 = arith.constant 0 : i32
    %scan3A_232 = arith.constant 0 : i32
    %scan3A_233 = arith.constant 64 : i32
    %scan3A_234 = arith.addi %scan3A_232, %scan3A_233 : i32
    %scan3A_235 = arith.constant 1 : i32
    scf.for %scan3A_255 = %scan3A_232 to %scan3A_234 step %scan3A_235  : i32 {
      %get3A = arith.index_cast %scan3A_255 : i32 to index
      %get3A_256 = arith.constant 0 : index
      %get3A_257 = tpu.vector_load %arg6[%get3A, %get3A_256] {strides = array<i32>} : memref<64x128xi32, #tpu.memory_space<vmem>>, vector<16xi32>,
      %get3A_258 = arith.index_cast %scan3A_255 : i32 to index
      %get3A_259 = arith.constant 0 : index
      %get3A_260 = tpu.vector_load %arg7[%get3A_258, %get3A_259] {strides = array<i32>} : memref<64x128xi32, #tpu.memory_space<vmem>>, vector<16xi32>,
      %sub3A = arith.subi %get3A_260, %broadcast_in_dim3A_146 : vector<16xi32>
      %bitcast3A = vector.bitcast %sub3A : vector<16xi32> to vector<16xi32>
      %lt3A = arith.cmpi ult, %bitcast3A, %broadcast_in_dim3A_7 : vector<16xi32>
      %select_n3A = arith.select %lt3A, %sub3A, %broadcast_in_dim3A_5 : vector<16xi1>, vector<16xi32>
      %select_n3A_261 = arith.select %lt3A, %broadcast_in_dim3A_1, %broadcast_in_dim3A_3 : vector<16xi1>, vector<16xf32>
      tpu.vector_store_idx %arg10[%select_n3A, %get3A_257], %select_n3A_261 {add = true} : memref<32x2048xf32, #tpu.memory_space<vmem>>[vector<16xi32>, vector<16xi32>], vector<16xf32>,
      %get3A_262 = arith.index_cast %scan3A_255 : i32 to index
      %get3A_263 = arith.constant 16 : index
      %get3A_264 = tpu.vector_load %arg6[%get3A_262, %get3A_263] {strides = array<i32>} : memref<64x128xi32, #tpu.memory_space<vmem>>, vector<16xi32>,
      %get3A_265 = arith.index_cast %scan3A_255 : i32 to index
      %get3A_266 = arith.constant 16 : index
      %get3A_267 = tpu.vector_load %arg7[%get3A_265, %get3A_266] {strides = array<i32>} : memref<64x128xi32, #tpu.memory_space<vmem>>, vector<16xi32>,
      %sub3A_268 = arith.subi %get3A_267, %broadcast_in_dim3A_146 : vector<16xi32>
      %bitcast3A_269 = vector.bitcast %sub3A_268 : vector<16xi32> to vector<16xi32>
      %lt3A_270 = arith.cmpi ult, %bitcast3A_269, %broadcast_in_dim3A_7 : vector<16xi32>
      %select_n3A_271 = arith.select %lt3A_270, %sub3A_268, %broadcast_in_dim3A_5 : vector<16xi1>, vector<16xi32>
      %select_n3A_272 = arith.select %lt3A_270, %broadcast_in_dim3A_1, %broadcast_in_dim3A_3 : vector<16xi1>, vector<16xf32>
      tpu.vector_store_idx %arg10[%select_n3A_271, %get3A_264], %select_n3A_272 {add = true} : memref<32x2048xf32, #tpu.memory_space<vmem>>[vector<16xi32>, vector<16xi32>], vector<16xf32>,
      %get3A_273 = arith.index_cast %scan3A_255 : i32 to index
      %get3A_274 = arith.constant 32 : index
      %get3A_275 = tpu.vector_load %arg6[%get3A_273, %get3A_274] {strides = array<i32>} : memref<64x128xi32, #tpu.memory_space<vmem>>, vector<16xi32>,
      %get3A_276 = arith.index_cast %scan3A_255 : i32 to index
      %get3A_277 = arith.constant 32 : index
      %get3A_278 = tpu.vector_load %arg7[%get3A_276, %get3A_277] {strides = array<i32>} : memref<64x128xi32, #tpu.memory_space<vmem>>, vector<16xi32>,
      %sub3A_279 = arith.subi %get3A_278, %broadcast_in_dim3A_146 : vector<16xi32>
      %bitcast3A_280 = vector.bitcast %sub3A_279 : vector<16xi32> to vector<16xi32>
      %lt3A_281 = arith.cmpi ult, %bitcast3A_280, %broadcast_in_dim3A_7 : vector<16xi32>
      %select_n3A_282 = arith.select %lt3A_281, %sub3A_279, %broadcast_in_dim3A_5 : vector<16xi1>, vector<16xi32>
      %select_n3A_283 = arith.select %lt3A_281, %broadcast_in_dim3A_1, %broadcast_in_dim3A_3 : vector<16xi1>, vector<16xf32>
      tpu.vector_store_idx %arg10[%select_n3A_282, %get3A_275], %select_n3A_283 {add = true} : memref<32x2048xf32, #tpu.memory_space<vmem>>[vector<16xi32>, vector<16xi32>], vector<16xf32>,
      %get3A_284 = arith.index_cast %scan3A_255 : i32 to index
      %get3A_285 = arith.constant 48 : index
      %get3A_286 = tpu.vector_load %arg6[%get3A_284, %get3A_285] {strides = array<i32>} : memref<64x128xi32, #tpu.memory_space<vmem>>, vector<16xi32>,
      %get3A_287 = arith.index_cast %scan3A_255 : i32 to index
      %get3A_288 = arith.constant 48 : index
      %get3A_289 = tpu.vector_load %arg7[%get3A_287, %get3A_288] {strides = array<i32>} : memref<64x128xi32, #tpu.memory_space<vmem>>, vector<16xi32>,
      %sub3A_290 = arith.subi %get3A_289, %broadcast_in_dim3A_146 : vector<16xi32>
      %bitcast3A_291 = vector.bitcast %sub3A_290 : vector<16xi32> to vector<16xi32>
      %lt3A_292 = arith.cmpi ult, %bitcast3A_291, %broadcast_in_dim3A_7 : vector<16xi32>
      %select_n3A_293 = arith.select %lt3A_292, %sub3A_290, %broadcast_in_dim3A_5 : vector<16xi1>, vector<16xi32>
      %select_n3A_294 = arith.select %lt3A_292, %broadcast_in_dim3A_1, %broadcast_in_dim3A_3 : vector<16xi1>, vector<16xf32>
      tpu.vector_store_idx %arg10[%select_n3A_293, %get3A_286], %select_n3A_294 {add = true} : memref<32x2048xf32, #tpu.memory_space<vmem>>[vector<16xi32>, vector<16xi32>], vector<16xf32>,
      %get3A_295 = arith.index_cast %scan3A_255 : i32 to index
      %get3A_296 = arith.constant 64 : index
      %get3A_297 = tpu.vector_load %arg6[%get3A_295, %get3A_296] {strides = array<i32>} : memref<64x128xi32, #tpu.memory_space<vmem>>, vector<16xi32>,
      %get3A_298 = arith.index_cast %scan3A_255 : i32 to index
      %get3A_299 = arith.constant 64 : index
      %get3A_300 = tpu.vector_load %arg7[%get3A_298, %get3A_299] {strides = array<i32>} : memref<64x128xi32, #tpu.memory_space<vmem>>, vector<16xi32>,
      %sub3A_301 = arith.subi %get3A_300, %broadcast_in_dim3A_146 : vector<16xi32>
      %bitcast3A_302 = vector.bitcast %sub3A_301 : vector<16xi32> to vector<16xi32>
      %lt3A_303 = arith.cmpi ult, %bitcast3A_302, %broadcast_in_dim3A_7 : vector<16xi32>
      %select_n3A_304 = arith.select %lt3A_303, %sub3A_301, %broadcast_in_dim3A_5 : vector<16xi1>, vector<16xi32>
      %select_n3A_305 = arith.select %lt3A_303, %broadcast_in_dim3A_1, %broadcast_in_dim3A_3 : vector<16xi1>, vector<16xf32>
      tpu.vector_store_idx %arg10[%select_n3A_304, %get3A_297], %select_n3A_305 {add = true} : memref<32x2048xf32, #tpu.memory_space<vmem>>[vector<16xi32>, vector<16xi32>], vector<16xf32>,
      %get3A_306 = arith.index_cast %scan3A_255 : i32 to index
      %get3A_307 = arith.constant 80 : index
      %get3A_308 = tpu.vector_load %arg6[%get3A_306, %get3A_307] {strides = array<i32>} : memref<64x128xi32, #tpu.memory_space<vmem>>, vector<16xi32>,
      %get3A_309 = arith.index_cast %scan3A_255 : i32 to index
      %get3A_310 = arith.constant 80 : index
      %get3A_311 = tpu.vector_load %arg7[%get3A_309, %get3A_310] {strides = array<i32>} : memref<64x128xi32, #tpu.memory_space<vmem>>, vector<16xi32>,
      %sub3A_312 = arith.subi %get3A_311, %broadcast_in_dim3A_146 : vector<16xi32>
      %bitcast3A_313 = vector.bitcast %sub3A_312 : vector<16xi32> to vector<16xi32>
      %lt3A_314 = arith.cmpi ult, %bitcast3A_313, %broadcast_in_dim3A_7 : vector<16xi32>
      %select_n3A_315 = arith.select %lt3A_314, %sub3A_312, %broadcast_in_dim3A_5 : vector<16xi1>, vector<16xi32>
      %select_n3A_316 = arith.select %lt3A_314, %broadcast_in_dim3A_1, %broadcast_in_dim3A_3 : vector<16xi1>, vector<16xf32>
      tpu.vector_store_idx %arg10[%select_n3A_315, %get3A_308], %select_n3A_316 {add = true} : memref<32x2048xf32, #tpu.memory_space<vmem>>[vector<16xi32>, vector<16xi32>], vector<16xf32>,
      %get3A_317 = arith.index_cast %scan3A_255 : i32 to index
      %get3A_318 = arith.constant 96 : index
      %get3A_319 = tpu.vector_load %arg6[%get3A_317, %get3A_318] {strides = array<i32>} : memref<64x128xi32, #tpu.memory_space<vmem>>, vector<16xi32>,
      %get3A_320 = arith.index_cast %scan3A_255 : i32 to index
      %get3A_321 = arith.constant 96 : index
      %get3A_322 = tpu.vector_load %arg7[%get3A_320, %get3A_321] {strides = array<i32>} : memref<64x128xi32, #tpu.memory_space<vmem>>, vector<16xi32>,
      %sub3A_323 = arith.subi %get3A_322, %broadcast_in_dim3A_146 : vector<16xi32>
      %bitcast3A_324 = vector.bitcast %sub3A_323 : vector<16xi32> to vector<16xi32>
      %lt3A_325 = arith.cmpi ult, %bitcast3A_324, %broadcast_in_dim3A_7 : vector<16xi32>
      %select_n3A_326 = arith.select %lt3A_325, %sub3A_323, %broadcast_in_dim3A_5 : vector<16xi1>, vector<16xi32>
      %select_n3A_327 = arith.select %lt3A_325, %broadcast_in_dim3A_1, %broadcast_in_dim3A_3 : vector<16xi1>, vector<16xf32>
      tpu.vector_store_idx %arg10[%select_n3A_326, %get3A_319], %select_n3A_327 {add = true} : memref<32x2048xf32, #tpu.memory_space<vmem>>[vector<16xi32>, vector<16xi32>], vector<16xf32>,
      %get3A_328 = arith.index_cast %scan3A_255 : i32 to index
      %get3A_329 = arith.constant 112 : index
      %get3A_330 = tpu.vector_load %arg6[%get3A_328, %get3A_329] {strides = array<i32>} : memref<64x128xi32, #tpu.memory_space<vmem>>, vector<16xi32>,
      %get3A_331 = arith.index_cast %scan3A_255 : i32 to index
      %get3A_332 = arith.constant 112 : index
      %get3A_333 = tpu.vector_load %arg7[%get3A_331, %get3A_332] {strides = array<i32>} : memref<64x128xi32, #tpu.memory_space<vmem>>, vector<16xi32>,
      %sub3A_334 = arith.subi %get3A_333, %broadcast_in_dim3A_146 : vector<16xi32>
      %bitcast3A_335 = vector.bitcast %sub3A_334 : vector<16xi32> to vector<16xi32>
      %lt3A_336 = arith.cmpi ult, %bitcast3A_335, %broadcast_in_dim3A_7 : vector<16xi32>
      %select_n3A_337 = arith.select %lt3A_336, %sub3A_334, %broadcast_in_dim3A_5 : vector<16xi1>, vector<16xi32>
      %select_n3A_338 = arith.select %lt3A_336, %broadcast_in_dim3A_1, %broadcast_in_dim3A_3 : vector<16xi1>, vector<16xf32>
      tpu.vector_store_idx %arg10[%select_n3A_337, %get3A_330], %select_n3A_338 {add = true} : memref<32x2048xf32, #tpu.memory_space<vmem>>[vector<16xi32>, vector<16xi32>], vector<16xf32>,
    }
    %scan3A_236 = arith.constant 64 : i32
    %dma_wait3A_237 = arith.constant 192 : i32
    %dma_wait3A_238 = arith.constant 0 : i32
    %dma_wait3A_239 = tpu.memref_slice %arg2[%dma_wait3A_237, %dma_wait3A_238] : memref<256x128xi32, #tpu.memory_space<hbm>> -> memref<64x128xi32, #tpu.memory_space<hbm>>
    %dma_wait3A_240 = arith.constant 192 : i32
    %dma_wait3A_241 = arith.constant 0 : i32
    %dma_wait3A_242 = tpu.memref_slice %arg2[%dma_wait3A_240, %dma_wait3A_241] : memref<256x128xi32, #tpu.memory_space<hbm>> -> memref<64x128xi32, #tpu.memory_space<hbm>>
    tpu.wait_dma2 semaphore(%arg13 : memref<!tpu.dma_semaphore, #tpu.memory_space<semaphore_mem>>) src(%dma_wait3A_242 : memref<64x128xi32, #tpu.memory_space<hbm>>) dst(%arg8 : memref<64x128xi32, #tpu.memory_space<vmem>>)
    %dma_wait3A_243 = arith.constant 192 : i32
    %dma_wait3A_244 = arith.constant 0 : i32
    %dma_wait3A_245 = tpu.memref_slice %arg3[%dma_wait3A_243, %dma_wait3A_244] : memref<256x128xi32, #tpu.memory_space<hbm>> -> memref<64x128xi32, #tpu.memory_space<hbm>>
    %dma_wait3A_246 = arith.constant 192 : i32
    %dma_wait3A_247 = arith.constant 0 : i32
    %dma_wait3A_248 = tpu.memref_slice %arg3[%dma_wait3A_246, %dma_wait3A_247] : memref<256x128xi32, #tpu.memory_space<hbm>> -> memref<64x128xi32, #tpu.memory_space<hbm>>
    tpu.wait_dma2 semaphore(%arg14 : memref<!tpu.dma_semaphore, #tpu.memory_space<semaphore_mem>>) src(%dma_wait3A_248 : memref<64x128xi32, #tpu.memory_space<hbm>>) dst(%arg9 : memref<64x128xi32, #tpu.memory_space<vmem>>)
    %scan3A_249 = arith.constant 0 : i32
    %scan3A_250 = arith.constant 0 : i32
    %scan3A_251 = arith.constant 64 : i32
    %scan3A_252 = arith.addi %scan3A_250, %scan3A_251 : i32
    %scan3A_253 = arith.constant 1 : i32
    scf.for %scan3A_255 = %scan3A_250 to %scan3A_252 step %scan3A_253  : i32 {
      %get3A = arith.index_cast %scan3A_255 : i32 to index
      %get3A_256 = arith.constant 0 : index
      %get3A_257 = tpu.vector_load %arg8[%get3A, %get3A_256] {strides = array<i32>} : memref<64x128xi32, #tpu.memory_space<vmem>>, vector<16xi32>,
      %get3A_258 = arith.index_cast %scan3A_255 : i32 to index
      %get3A_259 = arith.constant 0 : index
      %get3A_260 = tpu.vector_load %arg9[%get3A_258, %get3A_259] {strides = array<i32>} : memref<64x128xi32, #tpu.memory_space<vmem>>, vector<16xi32>,
      %sub3A = arith.subi %get3A_260, %broadcast_in_dim3A_146 : vector<16xi32>
      %bitcast3A = vector.bitcast %sub3A : vector<16xi32> to vector<16xi32>
      %lt3A = arith.cmpi ult, %bitcast3A, %broadcast_in_dim3A_7 : vector<16xi32>
      %select_n3A = arith.select %lt3A, %sub3A, %broadcast_in_dim3A_5 : vector<16xi1>, vector<16xi32>
      %select_n3A_261 = arith.select %lt3A, %broadcast_in_dim3A_1, %broadcast_in_dim3A_3 : vector<16xi1>, vector<16xf32>
      tpu.vector_store_idx %arg10[%select_n3A, %get3A_257], %select_n3A_261 {add = true} : memref<32x2048xf32, #tpu.memory_space<vmem>>[vector<16xi32>, vector<16xi32>], vector<16xf32>,
      %get3A_262 = arith.index_cast %scan3A_255 : i32 to index
      %get3A_263 = arith.constant 16 : index
      %get3A_264 = tpu.vector_load %arg8[%get3A_262, %get3A_263] {strides = array<i32>} : memref<64x128xi32, #tpu.memory_space<vmem>>, vector<16xi32>,
      %get3A_265 = arith.index_cast %scan3A_255 : i32 to index
      %get3A_266 = arith.constant 16 : index
      %get3A_267 = tpu.vector_load %arg9[%get3A_265, %get3A_266] {strides = array<i32>} : memref<64x128xi32, #tpu.memory_space<vmem>>, vector<16xi32>,
      %sub3A_268 = arith.subi %get3A_267, %broadcast_in_dim3A_146 : vector<16xi32>
      %bitcast3A_269 = vector.bitcast %sub3A_268 : vector<16xi32> to vector<16xi32>
      %lt3A_270 = arith.cmpi ult, %bitcast3A_269, %broadcast_in_dim3A_7 : vector<16xi32>
      %select_n3A_271 = arith.select %lt3A_270, %sub3A_268, %broadcast_in_dim3A_5 : vector<16xi1>, vector<16xi32>
      %select_n3A_272 = arith.select %lt3A_270, %broadcast_in_dim3A_1, %broadcast_in_dim3A_3 : vector<16xi1>, vector<16xf32>
      tpu.vector_store_idx %arg10[%select_n3A_271, %get3A_264], %select_n3A_272 {add = true} : memref<32x2048xf32, #tpu.memory_space<vmem>>[vector<16xi32>, vector<16xi32>], vector<16xf32>,
      %get3A_273 = arith.index_cast %scan3A_255 : i32 to index
      %get3A_274 = arith.constant 32 : index
      %get3A_275 = tpu.vector_load %arg8[%get3A_273, %get3A_274] {strides = array<i32>} : memref<64x128xi32, #tpu.memory_space<vmem>>, vector<16xi32>,
      %get3A_276 = arith.index_cast %scan3A_255 : i32 to index
      %get3A_277 = arith.constant 32 : index
      %get3A_278 = tpu.vector_load %arg9[%get3A_276, %get3A_277] {strides = array<i32>} : memref<64x128xi32, #tpu.memory_space<vmem>>, vector<16xi32>,
      %sub3A_279 = arith.subi %get3A_278, %broadcast_in_dim3A_146 : vector<16xi32>
      %bitcast3A_280 = vector.bitcast %sub3A_279 : vector<16xi32> to vector<16xi32>
      %lt3A_281 = arith.cmpi ult, %bitcast3A_280, %broadcast_in_dim3A_7 : vector<16xi32>
      %select_n3A_282 = arith.select %lt3A_281, %sub3A_279, %broadcast_in_dim3A_5 : vector<16xi1>, vector<16xi32>
      %select_n3A_283 = arith.select %lt3A_281, %broadcast_in_dim3A_1, %broadcast_in_dim3A_3 : vector<16xi1>, vector<16xf32>
      tpu.vector_store_idx %arg10[%select_n3A_282, %get3A_275], %select_n3A_283 {add = true} : memref<32x2048xf32, #tpu.memory_space<vmem>>[vector<16xi32>, vector<16xi32>], vector<16xf32>,
      %get3A_284 = arith.index_cast %scan3A_255 : i32 to index
      %get3A_285 = arith.constant 48 : index
      %get3A_286 = tpu.vector_load %arg8[%get3A_284, %get3A_285] {strides = array<i32>} : memref<64x128xi32, #tpu.memory_space<vmem>>, vector<16xi32>,
      %get3A_287 = arith.index_cast %scan3A_255 : i32 to index
      %get3A_288 = arith.constant 48 : index
      %get3A_289 = tpu.vector_load %arg9[%get3A_287, %get3A_288] {strides = array<i32>} : memref<64x128xi32, #tpu.memory_space<vmem>>, vector<16xi32>,
      %sub3A_290 = arith.subi %get3A_289, %broadcast_in_dim3A_146 : vector<16xi32>
      %bitcast3A_291 = vector.bitcast %sub3A_290 : vector<16xi32> to vector<16xi32>
      %lt3A_292 = arith.cmpi ult, %bitcast3A_291, %broadcast_in_dim3A_7 : vector<16xi32>
      %select_n3A_293 = arith.select %lt3A_292, %sub3A_290, %broadcast_in_dim3A_5 : vector<16xi1>, vector<16xi32>
      %select_n3A_294 = arith.select %lt3A_292, %broadcast_in_dim3A_1, %broadcast_in_dim3A_3 : vector<16xi1>, vector<16xf32>
      tpu.vector_store_idx %arg10[%select_n3A_293, %get3A_286], %select_n3A_294 {add = true} : memref<32x2048xf32, #tpu.memory_space<vmem>>[vector<16xi32>, vector<16xi32>], vector<16xf32>,
      %get3A_295 = arith.index_cast %scan3A_255 : i32 to index
      %get3A_296 = arith.constant 64 : index
      %get3A_297 = tpu.vector_load %arg8[%get3A_295, %get3A_296] {strides = array<i32>} : memref<64x128xi32, #tpu.memory_space<vmem>>, vector<16xi32>,
      %get3A_298 = arith.index_cast %scan3A_255 : i32 to index
      %get3A_299 = arith.constant 64 : index
      %get3A_300 = tpu.vector_load %arg9[%get3A_298, %get3A_299] {strides = array<i32>} : memref<64x128xi32, #tpu.memory_space<vmem>>, vector<16xi32>,
      %sub3A_301 = arith.subi %get3A_300, %broadcast_in_dim3A_146 : vector<16xi32>
      %bitcast3A_302 = vector.bitcast %sub3A_301 : vector<16xi32> to vector<16xi32>
      %lt3A_303 = arith.cmpi ult, %bitcast3A_302, %broadcast_in_dim3A_7 : vector<16xi32>
      %select_n3A_304 = arith.select %lt3A_303, %sub3A_301, %broadcast_in_dim3A_5 : vector<16xi1>, vector<16xi32>
      %select_n3A_305 = arith.select %lt3A_303, %broadcast_in_dim3A_1, %broadcast_in_dim3A_3 : vector<16xi1>, vector<16xf32>
      tpu.vector_store_idx %arg10[%select_n3A_304, %get3A_297], %select_n3A_305 {add = true} : memref<32x2048xf32, #tpu.memory_space<vmem>>[vector<16xi32>, vector<16xi32>], vector<16xf32>,
      %get3A_306 = arith.index_cast %scan3A_255 : i32 to index
      %get3A_307 = arith.constant 80 : index
      %get3A_308 = tpu.vector_load %arg8[%get3A_306, %get3A_307] {strides = array<i32>} : memref<64x128xi32, #tpu.memory_space<vmem>>, vector<16xi32>,
      %get3A_309 = arith.index_cast %scan3A_255 : i32 to index
      %get3A_310 = arith.constant 80 : index
      %get3A_311 = tpu.vector_load %arg9[%get3A_309, %get3A_310] {strides = array<i32>} : memref<64x128xi32, #tpu.memory_space<vmem>>, vector<16xi32>,
      %sub3A_312 = arith.subi %get3A_311, %broadcast_in_dim3A_146 : vector<16xi32>
      %bitcast3A_313 = vector.bitcast %sub3A_312 : vector<16xi32> to vector<16xi32>
      %lt3A_314 = arith.cmpi ult, %bitcast3A_313, %broadcast_in_dim3A_7 : vector<16xi32>
      %select_n3A_315 = arith.select %lt3A_314, %sub3A_312, %broadcast_in_dim3A_5 : vector<16xi1>, vector<16xi32>
      %select_n3A_316 = arith.select %lt3A_314, %broadcast_in_dim3A_1, %broadcast_in_dim3A_3 : vector<16xi1>, vector<16xf32>
      tpu.vector_store_idx %arg10[%select_n3A_315, %get3A_308], %select_n3A_316 {add = true} : memref<32x2048xf32, #tpu.memory_space<vmem>>[vector<16xi32>, vector<16xi32>], vector<16xf32>,
      %get3A_317 = arith.index_cast %scan3A_255 : i32 to index
      %get3A_318 = arith.constant 96 : index
      %get3A_319 = tpu.vector_load %arg8[%get3A_317, %get3A_318] {strides = array<i32>} : memref<64x128xi32, #tpu.memory_space<vmem>>, vector<16xi32>,
      %get3A_320 = arith.index_cast %scan3A_255 : i32 to index
      %get3A_321 = arith.constant 96 : index
      %get3A_322 = tpu.vector_load %arg9[%get3A_320, %get3A_321] {strides = array<i32>} : memref<64x128xi32, #tpu.memory_space<vmem>>, vector<16xi32>,
      %sub3A_323 = arith.subi %get3A_322, %broadcast_in_dim3A_146 : vector<16xi32>
      %bitcast3A_324 = vector.bitcast %sub3A_323 : vector<16xi32> to vector<16xi32>
      %lt3A_325 = arith.cmpi ult, %bitcast3A_324, %broadcast_in_dim3A_7 : vector<16xi32>
      %select_n3A_326 = arith.select %lt3A_325, %sub3A_323, %broadcast_in_dim3A_5 : vector<16xi1>, vector<16xi32>
      %select_n3A_327 = arith.select %lt3A_325, %broadcast_in_dim3A_1, %broadcast_in_dim3A_3 : vector<16xi1>, vector<16xf32>
      tpu.vector_store_idx %arg10[%select_n3A_326, %get3A_319], %select_n3A_327 {add = true} : memref<32x2048xf32, #tpu.memory_space<vmem>>[vector<16xi32>, vector<16xi32>], vector<16xf32>,
      %get3A_328 = arith.index_cast %scan3A_255 : i32 to index
      %get3A_329 = arith.constant 112 : index
      %get3A_330 = tpu.vector_load %arg8[%get3A_328, %get3A_329] {strides = array<i32>} : memref<64x128xi32, #tpu.memory_space<vmem>>, vector<16xi32>,
      %get3A_331 = arith.index_cast %scan3A_255 : i32 to index
      %get3A_332 = arith.constant 112 : index
      %get3A_333 = tpu.vector_load %arg9[%get3A_331, %get3A_332] {strides = array<i32>} : memref<64x128xi32, #tpu.memory_space<vmem>>, vector<16xi32>,
      %sub3A_334 = arith.subi %get3A_333, %broadcast_in_dim3A_146 : vector<16xi32>
      %bitcast3A_335 = vector.bitcast %sub3A_334 : vector<16xi32> to vector<16xi32>
      %lt3A_336 = arith.cmpi ult, %bitcast3A_335, %broadcast_in_dim3A_7 : vector<16xi32>
      %select_n3A_337 = arith.select %lt3A_336, %sub3A_334, %broadcast_in_dim3A_5 : vector<16xi1>, vector<16xi32>
      %select_n3A_338 = arith.select %lt3A_336, %broadcast_in_dim3A_1, %broadcast_in_dim3A_3 : vector<16xi1>, vector<16xf32>
      tpu.vector_store_idx %arg10[%select_n3A_337, %get3A_330], %select_n3A_338 {add = true} : memref<32x2048xf32, #tpu.memory_space<vmem>>[vector<16xi32>, vector<16xi32>], vector<16xf32>,
    }
    %scan3A_254 = arith.constant 64 : i32
    "tpu.region"() ({
      %run_scoped3A = tpu.sem_alloc : memref<!tpu.dma_semaphore, #tpu.memory_space<semaphore_mem>>
      %dma_start3A_255 = arith.constant 0 : i32
      %dma_start3A_256 = tpu.memref_slice %arg5[%add3A_145, %dma_start3A_255] : memref<2048x2048xf32, #tpu.memory_space<hbm>> -> memref<32x2048xf32, #tpu.memory_space<hbm>>
      %dma_start3A_257 = arith.constant 0 : i32
      %dma_start3A_258 = tpu.memref_slice %arg5[%add3A_145, %dma_start3A_257] : memref<2048x2048xf32, #tpu.memory_space<hbm>> -> memref<32x2048xf32, #tpu.memory_space<hbm>>
      tpu.enqueue_dma source(%arg10 : memref<32x2048xf32, #tpu.memory_space<vmem>>) target(%dma_start3A_258 : memref<32x2048xf32, #tpu.memory_space<hbm>>) target_semaphore(%run_scoped3A : memref<!tpu.dma_semaphore, #tpu.memory_space<semaphore_mem>>)
      %dma_wait3A_259 = arith.constant 0 : i32
      %dma_wait3A_260 = tpu.memref_slice %arg5[%add3A_145, %dma_wait3A_259] : memref<2048x2048xf32, #tpu.memory_space<hbm>> -> memref<32x2048xf32, #tpu.memory_space<hbm>>
      %dma_wait3A_261 = arith.constant 0 : i32
      %dma_wait3A_262 = tpu.memref_slice %arg5[%add3A_145, %dma_wait3A_261] : memref<2048x2048xf32, #tpu.memory_space<hbm>> -> memref<32x2048xf32, #tpu.memory_space<hbm>>
      tpu.wait_dma2 semaphore(%run_scoped3A : memref<!tpu.dma_semaphore, #tpu.memory_space<semaphore_mem>>) src(%arg10 : memref<32x2048xf32, #tpu.memory_space<vmem>>) dst(%dma_wait3A_262 : memref<32x2048xf32, #tpu.memory_space<hbm>>)
      tpu.yield
    }) : () -> ()
    return
  }
}

module attributes {stable_mosaic.version = 14 : i64} {
  func.func @_mm_body(%arg0: i32, %arg1: memref<2048x2048xf32, #tpu.memory_space<vmem>>, %arg2: memref<2048x128xf32, #tpu.memory_space<vmem>>, %arg3: memref<16x2048xf32, #tpu.memory_space<vmem>>, %arg4: memref<128x256xf32, #tpu.memory_space<vmem>>, %arg5: memref<128x256xf32, #tpu.memory_space<vmem>>, %arg6: memref<1x256xf32, #tpu.memory_space<vmem>>, %arg7: memref<256x256xf32, #tpu.memory_space<vmem>>, %arg8: memref<256x256xf32, #tpu.memory_space<vmem>>, %arg9: memref<1x256xf32, #tpu.memory_space<vmem>>, %arg10: memref<16x3xf32, #tpu.memory_space<vmem>>, %arg11: memref<16x13xi32, #tpu.memory_space<vmem>>, %arg12: memref<16x13xf32, #tpu.memory_space<vmem>>, %arg13: memref<256x512xf32, #tpu.memory_space<vmem>>, %arg14: memref<3x512xf32, #tpu.memory_space<vmem>>, %arg15: memref<1x512xf32, #tpu.memory_space<vmem>>, %arg16: memref<512x512xf32, #tpu.memory_space<vmem>>, %arg17: memref<1x512xf32, #tpu.memory_space<vmem>>, %arg18: memref<512x13xf32, #tpu.memory_space<vmem>>, %arg19: memref<1x13xf32, #tpu.memory_space<vmem>>, %arg20: memref<1x16xi32, #tpu.memory_space<vmem>>, %arg21: memref<16x13xf32, #tpu.memory_space<vmem>>, %arg22: memref<2048x256xf32, #tpu.memory_space<vmem>>, %arg23: memref<16x2x2048xf32, #tpu.memory_space<vmem>>, %arg24: memref<16x2x256xf32, #tpu.memory_space<vmem>>) attributes {dimension_semantics = [#tpu.dimension_semantics<arbitrary>], iteration_bounds = array<i64: 16>, scalar_prefetch = 0 : i64, scratch_operands = 3 : i64, tpu.core_type = #tpu.core_type<tc>, window_params = [{pipeline_mode = #tpu.pipeline_mode<synchronous>, transform_indices = @transform_0, window_bounds = array<i64: 2048, 2048>}, {transform_indices = @transform_1, window_bounds = array<i64: 2048, 128>}, {pipeline_mode = #tpu.pipeline_mode<synchronous>, transform_indices = @transform_2, window_bounds = array<i64: 16, 2048>}, {pipeline_mode = #tpu.pipeline_mode<synchronous>, transform_indices = @transform_3, window_bounds = array<i64: 128, 256>}, {pipeline_mode = #tpu.pipeline_mode<synchronous>, transform_indices = @transform_4, window_bounds = array<i64: 128, 256>}, {pipeline_mode = #tpu.pipeline_mode<synchronous>, transform_indices = @transform_5, window_bounds = array<i64: 1, 256>}, {pipeline_mode = #tpu.pipeline_mode<synchronous>, transform_indices = @transform_6, window_bounds = array<i64: 256, 256>}, {pipeline_mode = #tpu.pipeline_mode<synchronous>, transform_indices = @transform_7, window_bounds = array<i64: 256, 256>}, {pipeline_mode = #tpu.pipeline_mode<synchronous>, transform_indices = @transform_8, window_bounds = array<i64: 1, 256>}, {pipeline_mode = #tpu.pipeline_mode<synchronous>, transform_indices = @transform_9, window_bounds = array<i64: 16, 3>}, {pipeline_mode = #tpu.pipeline_mode<synchronous>, transform_indices = @transform_10, window_bounds = array<i64: 16, 13>}, {pipeline_mode = #tpu.pipeline_mode<synchronous>, transform_indices = @transform_11, window_bounds = array<i64: 16, 13>}, {pipeline_mode = #tpu.pipeline_mode<synchronous>, transform_indices = @transform_12, window_bounds = array<i64: 256, 512>}, {pipeline_mode = #tpu.pipeline_mode<synchronous>, transform_indices = @transform_13, window_bounds = array<i64: 3, 512>}, {pipeline_mode = #tpu.pipeline_mode<synchronous>, transform_indices = @transform_14, window_bounds = array<i64: 1, 512>}, {pipeline_mode = #tpu.pipeline_mode<synchronous>, transform_indices = @transform_15, window_bounds = array<i64: 512, 512>}, {pipeline_mode = #tpu.pipeline_mode<synchronous>, transform_indices = @transform_16, window_bounds = array<i64: 1, 512>}, {pipeline_mode = #tpu.pipeline_mode<synchronous>, transform_indices = @transform_17, window_bounds = array<i64: 512, 13>}, {pipeline_mode = #tpu.pipeline_mode<synchronous>, transform_indices = @transform_18, window_bounds = array<i64: 1, 13>}, {pipeline_mode = #tpu.pipeline_mode<synchronous>, transform_indices = @transform_19, window_bounds = array<i64: 1, 16>}, {pipeline_mode = #tpu.pipeline_mode<synchronous>, transform_indices = @transform_20, window_bounds = array<i64: 16, 13>}]} {
    %eq3A = arith.constant 0 : i32
    %eq3A_0 = arith.cmpi eq, %arg0, %eq3A : i32
    %convert_element_type3A = arith.extui %eq3A_0 : i1 to i32
    %cond3A = arith.constant 0 : i32
    %cond3A_1 = arith.cmpi ne, %convert_element_type3A, %cond3A : i32
    scf.if %cond3A_1 {
      %get3A_55 = arith.constant 0 : index
      %get3A_56 = arith.constant 0 : index
      %get3A_57 = vector.load %arg3[%get3A_55, %get3A_56] : memref<16x2048xf32, #tpu.memory_space<vmem>>, vector<16x2048xf32>
      %get3A_58 = arith.constant 0 : index
      %get3A_59 = arith.constant 0 : index
      %get3A_60 = vector.load %arg1[%get3A_58, %get3A_59] : memref<2048x2048xf32, #tpu.memory_space<vmem>>, vector<2048x2048xf32>
      %dot_general3A_61 = arith.constant dense<0.000000e+00> : vector<16x2048xf32>
      %dot_general3A_62 = tpu.matmul %get3A_57, %get3A_60, %dot_general3A_61 {dimension_numbers = #tpu.dot_dimension_numbers<[1], [0], [0], [1], [0, 0, 1, 1], [], []>, transpose_lhs_hint = false} : vector<16x2048xf32>, vector<2048x2048xf32>, vector<16x2048xf32> -> vector<16x2048xf32>
      %swap3A_63 = arith.constant 0 : index
      %swap3A_64 = arith.constant 0 : index
      %swap3A_65 = arith.constant 0 : index
      %swap3A_66 = vector.load %arg23[%swap3A_63, %swap3A_64, %swap3A_65] : memref<16x2x2048xf32, #tpu.memory_space<vmem>>, vector<16x1x2048xf32>
      %swap3A_67 = vector.shape_cast %swap3A_66 : vector<16x1x2048xf32> to vector<16x2048xf32>
      %swap3A_68 = vector.shape_cast %dot_general3A_62 : vector<16x2048xf32> to vector<16x1x2048xf32>
      tpu.vector_store %arg23[%swap3A_63, %swap3A_64, %swap3A_65], %swap3A_68 {strides = array<i32>} : memref<16x2x2048xf32, #tpu.memory_space<vmem>>, vector<16x1x2048xf32>,
      %get3A_69 = arith.constant 0 : index
      %get3A_70 = arith.constant 0 : index
      %get3A_71 = vector.load %arg3[%get3A_69, %get3A_70] : memref<16x2048xf32, #tpu.memory_space<vmem>>, vector<16x2048xf32>
      %swap3A_72 = arith.constant 0 : index
      %swap3A_73 = arith.constant 1 : index
      %swap3A_74 = arith.constant 0 : index
      %swap3A_75 = vector.load %arg23[%swap3A_72, %swap3A_73, %swap3A_74] : memref<16x2x2048xf32, #tpu.memory_space<vmem>>, vector<16x1x2048xf32>
      %swap3A_76 = vector.shape_cast %swap3A_75 : vector<16x1x2048xf32> to vector<16x2048xf32>
      %swap3A_77 = vector.shape_cast %get3A_71 : vector<16x2048xf32> to vector<16x1x2048xf32>
      tpu.vector_store %arg23[%swap3A_72, %swap3A_73, %swap3A_74], %swap3A_77 {strides = array<i32>} : memref<16x2x2048xf32, #tpu.memory_space<vmem>>, vector<16x1x2048xf32>,
    } else {
    }
    %get3A = arith.constant 0 : index
    %get3A_2 = arith.constant 0 : index
    %get3A_3 = vector.load %arg1[%get3A, %get3A_2] : memref<2048x2048xf32, #tpu.memory_space<vmem>>, vector<2048x2048xf32>
    %get3A_4 = arith.constant 0 : index
    %get3A_5 = arith.constant 0 : index
    %get3A_6 = vector.load %arg2[%get3A_4, %get3A_5] : memref<2048x128xf32, #tpu.memory_space<vmem>>, vector<2048x128xf32>
    %dot_general3A = arith.constant dense<0.000000e+00> : vector<2048x128xf32>
    %dot_general3A_7 = tpu.matmul %get3A_3, %get3A_6, %dot_general3A {dimension_numbers = #tpu.dot_dimension_numbers<[1], [0], [0], [1], [0, 0, 1, 1], [], []>, transpose_lhs_hint = false} : vector<2048x2048xf32>, vector<2048x128xf32>, vector<2048x128xf32> -> vector<2048x128xf32>
    %get3A_8 = arith.constant 0 : index
    %get3A_9 = arith.constant 0 : index
    %get3A_10 = vector.load %arg4[%get3A_8, %get3A_9] : memref<128x256xf32, #tpu.memory_space<vmem>>, vector<128x256xf32>
    %dot_general3A_11 = arith.constant dense<0.000000e+00> : vector<2048x256xf32>
    %dot_general3A_12 = tpu.matmul %dot_general3A_7, %get3A_10, %dot_general3A_11 {dimension_numbers = #tpu.dot_dimension_numbers<[1], [0], [0], [1], [0, 0, 1, 1], [], []>, transpose_lhs_hint = false} : vector<2048x128xf32>, vector<128x256xf32>, vector<2048x256xf32> -> vector<2048x256xf32>
    %get3A_13 = arith.constant 0 : index
    %get3A_14 = arith.constant 0 : index
    %get3A_15 = vector.load %arg2[%get3A_13, %get3A_14] : memref<2048x128xf32, #tpu.memory_space<vmem>>, vector<2048x128xf32>
    %get3A_16 = arith.constant 0 : index
    %get3A_17 = arith.constant 0 : index
    %get3A_18 = vector.load %arg5[%get3A_16, %get3A_17] : memref<128x256xf32, #tpu.memory_space<vmem>>, vector<128x256xf32>
    %dot_general3A_19 = arith.constant dense<0.000000e+00> : vector<2048x256xf32>
    %dot_general3A_20 = tpu.matmul %get3A_15, %get3A_18, %dot_general3A_19 {dimension_numbers = #tpu.dot_dimension_numbers<[1], [0], [0], [1], [0, 0, 1, 1], [], []>, transpose_lhs_hint = false} : vector<2048x128xf32>, vector<128x256xf32>, vector<2048x256xf32> -> vector<2048x256xf32>
    %add3A = arith.addf %dot_general3A_12, %dot_general3A_20 : vector<2048x256xf32>
    %get3A_21 = arith.constant 0 : index
    %get3A_22 = arith.constant 0 : index
    %get3A_23 = vector.load %arg6[%get3A_21, %get3A_22] : memref<1x256xf32, #tpu.memory_space<vmem>>, vector<1x256xf32>
    %add3A_24 = vector.broadcast %get3A_23 : vector<1x256xf32> to vector<2048x256xf32>
    %add3A_25 = arith.addf %add3A, %add3A_24 : vector<2048x256xf32>
    %gt3A = arith.constant 0.000000e+00 : f32
    %gt3A_26 = vector.broadcast %gt3A : f32 to vector<2048x256xf32>
    %gt3A_27 = arith.cmpf ogt, %add3A_25, %gt3A_26 : vector<2048x256xf32>
    %min3A = arith.constant 0.000000e+00 : f32
    %min3A_28 = vector.broadcast %min3A : f32 to vector<2048x256xf32>
    %min3A_29 = arith.minimumf %add3A_25, %min3A_28 : vector<2048x256xf32>
    %exp3A = math.exp %min3A_29 : vector<2048x256xf32>
    %sub3A = arith.constant 1.000000e+00 : f32
    %sub3A_30 = vector.broadcast %sub3A : f32 to vector<2048x256xf32>
    %sub3A_31 = arith.subf %exp3A, %sub3A_30 : vector<2048x256xf32>
    %select_n3A = arith.select %gt3A_27, %add3A_25, %sub3A_31 : vector<2048x256xi1>, vector<2048x256xf32>
    %swap3A = arith.constant 0 : index
    %swap3A_32 = arith.constant 0 : index
    %swap3A_33 = vector.load %arg22[%swap3A, %swap3A_32] : memref<2048x256xf32, #tpu.memory_space<vmem>>, vector<2048x256xf32>
    tpu.vector_store %arg22[%swap3A, %swap3A_32], %select_n3A {strides = array<i32>} : memref<2048x256xf32, #tpu.memory_space<vmem>>, vector<2048x256xf32>,
    %get3A_34 = arith.index_cast %arg0 : i32 to index
    %get3A_35 = arith.constant 0 : index
    %get3A_36 = arith.constant 0 : index
    %get3A_37 = vector.load %arg23[%get3A_34, %get3A_35, %get3A_36] : memref<16x2x2048xf32, #tpu.memory_space<vmem>>, vector<1x2x2048xf32>
    %get3A_38 = vector.shape_cast %get3A_37 : vector<1x2x2048xf32> to vector<2x2048xf32>
    %get3A_39 = arith.constant 0 : index
    %get3A_40 = arith.constant 0 : index
    %get3A_41 = vector.load %arg22[%get3A_39, %get3A_40] : memref<2048x256xf32, #tpu.memory_space<vmem>>, vector<2048x256xf32>
    %dot_general3A_42 = arith.constant dense<0.000000e+00> : vector<2x256xf32>
    %dot_general3A_43 = tpu.matmul %get3A_38, %get3A_41, %dot_general3A_42 {dimension_numbers = #tpu.dot_dimension_numbers<[1], [0], [0], [1], [0, 0, 1, 1], [], []>, transpose_lhs_hint = false} : vector<2x2048xf32>, vector<2048x256xf32>, vector<2x256xf32> -> vector<2x256xf32>
    %swap3A_44 = arith.index_cast %arg0 : i32 to index
    %swap3A_45 = arith.constant 0 : index
    %swap3A_46 = arith.constant 0 : index
    %swap3A_47 = vector.load %arg24[%swap3A_44, %swap3A_45, %swap3A_46] : memref<16x2x256xf32, #tpu.memory_space<vmem>>, vector<1x2x256xf32>
    %swap3A_48 = vector.shape_cast %swap3A_47 : vector<1x2x256xf32> to vector<2x256xf32>
    %swap3A_49 = vector.shape_cast %dot_general3A_43 : vector<2x256xf32> to vector<1x2x256xf32>
    tpu.vector_store %arg24[%swap3A_44, %swap3A_45, %swap3A_46], %swap3A_49 {strides = array<i32>} : memref<16x2x256xf32, #tpu.memory_space<vmem>>, vector<1x2x256xf32>,
    %eq3A_50 = arith.constant 15 : i32
    %eq3A_51 = arith.cmpi eq, %arg0, %eq3A_50 : i32
    %convert_element_type3A_52 = arith.extui %eq3A_51 : i1 to i32
    %cond3A_53 = arith.constant 0 : i32
    %cond3A_54 = arith.cmpi ne, %convert_element_type3A_52, %cond3A_53 : i32
    scf.if %cond3A_54 {
      %get3A_55 = arith.constant 0 : index
      %get3A_56 = arith.constant 0 : index
      %get3A_57 = arith.constant 0 : index
      %get3A_58 = vector.load %arg24[%get3A_55, %get3A_56, %get3A_57] : memref<16x2x256xf32, #tpu.memory_space<vmem>>, vector<16x1x256xf32>
      %get3A_59 = vector.shape_cast %get3A_58 : vector<16x1x256xf32> to vector<16x256xf32>
      %get3A_60 = arith.constant 0 : index
      %get3A_61 = arith.constant 1 : index
      %get3A_62 = arith.constant 0 : index
      %get3A_63 = vector.load %arg24[%get3A_60, %get3A_61, %get3A_62] : memref<16x2x256xf32, #tpu.memory_space<vmem>>, vector<16x1x256xf32>
      %get3A_64 = vector.shape_cast %get3A_63 : vector<16x1x256xf32> to vector<16x256xf32>
      %get3A_65 = arith.constant 0 : index
      %get3A_66 = arith.constant 0 : index
      %get3A_67 = vector.load %arg7[%get3A_65, %get3A_66] : memref<256x256xf32, #tpu.memory_space<vmem>>, vector<256x256xf32>
      %dot_general3A_68 = arith.constant dense<0.000000e+00> : vector<16x256xf32>
      %dot_general3A_69 = tpu.matmul %get3A_59, %get3A_67, %dot_general3A_68 {dimension_numbers = #tpu.dot_dimension_numbers<[1], [0], [0], [1], [0, 0, 1, 1], [], []>, transpose_lhs_hint = false} : vector<16x256xf32>, vector<256x256xf32>, vector<16x256xf32> -> vector<16x256xf32>
      %get3A_70 = arith.constant 0 : index
      %get3A_71 = arith.constant 0 : index
      %get3A_72 = vector.load %arg8[%get3A_70, %get3A_71] : memref<256x256xf32, #tpu.memory_space<vmem>>, vector<256x256xf32>
      %dot_general3A_73 = arith.constant dense<0.000000e+00> : vector<16x256xf32>
      %dot_general3A_74 = tpu.matmul %get3A_64, %get3A_72, %dot_general3A_73 {dimension_numbers = #tpu.dot_dimension_numbers<[1], [0], [0], [1], [0, 0, 1, 1], [], []>, transpose_lhs_hint = false} : vector<16x256xf32>, vector<256x256xf32>, vector<16x256xf32> -> vector<16x256xf32>
      %add3A_75 = arith.addf %dot_general3A_69, %dot_general3A_74 : vector<16x256xf32>
      %get3A_76 = arith.constant 0 : index
      %get3A_77 = arith.constant 0 : index
      %get3A_78 = vector.load %arg9[%get3A_76, %get3A_77] : memref<1x256xf32, #tpu.memory_space<vmem>>, vector<1x256xf32>
      %add3A_79 = vector.broadcast %get3A_78 : vector<1x256xf32> to vector<16x256xf32>
      %add3A_80 = arith.addf %add3A_75, %add3A_79 : vector<16x256xf32>
      %gt3A_81 = arith.constant 0.000000e+00 : f32
      %gt3A_82 = vector.broadcast %gt3A_81 : f32 to vector<16x256xf32>
      %gt3A_83 = arith.cmpf ogt, %add3A_80, %gt3A_82 : vector<16x256xf32>
      %min3A_84 = arith.constant 0.000000e+00 : f32
      %min3A_85 = vector.broadcast %min3A_84 : f32 to vector<16x256xf32>
      %min3A_86 = arith.minimumf %add3A_80, %min3A_85 : vector<16x256xf32>
      %exp3A_87 = math.exp %min3A_86 : vector<16x256xf32>
      %sub3A_88 = arith.constant 1.000000e+00 : f32
      %sub3A_89 = vector.broadcast %sub3A_88 : f32 to vector<16x256xf32>
      %sub3A_90 = arith.subf %exp3A_87, %sub3A_89 : vector<16x256xf32>
      %select_n3A_91 = arith.select %gt3A_83, %add3A_80, %sub3A_90 : vector<16x256xi1>, vector<16x256xf32>
      %get3A_92 = arith.constant 0 : index
      %get3A_93 = arith.constant 0 : index
      %get3A_94 = vector.load %arg13[%get3A_92, %get3A_93] : memref<256x512xf32, #tpu.memory_space<vmem>>, vector<256x512xf32>
      %dot_general3A_95 = arith.constant dense<0.000000e+00> : vector<16x512xf32>
      %dot_general3A_96 = tpu.matmul %select_n3A_91, %get3A_94, %dot_general3A_95 {dimension_numbers = #tpu.dot_dimension_numbers<[1], [0], [0], [1], [0, 0, 1, 1], [], []>, transpose_lhs_hint = false} : vector<16x256xf32>, vector<256x512xf32>, vector<16x512xf32> -> vector<16x512xf32>
      %get3A_97 = arith.constant 0 : index
      %get3A_98 = arith.constant 0 : index
      %get3A_99 = vector.load %arg10[%get3A_97, %get3A_98] : memref<16x3xf32, #tpu.memory_space<vmem>>, vector<16x3xf32>
      %get3A_100 = arith.constant 0 : index
      %get3A_101 = arith.constant 0 : index
      %get3A_102 = vector.load %arg14[%get3A_100, %get3A_101] : memref<3x512xf32, #tpu.memory_space<vmem>>, vector<3x512xf32>
      %dot_general3A_103 = arith.constant dense<0.000000e+00> : vector<16x512xf32>
      %dot_general3A_104 = tpu.matmul %get3A_99, %get3A_102, %dot_general3A_103 {dimension_numbers = #tpu.dot_dimension_numbers<[1], [0], [0], [1], [0, 0, 1, 1], [], []>, transpose_lhs_hint = false} : vector<16x3xf32>, vector<3x512xf32>, vector<16x512xf32> -> vector<16x512xf32>
      %add3A_105 = arith.addf %dot_general3A_96, %dot_general3A_104 : vector<16x512xf32>
      %get3A_106 = arith.constant 0 : index
      %get3A_107 = arith.constant 0 : index
      %get3A_108 = vector.load %arg15[%get3A_106, %get3A_107] : memref<1x512xf32, #tpu.memory_space<vmem>>, vector<1x512xf32>
      %add3A_109 = vector.broadcast %get3A_108 : vector<1x512xf32> to vector<16x512xf32>
      %add3A_110 = arith.addf %add3A_105, %add3A_109 : vector<16x512xf32>
      %gt3A_111 = arith.constant 0.000000e+00 : f32
      %gt3A_112 = vector.broadcast %gt3A_111 : f32 to vector<16x512xf32>
      %gt3A_113 = arith.cmpf ogt, %add3A_110, %gt3A_112 : vector<16x512xf32>
      %min3A_114 = arith.constant 0.000000e+00 : f32
      %min3A_115 = vector.broadcast %min3A_114 : f32 to vector<16x512xf32>
      %min3A_116 = arith.minimumf %add3A_110, %min3A_115 : vector<16x512xf32>
      %exp3A_117 = math.exp %min3A_116 : vector<16x512xf32>
      %sub3A_118 = arith.constant 1.000000e+00 : f32
      %sub3A_119 = vector.broadcast %sub3A_118 : f32 to vector<16x512xf32>
      %sub3A_120 = arith.subf %exp3A_117, %sub3A_119 : vector<16x512xf32>
      %select_n3A_121 = arith.select %gt3A_113, %add3A_110, %sub3A_120 : vector<16x512xi1>, vector<16x512xf32>
      %get3A_122 = arith.constant 0 : index
      %get3A_123 = arith.constant 0 : index
      %get3A_124 = vector.load %arg16[%get3A_122, %get3A_123] : memref<512x512xf32, #tpu.memory_space<vmem>>, vector<512x512xf32>
      %dot_general3A_125 = arith.constant dense<0.000000e+00> : vector<16x512xf32>
      %dot_general3A_126 = tpu.matmul %select_n3A_121, %get3A_124, %dot_general3A_125 {dimension_numbers = #tpu.dot_dimension_numbers<[1], [0], [0], [1], [0, 0, 1, 1], [], []>, transpose_lhs_hint = false} : vector<16x512xf32>, vector<512x512xf32>, vector<16x512xf32> -> vector<16x512xf32>
      %get3A_127 = arith.constant 0 : index
      %get3A_128 = arith.constant 0 : index
      %get3A_129 = vector.load %arg17[%get3A_127, %get3A_128] : memref<1x512xf32, #tpu.memory_space<vmem>>, vector<1x512xf32>
      %add3A_130 = vector.broadcast %get3A_129 : vector<1x512xf32> to vector<16x512xf32>
      %add3A_131 = arith.addf %dot_general3A_126, %add3A_130 : vector<16x512xf32>
      %gt3A_132 = arith.constant 0.000000e+00 : f32
      %gt3A_133 = vector.broadcast %gt3A_132 : f32 to vector<16x512xf32>
      %gt3A_134 = arith.cmpf ogt, %add3A_131, %gt3A_133 : vector<16x512xf32>
      %min3A_135 = arith.constant 0.000000e+00 : f32
      %min3A_136 = vector.broadcast %min3A_135 : f32 to vector<16x512xf32>
      %min3A_137 = arith.minimumf %add3A_131, %min3A_136 : vector<16x512xf32>
      %exp3A_138 = math.exp %min3A_137 : vector<16x512xf32>
      %sub3A_139 = arith.constant 1.000000e+00 : f32
      %sub3A_140 = vector.broadcast %sub3A_139 : f32 to vector<16x512xf32>
      %sub3A_141 = arith.subf %exp3A_138, %sub3A_140 : vector<16x512xf32>
      %select_n3A_142 = arith.select %gt3A_134, %add3A_131, %sub3A_141 : vector<16x512xi1>, vector<16x512xf32>
      %get3A_143 = arith.constant 0 : index
      %get3A_144 = arith.constant 0 : index
      %get3A_145 = vector.load %arg18[%get3A_143, %get3A_144] : memref<512x13xf32, #tpu.memory_space<vmem>>, vector<512x13xf32>
      %dot_general3A_146 = arith.constant dense<0.000000e+00> : vector<16x13xf32>
      %dot_general3A_147 = tpu.matmul %select_n3A_142, %get3A_145, %dot_general3A_146 {dimension_numbers = #tpu.dot_dimension_numbers<[1], [0], [0], [1], [0, 0, 1, 1], [], []>, transpose_lhs_hint = false} : vector<16x512xf32>, vector<512x13xf32>, vector<16x13xf32> -> vector<16x13xf32>
      %get3A_148 = arith.constant 0 : index
      %get3A_149 = arith.constant 0 : index
      %get3A_150 = vector.load %arg19[%get3A_148, %get3A_149] : memref<1x13xf32, #tpu.memory_space<vmem>>, vector<1x13xf32>
      %add3A_151 = vector.broadcast %get3A_150 : vector<1x13xf32> to vector<16x13xf32>
      %add3A_152 = arith.addf %dot_general3A_147, %add3A_151 : vector<16x13xf32>
      %get3A_153 = arith.constant 0 : index
      %get3A_154 = arith.constant 0 : index
      %get3A_155 = vector.load %arg11[%get3A_153, %get3A_154] : memref<16x13xi32, #tpu.memory_space<vmem>>, vector<16x13xi32>
      %ne3A = arith.constant 0 : i32
      %ne3A_156 = vector.broadcast %ne3A : i32 to vector<16x13xi32>
      %ne3A_157 = arith.cmpi ne, %get3A_155, %ne3A_156 : vector<16x13xi32>
      %jit3A = arith.constant -3.40282347E+38 : f32
      %broadcast_in_dim3A = vector.broadcast %jit3A : f32 to vector<16x13xf32>
      %select_n3A_158 = arith.select %ne3A_157, %add3A_152, %broadcast_in_dim3A : vector<16x13xi1>, vector<16x13xf32>
      %swap3A_159 = arith.constant 0 : index
      %swap3A_160 = arith.constant 0 : index
      %swap3A_161 = vector.load %arg21[%swap3A_159, %swap3A_160] : memref<16x13xf32, #tpu.memory_space<vmem>>, vector<16x13xf32>
      tpu.vector_store %arg21[%swap3A_159, %swap3A_160], %select_n3A_158 {strides = array<i32>} : memref<16x13xf32, #tpu.memory_space<vmem>>, vector<16x13xf32>,
      %get3A_162 = arith.constant 0 : index
      %get3A_163 = arith.constant 0 : index
      %get3A_164 = vector.load %arg12[%get3A_162, %get3A_163] : memref<16x13xf32, #tpu.memory_space<vmem>>, vector<16x13xf32>
      %add3A_165 = arith.addf %select_n3A_158, %get3A_164 : vector<16x13xf32>
      %argmax3A = tpu.reduce_index %add3A_165 {axis = 1 : i32, kind = #tpu.reduction_kind<arg_max>} : vector<16x13xf32> -> vector<16xi32>
      %broadcast_in_dim3A_166 = vector.shape_cast %argmax3A : vector<16xi32> to vector<1x16xi32>
      %swap3A_167 = arith.constant 0 : index
      %swap3A_168 = arith.constant 0 : index
      %swap3A_169 = vector.load %arg20[%swap3A_167, %swap3A_168] : memref<1x16xi32, #tpu.memory_space<vmem>>, vector<1x16xi32>
      tpu.vector_store %arg20[%swap3A_167, %swap3A_168], %broadcast_in_dim3A_166 {strides = array<i32>} : memref<1x16xi32, #tpu.memory_space<vmem>>, vector<1x16xi32>,
    } else {
    }
    return
  }
  func.func @transform_0(%arg0: i32) -> (i32, i32) {
    %c0_i32 = arith.constant 0 : i32
    %c0_i32_0 = arith.constant 0 : i32
    %c0_i32_1 = arith.constant 0 : i32
    return %c0_i32, %c0_i32_0 : i32, i32
  }
  func.func @transform_1(%arg0: i32) -> (i32, i32) {
    %c0_i32 = arith.constant 0 : i32
    %c0_i32_0 = arith.constant 0 : i32
    return %arg0, %c0_i32 : i32, i32
  }
  func.func @transform_2(%arg0: i32) -> (i32, i32) {
    %c0_i32 = arith.constant 0 : i32
    %c0_i32_0 = arith.constant 0 : i32
    %c0_i32_1 = arith.constant 0 : i32
    return %c0_i32, %c0_i32_0 : i32, i32
  }
  func.func @transform_3(%arg0: i32) -> (i32, i32) {
    %c0_i32 = arith.constant 0 : i32
    %c0_i32_0 = arith.constant 0 : i32
    %c0_i32_1 = arith.constant 0 : i32
    return %c0_i32, %c0_i32_0 : i32, i32
  }
  func.func @transform_4(%arg0: i32) -> (i32, i32) {
    %c0_i32 = arith.constant 0 : i32
    %c0_i32_0 = arith.constant 0 : i32
    %c0_i32_1 = arith.constant 0 : i32
    return %c0_i32, %c0_i32_0 : i32, i32
  }
  func.func @transform_5(%arg0: i32) -> (i32, i32) {
    %c0_i32 = arith.constant 0 : i32
    %c0_i32_0 = arith.constant 0 : i32
    %c0_i32_1 = arith.constant 0 : i32
    return %c0_i32, %c0_i32_0 : i32, i32
  }
  func.func @transform_6(%arg0: i32) -> (i32, i32) {
    %c0_i32 = arith.constant 0 : i32
    %c0_i32_0 = arith.constant 0 : i32
    %c0_i32_1 = arith.constant 0 : i32
    return %c0_i32, %c0_i32_0 : i32, i32
  }
  func.func @transform_7(%arg0: i32) -> (i32, i32) {
    %c0_i32 = arith.constant 0 : i32
    %c0_i32_0 = arith.constant 0 : i32
    %c0_i32_1 = arith.constant 0 : i32
    return %c0_i32, %c0_i32_0 : i32, i32
  }
  func.func @transform_8(%arg0: i32) -> (i32, i32) {
    %c0_i32 = arith.constant 0 : i32
    %c0_i32_0 = arith.constant 0 : i32
    %c0_i32_1 = arith.constant 0 : i32
    return %c0_i32, %c0_i32_0 : i32, i32
  }
  func.func @transform_9(%arg0: i32) -> (i32, i32) {
    %c0_i32 = arith.constant 0 : i32
    %c0_i32_0 = arith.constant 0 : i32
    %c0_i32_1 = arith.constant 0 : i32
    return %c0_i32, %c0_i32_0 : i32, i32
  }
  func.func @transform_10(%arg0: i32) -> (i32, i32) {
    %c0_i32 = arith.constant 0 : i32
    %c0_i32_0 = arith.constant 0 : i32
    %c0_i32_1 = arith.constant 0 : i32
    return %c0_i32, %c0_i32_0 : i32, i32
  }
  func.func @transform_11(%arg0: i32) -> (i32, i32) {
    %c0_i32 = arith.constant 0 : i32
    %c0_i32_0 = arith.constant 0 : i32
    %c0_i32_1 = arith.constant 0 : i32
    return %c0_i32, %c0_i32_0 : i32, i32
  }
  func.func @transform_12(%arg0: i32) -> (i32, i32) {
    %c0_i32 = arith.constant 0 : i32
    %c0_i32_0 = arith.constant 0 : i32
    %c0_i32_1 = arith.constant 0 : i32
    return %c0_i32, %c0_i32_0 : i32, i32
  }
  func.func @transform_13(%arg0: i32) -> (i32, i32) {
    %c0_i32 = arith.constant 0 : i32
    %c0_i32_0 = arith.constant 0 : i32
    %c0_i32_1 = arith.constant 0 : i32
    return %c0_i32, %c0_i32_0 : i32, i32
  }
  func.func @transform_14(%arg0: i32) -> (i32, i32) {
    %c0_i32 = arith.constant 0 : i32
    %c0_i32_0 = arith.constant 0 : i32
    %c0_i32_1 = arith.constant 0 : i32
    return %c0_i32, %c0_i32_0 : i32, i32
  }
  func.func @transform_15(%arg0: i32) -> (i32, i32) {
    %c0_i32 = arith.constant 0 : i32
    %c0_i32_0 = arith.constant 0 : i32
    %c0_i32_1 = arith.constant 0 : i32
    return %c0_i32, %c0_i32_0 : i32, i32
  }
  func.func @transform_16(%arg0: i32) -> (i32, i32) {
    %c0_i32 = arith.constant 0 : i32
    %c0_i32_0 = arith.constant 0 : i32
    %c0_i32_1 = arith.constant 0 : i32
    return %c0_i32, %c0_i32_0 : i32, i32
  }
  func.func @transform_17(%arg0: i32) -> (i32, i32) {
    %c0_i32 = arith.constant 0 : i32
    %c0_i32_0 = arith.constant 0 : i32
    %c0_i32_1 = arith.constant 0 : i32
    return %c0_i32, %c0_i32_0 : i32, i32
  }
  func.func @transform_18(%arg0: i32) -> (i32, i32) {
    %c0_i32 = arith.constant 0 : i32
    %c0_i32_0 = arith.constant 0 : i32
    %c0_i32_1 = arith.constant 0 : i32
    return %c0_i32, %c0_i32_0 : i32, i32
  }
  func.func @transform_19(%arg0: i32) -> (i32, i32) {
    %c0_i32 = arith.constant 0 : i32
    %c0_i32_0 = arith.constant 0 : i32
    %c0_i32_1 = arith.constant 0 : i32
    return %c0_i32, %c0_i32_0 : i32, i32
  }
  func.func @transform_20(%arg0: i32) -> (i32, i32) {
    %c0_i32 = arith.constant 0 : i32
    %c0_i32_0 = arith.constant 0 : i32
    %c0_i32_1 = arith.constant 0 : i32
    return %c0_i32, %c0_i32_0 : i32, i32
  }
}

</mosaic_0001>

<sc_bundles>
// kernel: kernel.4.cloned.1.call-start
scs
__scs_entry_jumppad:
0x0: {  	(pc) =	sbr.rel $0x88, $3  }
0x1: {  	(tag) =	ssettag $0x0;
	lr =	simm.s32 $0x1  }
0x2: {  	[smem:$0x3F92] =	sst lr;
	_ =	strace $0xD0000000  }
0x3: {  	_ = 	snop  }
0x4: {  	_ = 	snop  }
0x5: {  	_ = 	snop  }
0x6: {  	_ = 	snop  }
0x7: {  	_ = 	snop  }
__scs_overlays_trampoline_lowered:
0x8: {  	[smem:$0x3FA1] =	sst s0  }
0x9: {  	[smem:$0x3FA2] =	sst s1  }
0xa: {  	[smem:$0x3FA3] =	sst s2  }
0xb: {  	[smem:$0x3FA4] =	sst s3  }
0xc: {  	[smem:$0x3FA5] =	sst s4  }
0xd: {  	[smem:$0x3FA6] =	sst s5  }
0xe: {  	[smem:$0x3FA7] =	sst s6  }
0xf: {  	[smem:$0x3FA8] =	sst s7  }
0x10: {  	[smem:$0x3FA9] =	sst s8  }
0x11: {  	[smem:$0x3FAA] =	sst s9;
	s0 =	simm.s32 @!p0 $0x0  }
0x12: {  	s1 =	sld [smem:$0x3F90];
	s0 =	simm.s32 @p0 $0x1  }
0x13: {  	[smem:$0x3FAB] =	sst s0;
	s0 =	simm.s32 @!p1 $0x0  }
0x14: {  	s2 =	sld [smem:$0x3F8F];
	s0 =	simm.s32 @p1 $0x1  }
0x15: {  	[smem:$0x3FAC] =	sst s0;
	s0 =	simm.s32 @!p2 $0x0  }
0x16: {  	s3 =	sld [smem:$0x3FDB];
	s0 =	simm.s32 @p2 $0x1  }
0x17: {  	s4 =	simm.s32 $0x1BF5;
	[smem:$0x3FAE] =	sst s0  }
0x18: {  	s0 =	sld [smem:$0x3F91];
	_ =	swait.ge [sflag:s4], $0x0  }
0x19: {  	s7 =	sld [smem:$0x3F92]  }
0x1a: {  	s8 =	sadd.s32 $0xFFFFE003, lr  }
0x1b: {  	s9 =	sadd.s32 $0xFFFFFEF7, lr;
	s5 =	simm.s32 $0xFFFFFFFF;
	p2 =	slt.u32 s8, $0xFFFFF086  }
0x1c: {  	p1 =	slt.u32 s9, $0xF7A;
	s5 =	simm.s32 @!p2 $0x0  }
0x1d: {  	s5 =	simm.s32 @p1 $0x1;
	p0 =	seq.s32 s7, s2  }
0x1e: {  	s7 =	smul.u32 @!p0 $0xF7A, s2;
	p2 =	seq.s32 @!p0 s5, $0x0  }
0x1f: {  	s9 =	smul.u32 $0xF7A, s1;
	s8 =	simm.s32 @!p0 $0x1BF5;
	p2 =	por !p2, p0  }
0x20: {  	[sflag:s8] =	ssyncset.s32 @!p0 $0xFFFFF086;
	s6 =	sadd.s32 @!p0 s3, s7;
	s7 =	simm.s32 @!p0 $0x108  }
0x21: {  	s3 =	sadd.s32 s3, s9;
	s6 =	sadd.s32 @!p0 $0x88, s6;
	s7 =	simm.s32 @p2 $0x1082  }
0x22: {  	[simem:s7], [sflag:s8] =	dma.local @!p0 [hbm:s6], $0xF7A  }
0x23: {  	s9 =	sor.u32 $0xD0000000, s2;
	s6 =	simm.s32 $0x108;
	_ =	swait.ge @!p0 [sflag:s8], $0x0  }
0x24: {  	s3 =	sadd.s32 $0x88, s3;
	s6 =	simm.s32 @!p1 $0x1082;
	[sflag:s4] =	ssyncset.s32 $0xFFFFF086  }
0x25: {  	[simem:s6], [sflag:s4] =	dma.local [hbm:s3], $0xF7A  }
0x26: {  	[smem:$0x3F92] =	sst s1;
	(tag) =	ssettag s2;
	_ =	strace s9  }
0x27: {  	s1 =	sld [smem:$0x3FA2]  }
0x28: {  	s2 =	sld [smem:$0x3FA3]  }
0x29: {  	s4 =	sld [smem:$0x3FA5]  }
0x2a: {  	p0 =	seq.s32 s5, $0x0;
	s5 =	sld [smem:$0x3FA6]  }
0x2b: {  	s6 =	sld [smem:$0x3FA7]  }
0x2c: {  	s7 =	sld [smem:$0x3FA8]  }
0x2d: {  	s3 =	simm.s32 $0x108;
	s8 =	sld [smem:$0x3FA9]  }
0x2e: {  	s3 =	simm.s32 @!p0 $0x1082;
	s9 =	sld [smem:$0x3FAA]  }
0x2f: {  	lr =	sadd.s32 s0, s3;
	s0 =	sld [smem:$0x3FA1]  }
0x30: {  	s3 =	sld [smem:$0x3FA4]  }
0x31: {  	[smem:$0x3FAD] =	sst s10  }
0x32: {  	s10 =	sld [smem:$0x3FAB];
	_ =	sdelay $0x3  }
0x33: {  	p0 =	seq.s32 s10, $0x1;
	s10 =	sld [smem:$0x3FAD];
	_ =	sdelay $0x3  }
0x34: {  	[smem:$0x3FAD] =	sst s10  }
0x35: {  	s10 =	sld [smem:$0x3FAC];
	_ =	sdelay $0x3  }
0x36: {  	p1 =	seq.s32 s10, $0x1;
	s10 =	sld [smem:$0x3FAD];
	_ =	sdelay $0x3  }
0x37: {  	[smem:$0x3FAD] =	sst s10  }
0x38: {  	s10 =	sld [smem:$0x3FAE]  }
0x39: {  	_ = 	snop;
	(pc) =	sbr.ind lr, $3  }
0x3a: {  	_ = 	snop  }
0x3b: {  	_ = 	snop  }
0x3c: {  	p2 =	seq.s32 s10, $0x1;
	s10 =	sld [smem:$0x3FAD]  }
0x3d: {  	_ =	shalt  }
0x3e: {  	_ =	shalt  }
0x3f: {  	_ =	shalt  }
0x40: {  	_ =	shalt  }
0x41: {  	_ =	shalt  }
0x42: {  	_ =	shalt  }
0x43: {  	_ =	shalt  }
0x44: {  	_ =	shalt  }
0x45: {  	_ =	shalt  }
0x46: {  	_ =	shalt  }
0x47: {  	_ =	shalt  }
0x48: {  	_ =	shalt  }
0x49: {  	_ =	shalt  }
0x4a: {  	_ =	shalt  }
0x4b: {  	_ =	shalt  }
0x4c: {  	_ =	shalt  }
0x4d: {  	_ =	shalt  }
0x4e: {  	_ =	shalt  }
0x4f: {  	_ =	shalt  }
0x50: {  	_ =	shalt  }
0x51: {  	_ =	shalt  }
0x52: {  	_ =	shalt  }
0x53: {  	_ =	shalt  }
0x54: {  	_ =	shalt  }
0x55: {  	_ =	shalt  }
0x56: {  	_ =	shalt  }
0x57: {  	_ =	shalt  }
0x58: {  	_ =	shalt  }
0x59: {  	_ =	shalt  }
0x5a: {  	_ =	shalt  }
0x5b: {  	_ =	shalt  }
0x5c: {  	_ =	shalt  }
0x5d: {  	_ =	shalt  }
0x5e: {  	_ =	shalt  }
0x5f: {  	_ =	shalt  }
0x60: {  	_ =	shalt  }
0x61: {  	_ =	shalt  }
0x62: {  	_ =	shalt  }
0x63: {  	_ =	shalt  }
0x64: {  	_ =	shalt  }
0x65: {  	_ =	shalt  }
0x66: {  	_ =	shalt  }
0x67: {  	_ =	shalt  }
0x68: {  	_ =	shalt  }
0x69: {  	_ =	shalt  }
0x6a: {  	_ =	shalt  }
0x6b: {  	_ =	shalt  }
0x6c: {  	_ =	shalt  }
0x6d: {  	_ =	shalt  }
0x6e: {  	_ =	shalt  }
0x6f: {  	_ =	shalt  }
0x70: {  	_ =	shalt  }
0x71: {  	_ =	shalt  }
0x72: {  	_ =	shalt  }
0x73: {  	_ =	shalt  }
0x74: {  	_ =	shalt  }
0x75: {  	_ =	shalt  }
0x76: {  	_ =	shalt  }
0x77: {  	_ =	shalt  }
0x78: {  	_ =	shalt  }
0x79: {  	_ =	shalt  }
0x7a: {  	_ =	shalt  }
0x7b: {  	_ =	shalt  }
0x7c: {  	_ =	shalt  }
0x7d: {  	_ =	shalt  }
0x7e: {  	_ =	shalt  }
0x7f: {  	_ =	shalt  }
0x80: {  	_ =	shalt  }
0x81: {  	_ =	shalt  }
0x82: {  	_ =	shalt  }
0x83: {  	_ =	shalt  }
0x84: {  	_ =	shalt  }
0x85: {  	_ =	shalt  }
0x86: {  	_ =	shalt  }
0x87: {  	_ =	shalt  }
.Lfunc_end0:
.L_simem_size_0:
called_computation_lowered:
.L_overlay_start_0:
0x88: {  	s2 =	sld [smem:$0x3FD9]  }
0x89: {  	s3 =	sld [smem:$0x3FFE];
	_ =	sdelay $0x1  }
0x8a: {  	s1 =	srdreg.scid  }
0x8b: {  	s0 =	sand.u32 $0x1, s1  }
0x8c: {  	s16 =	sshll.u32 s0, $0xA;
	s2 =	sadd.s32 s3, s2  }
0x8d: {  	s2 =	sadd.s32 s2, s16  }
0x8e: {  	[smem:$0x3FB9] =	sst s2  }
0x8f: {  	_ = 	snop  }
0x90: {  	(tm) =	ssettm $0x1  }
0x91: {  	s17 =	sld [smem:$0x3FFB];
	_ =	sdelay $0x3  }
0x92: {  	_ =	strace s17  }
0x93: {  	s2 =	sld [smem:$0x3FFC];
	_ =	sdelay $0x3  }
0x94: {  	_ =	strace s2  }
0x95: {  	s2 =	sld [smem:$0x3FFD];
	_ =	sdelay $0x3  }
0x96: {  	_ =	strace s2  }
0x97: {  	_ =	strace $0x8FFFFFFF  }
0x98: {  	s18 =	sld [smem:$0x3FDB];
	_ =	sdelay $0x1  }
0x99: {  	s19 =	simm.s32 $_scs_section_size  }
0x9a: {  	s4 =	simm.s32 $_size__tile_overlayer_lowered;
	s5 =	simm.s32 $_tile_overlayer_lowered  }
0x9b: {  	s22 =	simm.s32 $0x1BFF;
	s21 =	sshll.u32 s5, $0x1;
	s2 =	sadd.s32 s19, s18  }
0x9c: {  	s6 =	simm.s32 $0x0;
	s20 =	sshll.u32 s4, $0x1;
	s4 =	sadd.s32 s21, s2  }
0x9d: {  	[timem:s6], [sflag:s22] =	dma.local [hbm:s4], s20  }
0x9e: {  	_ =	swait.ge [sflag:s22], s20  }
0x9f: {  	s3 =	ssub.s32 $0x0, s20;
	[sflag:s22] =	ssyncset.done $0x0  }
0xa0: {  	[sflag:s22] =	ssyncadd.s32 s3;
	_ =	sdelay $0x1  }
0xa1: {  	s23 =	simm.s32 $0x1B8B  }
0xa2: {  	_ =	swait.ge [sflag:s23], $0x1  }
0xa3: {  	[sflag:s23] =	ssyncset.done $0x0  }
0xa4: {  	s25 =	simm.s32 $0x1B8E;
	s24 =	sld [smem:$0x3FFE];
	[sflag:s23] =	ssyncadd.s32 $0xFFFFFFFF  }
0xa5: {  	s26 =	simm.s32 $execute0_lowered;
	[smem:$0x3FD2] =	sst s25  }
0xa6: {  	s4 =	sshll.u32 s26, $0x1;
	_ =	strace $0x80000046;
	[dreg:$0x1] =	wrdreg $0xFFFFFFFF  }
0xa7: {  	s28 =	simm.s32 $_size_execute0_lowered;
	s2 =	sadd.s32 s2, s4;
	[dreg:$0x0] =	wrdreg $0x0  }
0xa8: {  	s4 =	sshll.u32 s28, $0x1;
	[dreg:$0x2] =	wrdreg s2  }
0xa9: {  	[dreg:$0x3] =	wrdreg s4  }
0xaa: {  	[dreg:$0x4] =	wrdreg $0xC0  }
0xab: {  	_ =	task [dreg:s6], $0x5FFFF  }
0xac: {  	[dreg:$0x1] =	wrdreg $0xFFFFFFFF  }
0xad: {  	[dreg:$0x0] =	wrdreg $0x60  }
0xae: {  	[dreg:$0x2] =	wrdreg s24  }
0xaf: {  	[dreg:$0x3] =	wrdreg $0x9  }
0xb0: {  	_ =	task.clear_ibuf [dreg:s6], $0x4FFFF;
	_ =	strace $0x90000046  }
0xb1: {  	s29 =	simm.s32 $0x9;
	_ =	strace $0x80000048  }
0xb2: {  	_ =	swait.ge [sflag:s29], $0x1  }
0xb3: {  	[sflag:s29] =	ssyncadd.s32 $0xFFFFFFFF  }
0xb4: {  	_ =	strace $0x90000048  }
0xb5: {  	_ =	sfence  }
0xb6: {  	s30 =	sld [smem:$0x0];
	_ =	sdelay $0x2  }
0xb7: {  	s31 =	sshll.u32 s1, $0xD;
	s1 =	sshrl.u32 s1, $0x2  }
0xb8: {  	s3 =	sand.u32 $0x4000, s31;
	s1 =	sadd.s32 s1, s30  }
0xb9: {  	s0 =	sor.u32 s3, s0;
	s1 =	sshll.u32 s1, $0x11  }
0xba: {  	s0 =	sor.u32 s1, s0  }
0xbb: {  	s0 =	sadd.s32 $0x8F2B, s0  }
0xbc: {  	[sflag:s0] =	ssyncadd.remote.s32 $0x1  }
0xbd: {  	_ =	sfence.sel $0xFFFF  }
0xbe: {  	[dreg:$0x0] =	wrdreg $0xFFFFFFFF;
	(pc) =	sbr.abs _section_cstart, $3  }
0xbf: {  	[dreg:$0x1] =	wrdreg $0xFFFFFFFF  }
0xc0: {  	_ =	task.clear_ibuf [dreg:s6], $0x2FFFF;
	_ =	strace $0x9FFFFFFF  }
0xc1: {  	(tm) =	ssettm $0x7FFFFFFF  }
tec
execute0_lowered:
.L_overlay_start_1:
0x0: {  	(tag) =	ssettag $0x1  }
0x1: {  	s11 =	rddreg [dreg:$0x0]  }
0x2: {  	s0 =	rddreg [dreg:$0x1];
	s1 =	simm.s32 $0x0;
	s3 =	srdreg.scid  }
0x3: {  	s16 =	simm.s32 $0x8000;
	s17 =	simm.s32 $0x5;
	s18 =	simm.s32 $0x4000  }
0x4: {  	s19 =	simm.s32 $0x6000;
	s20 =	simm.s32 $0x1;
	s21 =	simm.s32 $0x2  }
0x5: {  	s24 =	simm.s32 $0x0;
	[smem:$0x7FF] =	sst s1;
	s2 =	sadd.s32 $0x1600, s11  }
0x6: {  	s4 =	sadd.s32 $0x600, s11;
	s5 =	sadd.s32 $0x2600, s11;
	s6 =	sand.u32 $0x1, s3  }
0x7: {  	s13 =	sadd.s32 $0x4600, s11;
	s3 =	stileid.u32;
	s10 =	sadd.s32 $0x2200, s11  }
0x8: {  	s7 =	ssub.s32 $0x2, s6;
	s9 =	sshll.u32 s3, $0x7;
	s6 =	sshll.u32 s6, $0x6  }
0x9: {  	_ =	strace $0x80000047;
	s8 =	sshrl.u32 s7, $0x1;
	s22 =	sor.u32 s6, s9  }
0xa: {  	s6 =	sadd.s32 $0x1A00, s11;
	s9 =	sadd.s32 $0xE00, s11;
	s14 =	ssub.s32 s7, s8  }
0xb: {  	s7 =	sadd.s32 $0xA00, s11;
	s8 =	sadd.s32 $0x1E00, s11;
	s12 =	sshll.u32 s22, $0x8  }
0xc: {  	s23 =	sor.u32 $0x20, s22;
	s11 =	sadd.s32 $0x1200, s11;
	v0 =	vmov s22;
	s22 =	simm.s32 $0x3  }
0xd: {  	s12 =	sadd.s32 s13, s12;
	s15 =	sshll.u32 s23, $0x8;
	s14 =	smax.u32 s14, $0x1  }
0xe: {  	v2 =	vimm.f32 $0.0e+00;
	v1 =	vmov s23;
	s23 =	simm.s32 $0x4;
	s13 =	sadd.s32 s13, s15;
	s15 =	simm.s32 $0x2000  }
.LBB2_1:
0xf: {  	[tilespmem:s1], [sflag:$0x1] =	stream.linear.gather [hbm4b:s2+s1], $0x2000, $0x38;
	[tilespmem:$0x18000] =	vst v63  }
0x10: {  	_ = 	snop  }
0x11: {  	[tilespmem:s15], [sflag:$0x2] =	stream.linear.gather [hbm4b:s4+s1], $0x2000, $0x38;
	[tilespmem:$0x18000] =	vst v63  }
0x12: {  	_ = 	snop  }
0x13: {  	[tilespmem:s16], [sflag:$0x5] =	stream.linear.gather [hbm4b:s5+s1], $0x10000, $0x38;
	[tilespmem:$0x18000] =	vst v63  }
0x14: {  	_ =	swait.ge [sflag:s17], $0x10000  }
0x15: {  	[sflag:s17] =	ssyncset.done $0x0  }
0x16: {  	[sflag:s17] =	ssyncadd.s32 $0xFFFF0000  }
0x17: {  	[tilespmem:s18], [sflag:$0x3] =	stream.linear.gather [hbm4b:s6+s1], $0x2000, $0x38;
	[tilespmem:$0x18000] =	vst v63  }
0x18: {  	_ = 	snop  }
0x19: {  	[tilespmem:s19], [sflag:$0x4] =	stream.linear.gather [hbm4b:s7+s1], $0x2000, $0x38;
	[tilespmem:$0x18000] =	vst v63  }
0x1a: {  	_ =	swait.ge [sflag:s20], $0x2000  }
0x1b: {  	[sflag:s20] =	ssyncset.done $0x0  }
0x1c: {  	[sflag:s20] =	ssyncadd.s32 $0xFFFFE000  }
0x1d: {  	_ =	swait.ge [sflag:s21], $0x2000  }
0x1e: {  	[sflag:s21] =	ssyncset.done $0x0  }
0x1f: {  	s25 =	simm.s32 $0x0;
	[sflag:s21] =	ssyncadd.s32 $0xFFFFE000  }
.LBB2_2:
0x20: {  	s26 =	sshra.s32 s25, $0x2  }
0x21: {  	v3 =	vld [tilespmem:s26+$0x2000];
	_ =	sdelay $0x2  }
0x22: {  	v4 =	vld [tilespmem:s26+$0x0];
	_ =	sdelay $0x1  }
0x23: {  	v3 =	vsub.s32 v3, v0  }
0x24: {  	vm0 =	vlt.u32 v3, $0x20  }
0x25: {  	v3 =	vnsel vm0, $0x0, v3  }
0x26: {  	v6 =	vshll.u32 v4, $0x3;
	v5 =	vshll.u32 v3, $0xB  }
0x27: {  	v6 =	vand.u32 $0xFFFFFC00, v6;
	v3 =	vshll.u32 v3, $0x7;
	v5 =	vand.u32 $0xFFFFC000, v5  }
0x28: {  	v3 =	vand.u32 $0x380, v3;
	v5 =	vadd.s32 v6, v5  }
0x29: {  	v4 =	vand.u32 $0x7F, v4;
	v3 =	vor.u32 v3, v5  }
0x2a: {  	v3 =	vor.u32 v4, v3;
	_ =	sdelay $0x3  }
0x2b: {  	v42 =	vsel vm0, $0x3F800000, v2  }
0x2c: {  	[tilespmem:v3+s16+$0x0] =	vst.idx.add.f32.msk $0xffff, v42  }
0x2d: {  	v3 =	vld [tilespmem:s26+$0x2010];
	_ =	sdelay $0x2  }
0x2e: {  	v4 =	vld [tilespmem:s26+$0x10];
	_ =	sdelay $0x1  }
0x2f: {  	v3 =	vsub.s32 v3, v0  }
0x30: {  	vm9 =	vlt.u32 v3, $0x20  }
0x31: {  	v3 =	vnsel vm9, $0x0, v3  }
0x32: {  	v44 =	vshll.u32 v4, $0x3;
	v43 =	vshll.u32 v3, $0xB  }
0x33: {  	v6 =	vand.u32 $0xFFFFFC00, v44;
	v3 =	vshll.u32 v3, $0x7;
	v5 =	vand.u32 $0xFFFFC000, v43  }
0x34: {  	v3 =	vand.u32 $0x380, v3;
	v5 =	vadd.s32 v6, v5  }
0x35: {  	v4 =	vand.u32 $0x7F, v4;
	v3 =	vor.u32 v3, v5  }
0x36: {  	v3 =	vor.u32 v4, v3;
	_ =	sdelay $0x3  }
0x37: {  	v45 =	vsel vm9, $0x3F800000, v2  }
0x38: {  	[tilespmem:v3+s16+$0x0] =	vst.idx.add.f32.msk $0xffff, v45  }
0x39: {  	v3 =	vld [tilespmem:s26+$0x2020];
	_ =	sdelay $0x2  }
0x3a: {  	v4 =	vld [tilespmem:s26+$0x20];
	_ =	sdelay $0x1  }
0x3b: {  	v3 =	vsub.s32 v3, v0  }
0x3c: {  	vm10 =	vlt.u32 v3, $0x20  }
0x3d: {  	v3 =	vnsel vm10, $0x0, v3  }
0x3e: {  	v47 =	vshll.u32 v4, $0x3;
	v46 =	vshll.u32 v3, $0xB  }
0x3f: {  	v6 =	vand.u32 $0xFFFFFC00, v47;
	v3 =	vshll.u32 v3, $0x7;
	v5 =	vand.u32 $0xFFFFC000, v46  }
0x40: {  	v3 =	vand.u32 $0x380, v3;
	v5 =	vadd.s32 v6, v5  }
0x41: {  	v4 =	vand.u32 $0x7F, v4;
	v3 =	vor.u32 v3, v5  }
0x42: {  	v3 =	vor.u32 v4, v3;
	_ =	sdelay $0x3  }
0x43: {  	v48 =	vsel vm10, $0x3F800000, v2  }
0x44: {  	[tilespmem:v3+s16+$0x0] =	vst.idx.add.f32.msk $0xffff, v48  }
0x45: {  	v3 =	vld [tilespmem:s26+$0x2030];
	_ =	sdelay $0x2  }
0x46: {  	v4 =	vld [tilespmem:s26+$0x30];
	_ =	sdelay $0x1  }
0x47: {  	v3 =	vsub.s32 v3, v0  }
0x48: {  	vm11 =	vlt.u32 v3, $0x20  }
0x49: {  	v3 =	vnsel vm11, $0x0, v3  }
0x4a: {  	v50 =	vshll.u32 v4, $0x3;
	v49 =	vshll.u32 v3, $0xB  }
0x4b: {  	v6 =	vand.u32 $0xFFFFFC00, v50;
	v3 =	vshll.u32 v3, $0x7;
	v5 =	vand.u32 $0xFFFFC000, v49  }
0x4c: {  	v3 =	vand.u32 $0x380, v3;
	v5 =	vadd.s32 v6, v5  }
0x4d: {  	v4 =	vand.u32 $0x7F, v4;
	v3 =	vor.u32 v3, v5  }
0x4e: {  	v3 =	vor.u32 v4, v3;
	_ =	sdelay $0x3  }
0x4f: {  	v51 =	vsel vm11, $0x3F800000, v2  }
0x50: {  	[tilespmem:v3+s16+$0x0] =	vst.idx.add.f32.msk $0xffff, v51  }
0x51: {  	v3 =	vld [tilespmem:s26+$0x2040];
	_ =	sdelay $0x2  }
0x52: {  	v4 =	vld [tilespmem:s26+$0x40];
	_ =	sdelay $0x1  }
0x53: {  	v3 =	vsub.s32 v3, v0  }
0x54: {  	vm12 =	vlt.u32 v3, $0x20  }
0x55: {  	v3 =	vnsel vm12, $0x0, v3  }
0x56: {  	v53 =	vshll.u32 v4, $0x3;
	v52 =	vshll.u32 v3, $0xB  }
0x57: {  	v6 =	vand.u32 $0xFFFFFC00, v53;
	v3 =	vshll.u32 v3, $0x7;
	v5 =	vand.u32 $0xFFFFC000, v52  }
0x58: {  	v3 =	vand.u32 $0x380, v3;
	v5 =	vadd.s32 v6, v5  }
0x59: {  	v4 =	vand.u32 $0x7F, v4;
	v3 =	vor.u32 v3, v5  }
0x5a: {  	v3 =	vor.u32 v4, v3;
	_ =	sdelay $0x3  }
0x5b: {  	v54 =	vsel vm12, $0x3F800000, v2  }
0x5c: {  	[tilespmem:v3+s16+$0x0] =	vst.idx.add.f32.msk $0xffff, v54  }
0x5d: {  	v3 =	vld [tilespmem:s26+$0x2050];
	_ =	sdelay $0x2  }
0x5e: {  	v4 =	vld [tilespmem:s26+$0x50];
	_ =	sdelay $0x1  }
0x5f: {  	v3 =	vsub.s32 v3, v0  }
0x60: {  	vm13 =	vlt.u32 v3, $0x20  }
0x61: {  	v3 =	vnsel vm13, $0x0, v3  }
0x62: {  	v56 =	vshll.u32 v4, $0x3;
	v55 =	vshll.u32 v3, $0xB  }
0x63: {  	v6 =	vand.u32 $0xFFFFFC00, v56;
	v3 =	vshll.u32 v3, $0x7;
	v5 =	vand.u32 $0xFFFFC000, v55  }
0x64: {  	v3 =	vand.u32 $0x380, v3;
	v5 =	vadd.s32 v6, v5  }
0x65: {  	v4 =	vand.u32 $0x7F, v4;
	v3 =	vor.u32 v3, v5  }
0x66: {  	v3 =	vor.u32 v4, v3;
	_ =	sdelay $0x3  }
0x67: {  	v57 =	vsel vm13, $0x3F800000, v2  }
0x68: {  	[tilespmem:v3+s16+$0x0] =	vst.idx.add.f32.msk $0xffff, v57  }
0x69: {  	v3 =	vld [tilespmem:s26+$0x2060];
	_ =	sdelay $0x2  }
0x6a: {  	v4 =	vld [tilespmem:s26+$0x60];
	_ =	sdelay $0x1  }
0x6b: {  	v3 =	vsub.s32 v3, v0  }
0x6c: {  	vm14 =	vlt.u32 v3, $0x20  }
0x6d: {  	v3 =	vnsel vm14, $0x0, v3  }
0x6e: {  	v59 =	vshll.u32 v4, $0x3;
	v58 =	vshll.u32 v3, $0xB  }
0x6f: {  	v6 =	vand.u32 $0xFFFFFC00, v59;
	v3 =	vshll.u32 v3, $0x7;
	v5 =	vand.u32 $0xFFFFC000, v58  }
0x70: {  	v3 =	vand.u32 $0x380, v3;
	v5 =	vadd.s32 v6, v5  }
0x71: {  	v4 =	vand.u32 $0x7F, v4;
	v3 =	vor.u32 v3, v5  }
0x72: {  	v3 =	vor.u32 v4, v3;
	_ =	sdelay $0x3  }
0x73: {  	v60 =	vsel vm14, $0x3F800000, v2  }
0x74: {  	[tilespmem:v3+s16+$0x0] =	vst.idx.add.f32.msk $0xffff, v60  }
0x75: {  	v3 =	vld [tilespmem:s26+$0x2070];
	_ =	sdelay $0x2  }
0x76: {  	v4 =	vld [tilespmem:s26+$0x70];
	_ =	sdelay $0x1  }
0x77: {  	v3 =	vsub.s32 v3, v0  }
0x78: {  	vm15 =	vlt.u32 v3, $0x20  }
0x79: {  	v3 =	vnsel vm15, $0x0, v3  }
0x7a: {  	v62 =	vshll.u32 v4, $0x3;
	v61 =	vshll.u32 v3, $0xB  }
0x7b: {  	v6 =	vand.u32 $0xFFFFFC00, v62;
	v3 =	vshll.u32 v3, $0x7;
	v5 =	vand.u32 $0xFFFFC000, v61  }
0x7c: {  	v3 =	vand.u32 $0x380, v3;
	v5 =	vadd.s32 v6, v5  }
0x7d: {  	v4 =	vand.u32 $0x7F, v4;
	v3 =	vor.u32 v3, v5  }
0x7e: {  	p0 =	sne.s32 s25, $0x7E00;
	v3 =	vor.u32 v4, v3  }
.Ltmp0:
0x7f: {  	_ = 	snop;
	(pc) =	sbr.rel @p0 .LBB2_2-.Ltmp0, $3  }
0x80: {  	_ =	sdelay $0x1  }
0x81: {  	v63 =	vsel vm15, $0x3F800000, v2  }
0x82: {  	s25 =	sadd.s32 $0x200, s25;
	[tilespmem:v3+s16+$0x0] =	vst.idx.add.f32.msk $0xffff, v63  }
0x83: {  	s25 =	simm.s32 $0x0  }
0x84: {  	[tilespmem:s25], [sflag:$0x1] =	stream.linear.gather [hbm4b:s8+s25], $0x2000, $0x38;
	[tilespmem:$0x18000] =	vst v63  }
0x85: {  	_ = 	snop  }
0x86: {  	[tilespmem:s15], [sflag:$0x2] =	stream.linear.gather [hbm4b:s9+s25], $0x2000, $0x38;
	[tilespmem:$0x18000] =	vst v63  }
0x87: {  	_ =	swait.ge [sflag:s22], $0x2000  }
0x88: {  	[sflag:s22] =	ssyncset.done $0x0  }
0x89: {  	[sflag:s22] =	ssyncadd.s32 $0xFFFFE000  }
0x8a: {  	_ =	swait.ge [sflag:s23], $0x2000  }
0x8b: {  	[sflag:s23] =	ssyncset.done $0x0  }
0x8c: {  	[sflag:s23] =	ssyncadd.s32 $0xFFFFE000  }
.LBB2_4:
0x8d: {  	s26 =	sshra.s32 s25, $0x2  }
0x8e: {  	v3 =	vld [tilespmem:s26+$0x6000];
	_ =	sdelay $0x2  }
0x8f: {  	v4 =	vld [tilespmem:s26+$0x4000];
	_ =	sdelay $0x1  }
0x90: {  	v3 =	vsub.s32 v3, v0  }
0x91: {  	vm0 =	vlt.u32 v3, $0x20  }
0x92: {  	v3 =	vnsel vm0, $0x0, v3  }
0x93: {  	v6 =	vshll.u32 v4, $0x3;
	v5 =	vshll.u32 v3, $0xB  }
0x94: {  	v6 =	vand.u32 $0xFFFFFC00, v6;
	v3 =	vshll.u32 v3, $0x7;
	v5 =	vand.u32 $0xFFFFC000, v5  }
0x95: {  	v3 =	vand.u32 $0x380, v3;
	v5 =	vadd.s32 v6, v5  }
0x96: {  	v4 =	vand.u32 $0x7F, v4;
	v3 =	vor.u32 v3, v5  }
0x97: {  	v3 =	vor.u32 v4, v3;
	_ =	sdelay $0x3  }
0x98: {  	v42 =	vsel vm0, $0x3F800000, v2  }
0x99: {  	[tilespmem:v3+s16+$0x0] =	vst.idx.add.f32.msk $0xffff, v42  }
0x9a: {  	v3 =	vld [tilespmem:s26+$0x6010];
	_ =	sdelay $0x2  }
0x9b: {  	v4 =	vld [tilespmem:s26+$0x4010];
	_ =	sdelay $0x1  }
0x9c: {  	v3 =	vsub.s32 v3, v0  }
0x9d: {  	vm9 =	vlt.u32 v3, $0x20  }
0x9e: {  	v3 =	vnsel vm9, $0x0, v3  }
0x9f: {  	v44 =	vshll.u32 v4, $0x3;
	v43 =	vshll.u32 v3, $0xB  }
0xa0: {  	v6 =	vand.u32 $0xFFFFFC00, v44;
	v3 =	vshll.u32 v3, $0x7;
	v5 =	vand.u32 $0xFFFFC000, v43  }
0xa1: {  	v3 =	vand.u32 $0x380, v3;
	v5 =	vadd.s32 v6, v5  }
0xa2: {  	v4 =	vand.u32 $0x7F, v4;
	v3 =	vor.u32 v3, v5  }
0xa3: {  	v3 =	vor.u32 v4, v3;
	_ =	sdelay $0x3  }
0xa4: {  	v45 =	vsel vm9, $0x3F800000, v2  }
0xa5: {  	[tilespmem:v3+s16+$0x0] =	vst.idx.add.f32.msk $0xffff, v45  }
0xa6: {  	v3 =	vld [tilespmem:s26+$0x6020];
	_ =	sdelay $0x2  }
0xa7: {  	v4 =	vld [tilespmem:s26+$0x4020];
	_ =	sdelay $0x1  }
0xa8: {  	v3 =	vsub.s32 v3, v0  }
0xa9: {  	vm10 =	vlt.u32 v3, $0x20  }
0xaa: {  	v3 =	vnsel vm10, $0x0, v3  }
0xab: {  	v47 =	vshll.u32 v4, $0x3;
	v46 =	vshll.u32 v3, $0xB  }
0xac: {  	v6 =	vand.u32 $0xFFFFFC00, v47;
	v3 =	vshll.u32 v3, $0x7;
	v5 =	vand.u32 $0xFFFFC000, v46  }
0xad: {  	v3 =	vand.u32 $0x380, v3;
	v5 =	vadd.s32 v6, v5  }
0xae: {  	v4 =	vand.u32 $0x7F, v4;
	v3 =	vor.u32 v3, v5  }
0xaf: {  	v3 =	vor.u32 v4, v3;
	_ =	sdelay $0x3  }
0xb0: {  	v48 =	vsel vm10, $0x3F800000, v2  }
0xb1: {  	[tilespmem:v3+s16+$0x0] =	vst.idx.add.f32.msk $0xffff, v48  }
0xb2: {  	v3 =	vld [tilespmem:s26+$0x6030];
	_ =	sdelay $0x2  }
0xb3: {  	v4 =	vld [tilespmem:s26+$0x4030];
	_ =	sdelay $0x1  }
0xb4: {  	v3 =	vsub.s32 v3, v0  }
0xb5: {  	vm11 =	vlt.u32 v3, $0x20  }
0xb6: {  	v3 =	vnsel vm11, $0x0, v3  }
0xb7: {  	v50 =	vshll.u32 v4, $0x3;
	v49 =	vshll.u32 v3, $0xB  }
0xb8: {  	v6 =	vand.u32 $0xFFFFFC00, v50;
	v3 =	vshll.u32 v3, $0x7;
	v5 =	vand.u32 $0xFFFFC000, v49  }
0xb9: {  	v3 =	vand.u32 $0x380, v3;
	v5 =	vadd.s32 v6, v5  }
0xba: {  	v4 =	vand.u32 $0x7F, v4;
	v3 =	vor.u32 v3, v5  }
0xbb: {  	v3 =	vor.u32 v4, v3;
	_ =	sdelay $0x3  }
0xbc: {  	v51 =	vsel vm11, $0x3F800000, v2  }
0xbd: {  	[tilespmem:v3+s16+$0x0] =	vst.idx.add.f32.msk $0xffff, v51  }
0xbe: {  	v3 =	vld [tilespmem:s26+$0x6040];
	_ =	sdelay $0x2  }
0xbf: {  	v4 =	vld [tilespmem:s26+$0x4040];
	_ =	sdelay $0x1  }
0xc0: {  	v3 =	vsub.s32 v3, v0  }
0xc1: {  	vm12 =	vlt.u32 v3, $0x20  }
0xc2: {  	v3 =	vnsel vm12, $0x0, v3  }
0xc3: {  	v53 =	vshll.u32 v4, $0x3;
	v52 =	vshll.u32 v3, $0xB  }
0xc4: {  	v6 =	vand.u32 $0xFFFFFC00, v53;
	v3 =	vshll.u32 v3, $0x7;
	v5 =	vand.u32 $0xFFFFC000, v52  }
0xc5: {  	v3 =	vand.u32 $0x380, v3;
	v5 =	vadd.s32 v6, v5  }
0xc6: {  	v4 =	vand.u32 $0x7F, v4;
	v3 =	vor.u32 v3, v5  }
0xc7: {  	v3 =	vor.u32 v4, v3;
	_ =	sdelay $0x3  }
0xc8: {  	v54 =	vsel vm12, $0x3F800000, v2  }
0xc9: {  	[tilespmem:v3+s16+$0x0] =	vst.idx.add.f32.msk $0xffff, v54  }
0xca: {  	v3 =	vld [tilespmem:s26+$0x6050];
	_ =	sdelay $0x2  }
0xcb: {  	v4 =	vld [tilespmem:s26+$0x4050];
	_ =	sdelay $0x1  }
0xcc: {  	v3 =	vsub.s32 v3, v0  }
0xcd: {  	vm13 =	vlt.u32 v3, $0x20  }
0xce: {  	v3 =	vnsel vm13, $0x0, v3  }
0xcf: {  	v56 =	vshll.u32 v4, $0x3;
	v55 =	vshll.u32 v3, $0xB  }
0xd0: {  	v6 =	vand.u32 $0xFFFFFC00, v56;
	v3 =	vshll.u32 v3, $0x7;
	v5 =	vand.u32 $0xFFFFC000, v55  }
0xd1: {  	v3 =	vand.u32 $0x380, v3;
	v5 =	vadd.s32 v6, v5  }
0xd2: {  	v4 =	vand.u32 $0x7F, v4;
	v3 =	vor.u32 v3, v5  }
0xd3: {  	v3 =	vor.u32 v4, v3;
	_ =	sdelay $0x3  }
0xd4: {  	v57 =	vsel vm13, $0x3F800000, v2  }
0xd5: {  	[tilespmem:v3+s16+$0x0] =	vst.idx.add.f32.msk $0xffff, v57  }
0xd6: {  	v3 =	vld [tilespmem:s26+$0x6060];
	_ =	sdelay $0x2  }
0xd7: {  	v4 =	vld [tilespmem:s26+$0x4060];
	_ =	sdelay $0x1  }
0xd8: {  	v3 =	vsub.s32 v3, v0  }
0xd9: {  	vm14 =	vlt.u32 v3, $0x20  }
0xda: {  	v3 =	vnsel vm14, $0x0, v3  }
0xdb: {  	v59 =	vshll.u32 v4, $0x3;
	v58 =	vshll.u32 v3, $0xB  }
0xdc: {  	v6 =	vand.u32 $0xFFFFFC00, v59;
	v3 =	vshll.u32 v3, $0x7;
	v5 =	vand.u32 $0xFFFFC000, v58  }
0xdd: {  	v3 =	vand.u32 $0x380, v3;
	v5 =	vadd.s32 v6, v5  }
0xde: {  	v4 =	vand.u32 $0x7F, v4;
	v3 =	vor.u32 v3, v5  }
0xdf: {  	v3 =	vor.u32 v4, v3;
	_ =	sdelay $0x3  }
0xe0: {  	v60 =	vsel vm14, $0x3F800000, v2  }
0xe1: {  	[tilespmem:v3+s16+$0x0] =	vst.idx.add.f32.msk $0xffff, v60  }
0xe2: {  	v3 =	vld [tilespmem:s26+$0x6070];
	_ =	sdelay $0x2  }
0xe3: {  	v4 =	vld [tilespmem:s26+$0x4070];
	_ =	sdelay $0x1  }
0xe4: {  	v3 =	vsub.s32 v3, v0  }
0xe5: {  	vm15 =	vlt.u32 v3, $0x20  }
0xe6: {  	v3 =	vnsel vm15, $0x0, v3  }
0xe7: {  	v62 =	vshll.u32 v4, $0x3;
	v61 =	vshll.u32 v3, $0xB  }
0xe8: {  	v6 =	vand.u32 $0xFFFFFC00, v62;
	v3 =	vshll.u32 v3, $0x7;
	v5 =	vand.u32 $0xFFFFC000, v61  }
0xe9: {  	v3 =	vand.u32 $0x380, v3;
	v5 =	vadd.s32 v6, v5  }
0xea: {  	v4 =	vand.u32 $0x7F, v4;
	v3 =	vor.u32 v3, v5  }
0xeb: {  	p0 =	sne.s32 s25, $0x7E00;
	v3 =	vor.u32 v4, v3  }
.Ltmp1:
0xec: {  	_ = 	snop;
	(pc) =	sbr.rel @p0 .LBB2_4-.Ltmp1, $3  }
0xed: {  	_ =	sdelay $0x1  }
0xee: {  	v63 =	vsel vm15, $0x3F800000, v2  }
0xef: {  	s25 =	sadd.s32 $0x200, s25;
	[tilespmem:v3+s16+$0x0] =	vst.idx.add.f32.msk $0xffff, v63  }
0xf0: {  	s25 =	simm.s32 $0x0  }
0xf1: {  	[tilespmem:s18], [sflag:$0x3] =	stream.linear.gather [hbm4b:s10+s25], $0x2000, $0x38;
	[tilespmem:$0x18000] =	vst v63  }
0xf2: {  	_ = 	snop  }
0xf3: {  	[tilespmem:s19], [sflag:$0x4] =	stream.linear.gather [hbm4b:s11+s25], $0x2000, $0x38;
	[tilespmem:$0x18000] =	vst v63  }
0xf4: {  	_ =	swait.ge [sflag:s20], $0x2000  }
0xf5: {  	[sflag:s20] =	ssyncset.done $0x0  }
0xf6: {  	[sflag:s20] =	ssyncadd.s32 $0xFFFFE000  }
0xf7: {  	_ =	swait.ge [sflag:s21], $0x2000  }
0xf8: {  	[sflag:s21] =	ssyncset.done $0x0  }
0xf9: {  	[sflag:s21] =	ssyncadd.s32 $0xFFFFE000  }
.LBB2_6:
0xfa: {  	s26 =	sshra.s32 s25, $0x2  }
0xfb: {  	v3 =	vld [tilespmem:s26+$0x2000];
	_ =	sdelay $0x2  }
0xfc: {  	v4 =	vld [tilespmem:s26+$0x0];
	_ =	sdelay $0x1  }
0xfd: {  	v3 =	vsub.s32 v3, v0  }
0xfe: {  	vm0 =	vlt.u32 v3, $0x20  }
0xff: {  	v3 =	vnsel vm0, $0x0, v3  }
0x100: {  	v6 =	vshll.u32 v4, $0x3;
	v5 =	vshll.u32 v3, $0xB  }
0x101: {  	v6 =	vand.u32 $0xFFFFFC00, v6;
	v3 =	vshll.u32 v3, $0x7;
	v5 =	vand.u32 $0xFFFFC000, v5  }
0x102: {  	v3 =	vand.u32 $0x380, v3;
	v5 =	vadd.s32 v6, v5  }
0x103: {  	v4 =	vand.u32 $0x7F, v4;
	v3 =	vor.u32 v3, v5  }
0x104: {  	v3 =	vor.u32 v4, v3;
	_ =	sdelay $0x3  }
0x105: {  	v42 =	vsel vm0, $0x3F800000, v2  }
0x106: {  	[tilespmem:v3+s16+$0x0] =	vst.idx.add.f32.msk $0xffff, v42  }
0x107: {  	v3 =	vld [tilespmem:s26+$0x2010];
	_ =	sdelay $0x2  }
0x108: {  	v4 =	vld [tilespmem:s26+$0x10];
	_ =	sdelay $0x1  }
0x109: {  	v3 =	vsub.s32 v3, v0  }
0x10a: {  	vm9 =	vlt.u32 v3, $0x20  }
0x10b: {  	v3 =	vnsel vm9, $0x0, v3  }
0x10c: {  	v44 =	vshll.u32 v4, $0x3;
	v43 =	vshll.u32 v3, $0xB  }
0x10d: {  	v6 =	vand.u32 $0xFFFFFC00, v44;
	v3 =	vshll.u32 v3, $0x7;
	v5 =	vand.u32 $0xFFFFC000, v43  }
0x10e: {  	v3 =	vand.u32 $0x380, v3;
	v5 =	vadd.s32 v6, v5  }
0x10f: {  	v4 =	vand.u32 $0x7F, v4;
	v3 =	vor.u32 v3, v5  }
0x110: {  	v3 =	vor.u32 v4, v3;
	_ =	sdelay $0x3  }
0x111: {  	v45 =	vsel vm9, $0x3F800000, v2  }
0x112: {  	[tilespmem:v3+s16+$0x0] =	vst.idx.add.f32.msk $0xffff, v45  }
0x113: {  	v3 =	vld [tilespmem:s26+$0x2020];
	_ =	sdelay $0x2  }
0x114: {  	v4 =	vld [tilespmem:s26+$0x20];
	_ =	sdelay $0x1  }
0x115: {  	v3 =	vsub.s32 v3, v0  }
0x116: {  	vm10 =	vlt.u32 v3, $0x20  }
0x117: {  	v3 =	vnsel vm10, $0x0, v3  }
0x118: {  	v47 =	vshll.u32 v4, $0x3;
	v46 =	vshll.u32 v3, $0xB  }
0x119: {  	v6 =	vand.u32 $0xFFFFFC00, v47;
	v3 =	vshll.u32 v3, $0x7;
	v5 =	vand.u32 $0xFFFFC000, v46  }
0x11a: {  	v3 =	vand.u32 $0x380, v3;
	v5 =	vadd.s32 v6, v5  }
0x11b: {  	v4 =	vand.u32 $0x7F, v4;
	v3 =	vor.u32 v3, v5  }
0x11c: {  	v3 =	vor.u32 v4, v3;
	_ =	sdelay $0x3  }
0x11d: {  	v48 =	vsel vm10, $0x3F800000, v2  }
0x11e: {  	[tilespmem:v3+s16+$0x0] =	vst.idx.add.f32.msk $0xffff, v48  }
0x11f: {  	v3 =	vld [tilespmem:s26+$0x2030];
	_ =	sdelay $0x2  }
0x120: {  	v4 =	vld [tilespmem:s26+$0x30];
	_ =	sdelay $0x1  }
0x121: {  	v3 =	vsub.s32 v3, v0  }
0x122: {  	vm11 =	vlt.u32 v3, $0x20  }
0x123: {  	v3 =	vnsel vm11, $0x0, v3  }
0x124: {  	v50 =	vshll.u32 v4, $0x3;
	v49 =	vshll.u32 v3, $0xB  }
0x125: {  	v6 =	vand.u32 $0xFFFFFC00, v50;
	v3 =	vshll.u32 v3, $0x7;
	v5 =	vand.u32 $0xFFFFC000, v49  }
0x126: {  	v3 =	vand.u32 $0x380, v3;
	v5 =	vadd.s32 v6, v5  }
0x127: {  	v4 =	vand.u32 $0x7F, v4;
	v3 =	vor.u32 v3, v5  }
0x128: {  	v3 =	vor.u32 v4, v3;
	_ =	sdelay $0x3  }
0x129: {  	v51 =	vsel vm11, $0x3F800000, v2  }
0x12a: {  	[tilespmem:v3+s16+$0x0] =	vst.idx.add.f32.msk $0xffff, v51  }
0x12b: {  	v3 =	vld [tilespmem:s26+$0x2040];
	_ =	sdelay $0x2  }
0x12c: {  	v4 =	vld [tilespmem:s26+$0x40];
	_ =	sdelay $0x1  }
0x12d: {  	v3 =	vsub.s32 v3, v0  }
0x12e: {  	vm12 =	vlt.u32 v3, $0x20  }
0x12f: {  	v3 =	vnsel vm12, $0x0, v3  }
0x130: {  	v53 =	vshll.u32 v4, $0x3;
	v52 =	vshll.u32 v3, $0xB  }
0x131: {  	v6 =	vand.u32 $0xFFFFFC00, v53;
	v3 =	vshll.u32 v3, $0x7;
	v5 =	vand.u32 $0xFFFFC000, v52  }
0x132: {  	v3 =	vand.u32 $0x380, v3;
	v5 =	vadd.s32 v6, v5  }
0x133: {  	v4 =	vand.u32 $0x7F, v4;
	v3 =	vor.u32 v3, v5  }
0x134: {  	v3 =	vor.u32 v4, v3;
	_ =	sdelay $0x3  }
0x135: {  	v54 =	vsel vm12, $0x3F800000, v2  }
0x136: {  	[tilespmem:v3+s16+$0x0] =	vst.idx.add.f32.msk $0xffff, v54  }
0x137: {  	v3 =	vld [tilespmem:s26+$0x2050];
	_ =	sdelay $0x2  }
0x138: {  	v4 =	vld [tilespmem:s26+$0x50];
	_ =	sdelay $0x1  }
0x139: {  	v3 =	vsub.s32 v3, v0  }
0x13a: {  	vm13 =	vlt.u32 v3, $0x20  }
0x13b: {  	v3 =	vnsel vm13, $0x0, v3  }
0x13c: {  	v56 =	vshll.u32 v4, $0x3;
	v55 =	vshll.u32 v3, $0xB  }
0x13d: {  	v6 =	vand.u32 $0xFFFFFC00, v56;
	v3 =	vshll.u32 v3, $0x7;
	v5 =	vand.u32 $0xFFFFC000, v55  }
0x13e: {  	v3 =	vand.u32 $0x380, v3;
	v5 =	vadd.s32 v6, v5  }
0x13f: {  	v4 =	vand.u32 $0x7F, v4;
	v3 =	vor.u32 v3, v5  }
0x140: {  	v3 =	vor.u32 v4, v3;
	_ =	sdelay $0x3  }
0x141: {  	v57 =	vsel vm13, $0x3F800000, v2  }
0x142: {  	[tilespmem:v3+s16+$0x0] =	vst.idx.add.f32.msk $0xffff, v57  }
0x143: {  	v3 =	vld [tilespmem:s26+$0x2060];
	_ =	sdelay $0x2  }
0x144: {  	v4 =	vld [tilespmem:s26+$0x60];
	_ =	sdelay $0x1  }
0x145: {  	v3 =	vsub.s32 v3, v0  }
0x146: {  	vm14 =	vlt.u32 v3, $0x20  }
0x147: {  	v3 =	vnsel vm14, $0x0, v3  }
0x148: {  	v59 =	vshll.u32 v4, $0x3;
	v58 =	vshll.u32 v3, $0xB  }
0x149: {  	v6 =	vand.u32 $0xFFFFFC00, v59;
	v3 =	vshll.u32 v3, $0x7;
	v5 =	vand.u32 $0xFFFFC000, v58  }
0x14a: {  	v3 =	vand.u32 $0x380, v3;
	v5 =	vadd.s32 v6, v5  }
0x14b: {  	v4 =	vand.u32 $0x7F, v4;
	v3 =	vor.u32 v3, v5  }
0x14c: {  	v3 =	vor.u32 v4, v3;
	_ =	sdelay $0x3  }
0x14d: {  	v60 =	vsel vm14, $0x3F800000, v2  }
0x14e: {  	[tilespmem:v3+s16+$0x0] =	vst.idx.add.f32.msk $0xffff, v60  }
0x14f: {  	v3 =	vld [tilespmem:s26+$0x2070];
	_ =	sdelay $0x2  }
0x150: {  	v4 =	vld [tilespmem:s26+$0x70];
	_ =	sdelay $0x1  }
0x151: {  	v3 =	vsub.s32 v3, v0  }
0x152: {  	vm15 =	vlt.u32 v3, $0x20  }
0x153: {  	v3 =	vnsel vm15, $0x0, v3  }
0x154: {  	v62 =	vshll.u32 v4, $0x3;
	v61 =	vshll.u32 v3, $0xB  }
0x155: {  	v6 =	vand.u32 $0xFFFFFC00, v62;
	v3 =	vshll.u32 v3, $0x7;
	v5 =	vand.u32 $0xFFFFC000, v61  }
0x156: {  	v3 =	vand.u32 $0x380, v3;
	v5 =	vadd.s32 v6, v5  }
0x157: {  	v4 =	vand.u32 $0x7F, v4;
	v3 =	vor.u32 v3, v5  }
0x158: {  	p0 =	sne.s32 s25, $0x7E00;
	v3 =	vor.u32 v4, v3  }
.Ltmp2:
0x159: {  	_ = 	snop;
	(pc) =	sbr.rel @p0 .LBB2_6-.Ltmp2, $3  }
0x15a: {  	_ =	sdelay $0x1  }
0x15b: {  	v63 =	vsel vm15, $0x3F800000, v2  }
0x15c: {  	s25 =	sadd.s32 $0x200, s25;
	[tilespmem:v3+s16+$0x0] =	vst.idx.add.f32.msk $0xffff, v63  }
0x15d: {  	s25 =	simm.s32 $0x0  }
0x15e: {  	[tilespmem:s25], [sflag:$0x1] =	stream.linear.gather [hbm4b:s2+s25], $0x2000, $0x38;
	[tilespmem:$0x18000] =	vst v63  }
0x15f: {  	_ = 	snop  }
0x160: {  	[tilespmem:s15], [sflag:$0x2] =	stream.linear.gather [hbm4b:s4+s25], $0x2000, $0x38;
	[tilespmem:$0x18000] =	vst v63  }
0x161: {  	_ =	swait.ge [sflag:s22], $0x2000  }
0x162: {  	[sflag:s22] =	ssyncset.done $0x0  }
0x163: {  	[sflag:s22] =	ssyncadd.s32 $0xFFFFE000  }
0x164: {  	_ =	swait.ge [sflag:s23], $0x2000  }
0x165: {  	[sflag:s23] =	ssyncset.done $0x0  }
0x166: {  	[sflag:s23] =	ssyncadd.s32 $0xFFFFE000  }
.LBB2_8:
0x167: {  	s26 =	sshra.s32 s25, $0x2  }
0x168: {  	v3 =	vld [tilespmem:s26+$0x6000];
	_ =	sdelay $0x2  }
0x169: {  	v4 =	vld [tilespmem:s26+$0x4000];
	_ =	sdelay $0x1  }
0x16a: {  	v3 =	vsub.s32 v3, v0  }
0x16b: {  	vm0 =	vlt.u32 v3, $0x20  }
0x16c: {  	v3 =	vnsel vm0, $0x0, v3  }
0x16d: {  	v6 =	vshll.u32 v4, $0x3;
	v5 =	vshll.u32 v3, $0xB  }
0x16e: {  	v6 =	vand.u32 $0xFFFFFC00, v6;
	v3 =	vshll.u32 v3, $0x7;
	v5 =	vand.u32 $0xFFFFC000, v5  }
0x16f: {  	v3 =	vand.u32 $0x380, v3;
	v5 =	vadd.s32 v6, v5  }
0x170: {  	v4 =	vand.u32 $0x7F, v4;
	v3 =	vor.u32 v3, v5  }
0x171: {  	v3 =	vor.u32 v4, v3;
	_ =	sdelay $0x3  }
0x172: {  	v42 =	vsel vm0, $0x3F800000, v2  }
0x173: {  	[tilespmem:v3+s16+$0x0] =	vst.idx.add.f32.msk $0xffff, v42  }
0x174: {  	v3 =	vld [tilespmem:s26+$0x6010];
	_ =	sdelay $0x2  }
0x175: {  	v4 =	vld [tilespmem:s26+$0x4010];
	_ =	sdelay $0x1  }
0x176: {  	v3 =	vsub.s32 v3, v0  }
0x177: {  	vm9 =	vlt.u32 v3, $0x20  }
0x178: {  	v3 =	vnsel vm9, $0x0, v3  }
0x179: {  	v44 =	vshll.u32 v4, $0x3;
	v43 =	vshll.u32 v3, $0xB  }
0x17a: {  	v6 =	vand.u32 $0xFFFFFC00, v44;
	v3 =	vshll.u32 v3, $0x7;
	v5 =	vand.u32 $0xFFFFC000, v43  }
0x17b: {  	v3 =	vand.u32 $0x380, v3;
	v5 =	vadd.s32 v6, v5  }
0x17c: {  	v4 =	vand.u32 $0x7F, v4;
	v3 =	vor.u32 v3, v5  }
0x17d: {  	v3 =	vor.u32 v4, v3;
	_ =	sdelay $0x3  }
0x17e: {  	v45 =	vsel vm9, $0x3F800000, v2  }
0x17f: {  	[tilespmem:v3+s16+$0x0] =	vst.idx.add.f32.msk $0xffff, v45  }
0x180: {  	v3 =	vld [tilespmem:s26+$0x6020];
	_ =	sdelay $0x2  }
0x181: {  	v4 =	vld [tilespmem:s26+$0x4020];
	_ =	sdelay $0x1  }
0x182: {  	v3 =	vsub.s32 v3, v0  }
0x183: {  	vm10 =	vlt.u32 v3, $0x20  }
0x184: {  	v3 =	vnsel vm10, $0x0, v3  }
0x185: {  	v47 =	vshll.u32 v4, $0x3;
	v46 =	vshll.u32 v3, $0xB  }
0x186: {  	v6 =	vand.u32 $0xFFFFFC00, v47;
	v3 =	vshll.u32 v3, $0x7;
	v5 =	vand.u32 $0xFFFFC000, v46  }
0x187: {  	v3 =	vand.u32 $0x380, v3;
	v5 =	vadd.s32 v6, v5  }
0x188: {  	v4 =	vand.u32 $0x7F, v4;
	v3 =	vor.u32 v3, v5  }
0x189: {  	v3 =	vor.u32 v4, v3;
	_ =	sdelay $0x3  }
0x18a: {  	v48 =	vsel vm10, $0x3F800000, v2  }
0x18b: {  	[tilespmem:v3+s16+$0x0] =	vst.idx.add.f32.msk $0xffff, v48  }
0x18c: {  	v3 =	vld [tilespmem:s26+$0x6030];
	_ =	sdelay $0x2  }
0x18d: {  	v4 =	vld [tilespmem:s26+$0x4030];
	_ =	sdelay $0x1  }
0x18e: {  	v3 =	vsub.s32 v3, v0  }
0x18f: {  	vm11 =	vlt.u32 v3, $0x20  }
0x190: {  	v3 =	vnsel vm11, $0x0, v3  }
0x191: {  	v50 =	vshll.u32 v4, $0x3;
	v49 =	vshll.u32 v3, $0xB  }
0x192: {  	v6 =	vand.u32 $0xFFFFFC00, v50;
	v3 =	vshll.u32 v3, $0x7;
	v5 =	vand.u32 $0xFFFFC000, v49  }
0x193: {  	v3 =	vand.u32 $0x380, v3;
	v5 =	vadd.s32 v6, v5  }
0x194: {  	v4 =	vand.u32 $0x7F, v4;
	v3 =	vor.u32 v3, v5  }
0x195: {  	v3 =	vor.u32 v4, v3;
	_ =	sdelay $0x3  }
0x196: {  	v51 =	vsel vm11, $0x3F800000, v2  }
0x197: {  	[tilespmem:v3+s16+$0x0] =	vst.idx.add.f32.msk $0xffff, v51  }
0x198: {  	v3 =	vld [tilespmem:s26+$0x6040];
	_ =	sdelay $0x2  }
0x199: {  	v4 =	vld [tilespmem:s26+$0x4040];
	_ =	sdelay $0x1  }
0x19a: {  	v3 =	vsub.s32 v3, v0  }
0x19b: {  	vm12 =	vlt.u32 v3, $0x20  }
0x19c: {  	v3 =	vnsel vm12, $0x0, v3  }
0x19d: {  	v53 =	vshll.u32 v4, $0x3;
	v52 =	vshll.u32 v3, $0xB  }
0x19e: {  	v6 =	vand.u32 $0xFFFFFC00, v53;
	v3 =	vshll.u32 v3, $0x7;
	v5 =	vand.u32 $0xFFFFC000, v52  }
0x19f: {  	v3 =	vand.u32 $0x380, v3;
	v5 =	vadd.s32 v6, v5  }
0x1a0: {  	v4 =	vand.u32 $0x7F, v4;
	v3 =	vor.u32 v3, v5  }
0x1a1: {  	v3 =	vor.u32 v4, v3;
	_ =	sdelay $0x3  }
0x1a2: {  	v54 =	vsel vm12, $0x3F800000, v2  }
0x1a3: {  	[tilespmem:v3+s16+$0x0] =	vst.idx.add.f32.msk $0xffff, v54  }
0x1a4: {  	v3 =	vld [tilespmem:s26+$0x6050];
	_ =	sdelay $0x2  }
0x1a5: {  	v4 =	vld [tilespmem:s26+$0x4050];
	_ =	sdelay $0x1  }
0x1a6: {  	v3 =	vsub.s32 v3, v0  }
0x1a7: {  	vm13 =	vlt.u32 v3, $0x20  }
0x1a8: {  	v3 =	vnsel vm13, $0x0, v3  }
0x1a9: {  	v56 =	vshll.u32 v4, $0x3;
	v55 =	vshll.u32 v3, $0xB  }
0x1aa: {  	v6 =	vand.u32 $0xFFFFFC00, v56;
	v3 =	vshll.u32 v3, $0x7;
	v5 =	vand.u32 $0xFFFFC000, v55  }
0x1ab: {  	v3 =	vand.u32 $0x380, v3;
	v5 =	vadd.s32 v6, v5  }
0x1ac: {  	v4 =	vand.u32 $0x7F, v4;
	v3 =	vor.u32 v3, v5  }
0x1ad: {  	v3 =	vor.u32 v4, v3;
	_ =	sdelay $0x3  }
0x1ae: {  	v57 =	vsel vm13, $0x3F800000, v2  }
0x1af: {  	[tilespmem:v3+s16+$0x0] =	vst.idx.add.f32.msk $0xffff, v57  }
0x1b0: {  	v3 =	vld [tilespmem:s26+$0x6060];
	_ =	sdelay $0x2  }
0x1b1: {  	v4 =	vld [tilespmem:s26+$0x4060];
	_ =	sdelay $0x1  }
0x1b2: {  	v3 =	vsub.s32 v3, v0  }
0x1b3: {  	vm14 =	vlt.u32 v3, $0x20  }
0x1b4: {  	v3 =	vnsel vm14, $0x0, v3  }
0x1b5: {  	v59 =	vshll.u32 v4, $0x3;
	v58 =	vshll.u32 v3, $0xB  }
0x1b6: {  	v6 =	vand.u32 $0xFFFFFC00, v59;
	v3 =	vshll.u32 v3, $0x7;
	v5 =	vand.u32 $0xFFFFC000, v58  }
0x1b7: {  	v3 =	vand.u32 $0x380, v3;
	v5 =	vadd.s32 v6, v5  }
0x1b8: {  	v4 =	vand.u32 $0x7F, v4;
	v3 =	vor.u32 v3, v5  }
0x1b9: {  	v3 =	vor.u32 v4, v3;
	_ =	sdelay $0x3  }
0x1ba: {  	v60 =	vsel vm14, $0x3F800000, v2  }
0x1bb: {  	[tilespmem:v3+s16+$0x0] =	vst.idx.add.f32.msk $0xffff, v60  }
0x1bc: {  	v3 =	vld [tilespmem:s26+$0x6070];
	_ =	sdelay $0x2  }
0x1bd: {  	v4 =	vld [tilespmem:s26+$0x4070];
	_ =	sdelay $0x1  }
0x1be: {  	v3 =	vsub.s32 v3, v0  }
0x1bf: {  	vm15 =	vlt.u32 v3, $0x20  }
0x1c0: {  	v3 =	vnsel vm15, $0x0, v3  }
0x1c1: {  	v62 =	vshll.u32 v4, $0x3;
	v61 =	vshll.u32 v3, $0xB  }
0x1c2: {  	v6 =	vand.u32 $0xFFFFFC00, v62;
	v3 =	vshll.u32 v3, $0x7;
	v5 =	vand.u32 $0xFFFFC000, v61  }
0x1c3: {  	v3 =	vand.u32 $0x380, v3;
	v5 =	vadd.s32 v6, v5  }
0x1c4: {  	v4 =	vand.u32 $0x7F, v4;
	v3 =	vor.u32 v3, v5  }
0x1c5: {  	p0 =	sne.s32 s25, $0x7E00;
	v3 =	vor.u32 v4, v3  }
.Ltmp3:
0x1c6: {  	_ = 	snop;
	(pc) =	sbr.rel @p0 .LBB2_8-.Ltmp3, $3  }
0x1c7: {  	_ =	sdelay $0x1  }
0x1c8: {  	v63 =	vsel vm15, $0x3F800000, v2  }
0x1c9: {  	s25 =	sadd.s32 $0x200, s25;
	[tilespmem:v3+s16+$0x0] =	vst.idx.add.f32.msk $0xffff, v63  }
0x1ca: {  	s25 =	simm.s32 $0x0  }
0x1cb: {  	[hbm4b:s12+s25] =	stream.linear.scatter [tilespmem:s16], [sflag:$0x5], $0x10000, $0x38;
	[tilespmem:$0x18000] =	vst v63  }
0x1cc: {  	_ =	swait.ge [sflag:s17], $0x10000  }
0x1cd: {  	[sflag:s17] =	ssyncset.done $0x0  }
0x1ce: {  	[sflag:s17] =	ssyncadd.s32 $0xFFFF0000  }
0x1cf: {  	[tilespmem:s16], [sflag:$0x5] =	stream.linear.gather [hbm4b:s5+s25], $0x10000, $0x38;
	[tilespmem:$0x18000] =	vst v63  }
0x1d0: {  	_ =	swait.ge [sflag:s17], $0x10000  }
0x1d1: {  	[sflag:s17] =	ssyncset.done $0x0  }
0x1d2: {  	[sflag:s17] =	ssyncadd.s32 $0xFFFF0000  }
0x1d3: {  	[tilespmem:s18], [sflag:$0x3] =	stream.linear.gather [hbm4b:s6+s25], $0x2000, $0x38;
	[tilespmem:$0x18000] =	vst v63  }
0x1d4: {  	_ = 	snop  }
0x1d5: {  	[tilespmem:s19], [sflag:$0x4] =	stream.linear.gather [hbm4b:s7+s25], $0x2000, $0x38;
	[tilespmem:$0x18000] =	vst v63  }
0x1d6: {  	_ =	swait.ge [sflag:s20], $0x2000  }
0x1d7: {  	[sflag:s20] =	ssyncset.done $0x0  }
0x1d8: {  	[sflag:s20] =	ssyncadd.s32 $0xFFFFE000  }
0x1d9: {  	_ =	swait.ge [sflag:s21], $0x2000  }
0x1da: {  	[sflag:s21] =	ssyncset.done $0x0  }
0x1db: {  	[sflag:s21] =	ssyncadd.s32 $0xFFFFE000  }
.LBB2_10:
0x1dc: {  	s26 =	sshra.s32 s25, $0x2  }
0x1dd: {  	v3 =	vld [tilespmem:s26+$0x2000];
	_ =	sdelay $0x2  }
0x1de: {  	v4 =	vld [tilespmem:s26+$0x0];
	_ =	sdelay $0x1  }
0x1df: {  	v3 =	vsub.s32 v3, v1  }
0x1e0: {  	vm0 =	vlt.u32 v3, $0x20  }
0x1e1: {  	v3 =	vnsel vm0, $0x0, v3  }
0x1e2: {  	v6 =	vshll.u32 v4, $0x3;
	v5 =	vshll.u32 v3, $0xB  }
0x1e3: {  	v6 =	vand.u32 $0xFFFFFC00, v6;
	v3 =	vshll.u32 v3, $0x7;
	v5 =	vand.u32 $0xFFFFC000, v5  }
0x1e4: {  	v3 =	vand.u32 $0x380, v3;
	v5 =	vadd.s32 v6, v5  }
0x1e5: {  	v4 =	vand.u32 $0x7F, v4;
	v3 =	vor.u32 v3, v5  }
0x1e6: {  	v3 =	vor.u32 v4, v3;
	_ =	sdelay $0x3  }
0x1e7: {  	v42 =	vsel vm0, $0x3F800000, v2  }
0x1e8: {  	[tilespmem:v3+s16+$0x0] =	vst.idx.add.f32.msk $0xffff, v42  }
0x1e9: {  	v3 =	vld [tilespmem:s26+$0x2010];
	_ =	sdelay $0x2  }
0x1ea: {  	v4 =	vld [tilespmem:s26+$0x10];
	_ =	sdelay $0x1  }
0x1eb: {  	v3 =	vsub.s32 v3, v1  }
0x1ec: {  	vm9 =	vlt.u32 v3, $0x20  }
0x1ed: {  	v3 =	vnsel vm9, $0x0, v3  }
0x1ee: {  	v44 =	vshll.u32 v4, $0x3;
	v43 =	vshll.u32 v3, $0xB  }
0x1ef: {  	v6 =	vand.u32 $0xFFFFFC00, v44;
	v3 =	vshll.u32 v3, $0x7;
	v5 =	vand.u32 $0xFFFFC000, v43  }
0x1f0: {  	v3 =	vand.u32 $0x380, v3;
	v5 =	vadd.s32 v6, v5  }
0x1f1: {  	v4 =	vand.u32 $0x7F, v4;
	v3 =	vor.u32 v3, v5  }
0x1f2: {  	v3 =	vor.u32 v4, v3;
	_ =	sdelay $0x3  }
0x1f3: {  	v45 =	vsel vm9, $0x3F800000, v2  }
0x1f4: {  	[tilespmem:v3+s16+$0x0] =	vst.idx.add.f32.msk $0xffff, v45  }
0x1f5: {  	v3 =	vld [tilespmem:s26+$0x2020];
	_ =	sdelay $0x2  }
0x1f6: {  	v4 =	vld [tilespmem:s26+$0x20];
	_ =	sdelay $0x1  }
0x1f7: {  	v3 =	vsub.s32 v3, v1  }
0x1f8: {  	vm10 =	vlt.u32 v3, $0x20  }
0x1f9: {  	v3 =	vnsel vm10, $0x0, v3  }
0x1fa: {  	v47 =	vshll.u32 v4, $0x3;
	v46 =	vshll.u32 v3, $0xB  }
0x1fb: {  	v6 =	vand.u32 $0xFFFFFC00, v47;
	v3 =	vshll.u32 v3, $0x7;
	v5 =	vand.u32 $0xFFFFC000, v46  }
0x1fc: {  	v3 =	vand.u32 $0x380, v3;
	v5 =	vadd.s32 v6, v5  }
0x1fd: {  	v4 =	vand.u32 $0x7F, v4;
	v3 =	vor.u32 v3, v5  }
0x1fe: {  	v3 =	vor.u32 v4, v3;
	_ =	sdelay $0x3  }
0x1ff: {  	v48 =	vsel vm10, $0x3F800000, v2  }
0x200: {  	[tilespmem:v3+s16+$0x0] =	vst.idx.add.f32.msk $0xffff, v48  }
0x201: {  	v3 =	vld [tilespmem:s26+$0x2030];
	_ =	sdelay $0x2  }
0x202: {  	v4 =	vld [tilespmem:s26+$0x30];
	_ =	sdelay $0x1  }
0x203: {  	v3 =	vsub.s32 v3, v1  }
0x204: {  	vm11 =	vlt.u32 v3, $0x20  }
0x205: {  	v3 =	vnsel vm11, $0x0, v3  }
0x206: {  	v50 =	vshll.u32 v4, $0x3;
	v49 =	vshll.u32 v3, $0xB  }
0x207: {  	v6 =	vand.u32 $0xFFFFFC00, v50;
	v3 =	vshll.u32 v3, $0x7;
	v5 =	vand.u32 $0xFFFFC000, v49  }
0x208: {  	v3 =	vand.u32 $0x380, v3;
	v5 =	vadd.s32 v6, v5  }
0x209: {  	v4 =	vand.u32 $0x7F, v4;
	v3 =	vor.u32 v3, v5  }
0x20a: {  	v3 =	vor.u32 v4, v3;
	_ =	sdelay $0x3  }
0x20b: {  	v51 =	vsel vm11, $0x3F800000, v2  }
0x20c: {  	[tilespmem:v3+s16+$0x0] =	vst.idx.add.f32.msk $0xffff, v51  }
0x20d: {  	v3 =	vld [tilespmem:s26+$0x2040];
	_ =	sdelay $0x2  }
0x20e: {  	v4 =	vld [tilespmem:s26+$0x40];
	_ =	sdelay $0x1  }
0x20f: {  	v3 =	vsub.s32 v3, v1  }
0x210: {  	vm12 =	vlt.u32 v3, $0x20  }
0x211: {  	v3 =	vnsel vm12, $0x0, v3  }
0x212: {  	v53 =	vshll.u32 v4, $0x3;
	v52 =	vshll.u32 v3, $0xB  }
0x213: {  	v6 =	vand.u32 $0xFFFFFC00, v53;
	v3 =	vshll.u32 v3, $0x7;
	v5 =	vand.u32 $0xFFFFC000, v52  }
0x214: {  	v3 =	vand.u32 $0x380, v3;
	v5 =	vadd.s32 v6, v5  }
0x215: {  	v4 =	vand.u32 $0x7F, v4;
	v3 =	vor.u32 v3, v5  }
0x216: {  	v3 =	vor.u32 v4, v3;
	_ =	sdelay $0x3  }
0x217: {  	v54 =	vsel vm12, $0x3F800000, v2  }
0x218: {  	[tilespmem:v3+s16+$0x0] =	vst.idx.add.f32.msk $0xffff, v54  }
0x219: {  	v3 =	vld [tilespmem:s26+$0x2050];
	_ =	sdelay $0x2  }
0x21a: {  	v4 =	vld [tilespmem:s26+$0x50];
	_ =	sdelay $0x1  }
0x21b: {  	v3 =	vsub.s32 v3, v1  }
0x21c: {  	vm13 =	vlt.u32 v3, $0x20  }
0x21d: {  	v3 =	vnsel vm13, $0x0, v3  }
0x21e: {  	v56 =	vshll.u32 v4, $0x3;
	v55 =	vshll.u32 v3, $0xB  }
0x21f: {  	v6 =	vand.u32 $0xFFFFFC00, v56;
	v3 =	vshll.u32 v3, $0x7;
	v5 =	vand.u32 $0xFFFFC000, v55  }
0x220: {  	v3 =	vand.u32 $0x380, v3;
	v5 =	vadd.s32 v6, v5  }
0x221: {  	v4 =	vand.u32 $0x7F, v4;
	v3 =	vor.u32 v3, v5  }
0x222: {  	v3 =	vor.u32 v4, v3;
	_ =	sdelay $0x3  }
0x223: {  	v57 =	vsel vm13, $0x3F800000, v2  }
0x224: {  	[tilespmem:v3+s16+$0x0] =	vst.idx.add.f32.msk $0xffff, v57  }
0x225: {  	v3 =	vld [tilespmem:s26+$0x2060];
	_ =	sdelay $0x2  }
0x226: {  	v4 =	vld [tilespmem:s26+$0x60];
	_ =	sdelay $0x1  }
0x227: {  	v3 =	vsub.s32 v3, v1  }
0x228: {  	vm14 =	vlt.u32 v3, $0x20  }
0x229: {  	v3 =	vnsel vm14, $0x0, v3  }
0x22a: {  	v59 =	vshll.u32 v4, $0x3;
	v58 =	vshll.u32 v3, $0xB  }
0x22b: {  	v6 =	vand.u32 $0xFFFFFC00, v59;
	v3 =	vshll.u32 v3, $0x7;
	v5 =	vand.u32 $0xFFFFC000, v58  }
0x22c: {  	v3 =	vand.u32 $0x380, v3;
	v5 =	vadd.s32 v6, v5  }
0x22d: {  	v4 =	vand.u32 $0x7F, v4;
	v3 =	vor.u32 v3, v5  }
0x22e: {  	v3 =	vor.u32 v4, v3;
	_ =	sdelay $0x3  }
0x22f: {  	v60 =	vsel vm14, $0x3F800000, v2  }
0x230: {  	[tilespmem:v3+s16+$0x0] =	vst.idx.add.f32.msk $0xffff, v60  }
0x231: {  	v3 =	vld [tilespmem:s26+$0x2070];
	_ =	sdelay $0x2  }
0x232: {  	v4 =	vld [tilespmem:s26+$0x70];
	_ =	sdelay $0x1  }
0x233: {  	v3 =	vsub.s32 v3, v1  }
0x234: {  	vm15 =	vlt.u32 v3, $0x20  }
0x235: {  	v3 =	vnsel vm15, $0x0, v3  }
0x236: {  	v62 =	vshll.u32 v4, $0x3;
	v61 =	vshll.u32 v3, $0xB  }
0x237: {  	v6 =	vand.u32 $0xFFFFFC00, v62;
	v3 =	vshll.u32 v3, $0x7;
	v5 =	vand.u32 $0xFFFFC000, v61  }
0x238: {  	v3 =	vand.u32 $0x380, v3;
	v5 =	vadd.s32 v6, v5  }
0x239: {  	v4 =	vand.u32 $0x7F, v4;
	v3 =	vor.u32 v3, v5  }
0x23a: {  	p0 =	sne.s32 s25, $0x7E00;
	v3 =	vor.u32 v4, v3  }
.Ltmp4:
0x23b: {  	_ = 	snop;
	(pc) =	sbr.rel @p0 .LBB2_10-.Ltmp4, $3  }
0x23c: {  	_ =	sdelay $0x1  }
0x23d: {  	v63 =	vsel vm15, $0x3F800000, v2  }
0x23e: {  	s25 =	sadd.s32 $0x200, s25;
	[tilespmem:v3+s16+$0x0] =	vst.idx.add.f32.msk $0xffff, v63  }
0x23f: {  	s25 =	simm.s32 $0x0  }
0x240: {  	[tilespmem:s25], [sflag:$0x1] =	stream.linear.gather [hbm4b:s8+s25], $0x2000, $0x38;
	[tilespmem:$0x18000] =	vst v63  }
0x241: {  	_ = 	snop  }
0x242: {  	[tilespmem:s15], [sflag:$0x2] =	stream.linear.gather [hbm4b:s9+s25], $0x2000, $0x38;
	[tilespmem:$0x18000] =	vst v63  }
0x243: {  	_ =	swait.ge [sflag:s22], $0x2000  }
0x244: {  	[sflag:s22] =	ssyncset.done $0x0  }
0x245: {  	[sflag:s22] =	ssyncadd.s32 $0xFFFFE000  }
0x246: {  	_ =	swait.ge [sflag:s23], $0x2000  }
0x247: {  	[sflag:s23] =	ssyncset.done $0x0  }
0x248: {  	[sflag:s23] =	ssyncadd.s32 $0xFFFFE000  }
.LBB2_12:
0x249: {  	s26 =	sshra.s32 s25, $0x2  }
0x24a: {  	v3 =	vld [tilespmem:s26+$0x6000];
	_ =	sdelay $0x2  }
0x24b: {  	v4 =	vld [tilespmem:s26+$0x4000];
	_ =	sdelay $0x1  }
0x24c: {  	v3 =	vsub.s32 v3, v1  }
0x24d: {  	vm0 =	vlt.u32 v3, $0x20  }
0x24e: {  	v3 =	vnsel vm0, $0x0, v3  }
0x24f: {  	v6 =	vshll.u32 v4, $0x3;
	v5 =	vshll.u32 v3, $0xB  }
0x250: {  	v6 =	vand.u32 $0xFFFFFC00, v6;
	v3 =	vshll.u32 v3, $0x7;
	v5 =	vand.u32 $0xFFFFC000, v5  }
0x251: {  	v3 =	vand.u32 $0x380, v3;
	v5 =	vadd.s32 v6, v5  }
0x252: {  	v4 =	vand.u32 $0x7F, v4;
	v3 =	vor.u32 v3, v5  }
0x253: {  	v3 =	vor.u32 v4, v3;
	_ =	sdelay $0x3  }
0x254: {  	v42 =	vsel vm0, $0x3F800000, v2  }
0x255: {  	[tilespmem:v3+s16+$0x0] =	vst.idx.add.f32.msk $0xffff, v42  }
0x256: {  	v3 =	vld [tilespmem:s26+$0x6010];
	_ =	sdelay $0x2  }
0x257: {  	v4 =	vld [tilespmem:s26+$0x4010];
	_ =	sdelay $0x1  }
0x258: {  	v3 =	vsub.s32 v3, v1  }
0x259: {  	vm9 =	vlt.u32 v3, $0x20  }
0x25a: {  	v3 =	vnsel vm9, $0x0, v3  }
0x25b: {  	v44 =	vshll.u32 v4, $0x3;
	v43 =	vshll.u32 v3, $0xB  }
0x25c: {  	v6 =	vand.u32 $0xFFFFFC00, v44;
	v3 =	vshll.u32 v3, $0x7;
	v5 =	vand.u32 $0xFFFFC000, v43  }
0x25d: {  	v3 =	vand.u32 $0x380, v3;
	v5 =	vadd.s32 v6, v5  }
0x25e: {  	v4 =	vand.u32 $0x7F, v4;
	v3 =	vor.u32 v3, v5  }
0x25f: {  	v3 =	vor.u32 v4, v3;
	_ =	sdelay $0x3  }
0x260: {  	v45 =	vsel vm9, $0x3F800000, v2  }
0x261: {  	[tilespmem:v3+s16+$0x0] =	vst.idx.add.f32.msk $0xffff, v45  }
0x262: {  	v3 =	vld [tilespmem:s26+$0x6020];
	_ =	sdelay $0x2  }
0x263: {  	v4 =	vld [tilespmem:s26+$0x4020];
	_ =	sdelay $0x1  }
0x264: {  	v3 =	vsub.s32 v3, v1  }
0x265: {  	vm10 =	vlt.u32 v3, $0x20  }
0x266: {  	v3 =	vnsel vm10, $0x0, v3  }
0x267: {  	v47 =	vshll.u32 v4, $0x3;
	v46 =	vshll.u32 v3, $0xB  }
0x268: {  	v6 =	vand.u32 $0xFFFFFC00, v47;
	v3 =	vshll.u32 v3, $0x7;
	v5 =	vand.u32 $0xFFFFC000, v46  }
0x269: {  	v3 =	vand.u32 $0x380, v3;
	v5 =	vadd.s32 v6, v5  }
0x26a: {  	v4 =	vand.u32 $0x7F, v4;
	v3 =	vor.u32 v3, v5  }
0x26b: {  	v3 =	vor.u32 v4, v3;
	_ =	sdelay $0x3  }
0x26c: {  	v48 =	vsel vm10, $0x3F800000, v2  }
0x26d: {  	[tilespmem:v3+s16+$0x0] =	vst.idx.add.f32.msk $0xffff, v48  }
0x26e: {  	v3 =	vld [tilespmem:s26+$0x6030];
	_ =	sdelay $0x2  }
0x26f: {  	v4 =	vld [tilespmem:s26+$0x4030];
	_ =	sdelay $0x1  }
0x270: {  	v3 =	vsub.s32 v3, v1  }
0x271: {  	vm11 =	vlt.u32 v3, $0x20  }
0x272: {  	v3 =	vnsel vm11, $0x0, v3  }
0x273: {  	v50 =	vshll.u32 v4, $0x3;
	v49 =	vshll.u32 v3, $0xB  }
0x274: {  	v6 =	vand.u32 $0xFFFFFC00, v50;
	v3 =	vshll.u32 v3, $0x7;
	v5 =	vand.u32 $0xFFFFC000, v49  }
0x275: {  	v3 =	vand.u32 $0x380, v3;
	v5 =	vadd.s32 v6, v5  }
0x276: {  	v4 =	vand.u32 $0x7F, v4;
	v3 =	vor.u32 v3, v5  }
0x277: {  	v3 =	vor.u32 v4, v3;
	_ =	sdelay $0x3  }
0x278: {  	v51 =	vsel vm11, $0x3F800000, v2  }
0x279: {  	[tilespmem:v3+s16+$0x0] =	vst.idx.add.f32.msk $0xffff, v51  }
0x27a: {  	v3 =	vld [tilespmem:s26+$0x6040];
	_ =	sdelay $0x2  }
0x27b: {  	v4 =	vld [tilespmem:s26+$0x4040];
	_ =	sdelay $0x1  }
0x27c: {  	v3 =	vsub.s32 v3, v1  }
0x27d: {  	vm12 =	vlt.u32 v3, $0x20  }
0x27e: {  	v3 =	vnsel vm12, $0x0, v3  }
0x27f: {  	v53 =	vshll.u32 v4, $0x3;
	v52 =	vshll.u32 v3, $0xB  }
0x280: {  	v6 =	vand.u32 $0xFFFFFC00, v53;
	v3 =	vshll.u32 v3, $0x7;
	v5 =	vand.u32 $0xFFFFC000, v52  }
0x281: {  	v3 =	vand.u32 $0x380, v3;
	v5 =	vadd.s32 v6, v5  }
0x282: {  	v4 =	vand.u32 $0x7F, v4;
	v3 =	vor.u32 v3, v5  }
0x283: {  	v3 =	vor.u32 v4, v3;
	_ =	sdelay $0x3  }
0x284: {  	v54 =	vsel vm12, $0x3F800000, v2  }
0x285: {  	[tilespmem:v3+s16+$0x0] =	vst.idx.add.f32.msk $0xffff, v54  }
0x286: {  	v3 =	vld [tilespmem:s26+$0x6050];
	_ =	sdelay $0x2  }
0x287: {  	v4 =	vld [tilespmem:s26+$0x4050];
	_ =	sdelay $0x1  }
0x288: {  	v3 =	vsub.s32 v3, v1  }
0x289: {  	vm13 =	vlt.u32 v3, $0x20  }
0x28a: {  	v3 =	vnsel vm13, $0x0, v3  }
0x28b: {  	v56 =	vshll.u32 v4, $0x3;
	v55 =	vshll.u32 v3, $0xB  }
0x28c: {  	v6 =	vand.u32 $0xFFFFFC00, v56;
	v3 =	vshll.u32 v3, $0x7;
	v5 =	vand.u32 $0xFFFFC000, v55  }
0x28d: {  	v3 =	vand.u32 $0x380, v3;
	v5 =	vadd.s32 v6, v5  }
0x28e: {  	v4 =	vand.u32 $0x7F, v4;
	v3 =	vor.u32 v3, v5  }
0x28f: {  	v3 =	vor.u32 v4, v3;
	_ =	sdelay $0x3  }
0x290: {  	v57 =	vsel vm13, $0x3F800000, v2  }
0x291: {  	[tilespmem:v3+s16+$0x0] =	vst.idx.add.f32.msk $0xffff, v57  }
0x292: {  	v3 =	vld [tilespmem:s26+$0x6060];
	_ =	sdelay $0x2  }
0x293: {  	v4 =	vld [tilespmem:s26+$0x4060];
	_ =	sdelay $0x1  }
0x294: {  	v3 =	vsub.s32 v3, v1  }
0x295: {  	vm14 =	vlt.u32 v3, $0x20  }
0x296: {  	v3 =	vnsel vm14, $0x0, v3  }
0x297: {  	v59 =	vshll.u32 v4, $0x3;
	v58 =	vshll.u32 v3, $0xB  }
0x298: {  	v6 =	vand.u32 $0xFFFFFC00, v59;
	v3 =	vshll.u32 v3, $0x7;
	v5 =	vand.u32 $0xFFFFC000, v58  }
0x299: {  	v3 =	vand.u32 $0x380, v3;
	v5 =	vadd.s32 v6, v5  }
0x29a: {  	v4 =	vand.u32 $0x7F, v4;
	v3 =	vor.u32 v3, v5  }
0x29b: {  	v3 =	vor.u32 v4, v3;
	_ =	sdelay $0x3  }
0x29c: {  	v60 =	vsel vm14, $0x3F800000, v2  }
0x29d: {  	[tilespmem:v3+s16+$0x0] =	vst.idx.add.f32.msk $0xffff, v60  }
0x29e: {  	v3 =	vld [tilespmem:s26+$0x6070];
	_ =	sdelay $0x2  }
0x29f: {  	v4 =	vld [tilespmem:s26+$0x4070];
	_ =	sdelay $0x1  }
0x2a0: {  	v3 =	vsub.s32 v3, v1  }
0x2a1: {  	vm15 =	vlt.u32 v3, $0x20  }
0x2a2: {  	v3 =	vnsel vm15, $0x0, v3  }
0x2a3: {  	v62 =	vshll.u32 v4, $0x3;
	v61 =	vshll.u32 v3, $0xB  }
0x2a4: {  	v6 =	vand.u32 $0xFFFFFC00, v62;
	v3 =	vshll.u32 v3, $0x7;
	v5 =	vand.u32 $0xFFFFC000, v61  }
0x2a5: {  	v3 =	vand.u32 $0x380, v3;
	v5 =	vadd.s32 v6, v5  }
0x2a6: {  	v4 =	vand.u32 $0x7F, v4;
	v3 =	vor.u32 v3, v5  }
0x2a7: {  	p0 =	sne.s32 s25, $0x7E00;
	v3 =	vor.u32 v4, v3  }
.Ltmp5:
0x2a8: {  	_ = 	snop;
	(pc) =	sbr.rel @p0 .LBB2_12-.Ltmp5, $3  }
0x2a9: {  	_ =	sdelay $0x1  }
0x2aa: {  	v63 =	vsel vm15, $0x3F800000, v2  }
0x2ab: {  	s25 =	sadd.s32 $0x200, s25;
	[tilespmem:v3+s16+$0x0] =	vst.idx.add.f32.msk $0xffff, v63  }
0x2ac: {  	s25 =	simm.s32 $0x0  }
0x2ad: {  	[tilespmem:s18], [sflag:$0x3] =	stream.linear.gather [hbm4b:s10+s25], $0x2000, $0x38;
	[tilespmem:$0x18000] =	vst v63  }
0x2ae: {  	_ = 	snop  }
0x2af: {  	[tilespmem:s19], [sflag:$0x4] =	stream.linear.gather [hbm4b:s11+s25], $0x2000, $0x38;
	[tilespmem:$0x18000] =	vst v63  }
0x2b0: {  	_ =	swait.ge [sflag:s20], $0x2000  }
0x2b1: {  	[sflag:s20] =	ssyncset.done $0x0  }
0x2b2: {  	[sflag:s20] =	ssyncadd.s32 $0xFFFFE000  }
0x2b3: {  	_ =	swait.ge [sflag:s21], $0x2000  }
0x2b4: {  	[sflag:s21] =	ssyncset.done $0x0  }
0x2b5: {  	[sflag:s21] =	ssyncadd.s32 $0xFFFFE000  }
.LBB2_14:
0x2b6: {  	s26 =	sshra.s32 s25, $0x2  }
0x2b7: {  	v3 =	vld [tilespmem:s26+$0x2000];
	_ =	sdelay $0x2  }
0x2b8: {  	v4 =	vld [tilespmem:s26+$0x0];
	_ =	sdelay $0x1  }
0x2b9: {  	v3 =	vsub.s32 v3, v1  }
0x2ba: {  	vm0 =	vlt.u32 v3, $0x20  }
0x2bb: {  	v3 =	vnsel vm0, $0x0, v3  }
0x2bc: {  	v6 =	vshll.u32 v4, $0x3;
	v5 =	vshll.u32 v3, $0xB  }
0x2bd: {  	v6 =	vand.u32 $0xFFFFFC00, v6;
	v3 =	vshll.u32 v3, $0x7;
	v5 =	vand.u32 $0xFFFFC000, v5  }
0x2be: {  	v3 =	vand.u32 $0x380, v3;
	v5 =	vadd.s32 v6, v5  }
0x2bf: {  	v4 =	vand.u32 $0x7F, v4;
	v3 =	vor.u32 v3, v5  }
0x2c0: {  	v3 =	vor.u32 v4, v3;
	_ =	sdelay $0x3  }
0x2c1: {  	v42 =	vsel vm0, $0x3F800000, v2  }
0x2c2: {  	[tilespmem:v3+s16+$0x0] =	vst.idx.add.f32.msk $0xffff, v42  }
0x2c3: {  	v3 =	vld [tilespmem:s26+$0x2010];
	_ =	sdelay $0x2  }
0x2c4: {  	v4 =	vld [tilespmem:s26+$0x10];
	_ =	sdelay $0x1  }
0x2c5: {  	v3 =	vsub.s32 v3, v1  }
0x2c6: {  	vm9 =	vlt.u32 v3, $0x20  }
0x2c7: {  	v3 =	vnsel vm9, $0x0, v3  }
0x2c8: {  	v44 =	vshll.u32 v4, $0x3;
	v43 =	vshll.u32 v3, $0xB  }
0x2c9: {  	v6 =	vand.u32 $0xFFFFFC00, v44;
	v3 =	vshll.u32 v3, $0x7;
	v5 =	vand.u32 $0xFFFFC000, v43  }
0x2ca: {  	v3 =	vand.u32 $0x380, v3;
	v5 =	vadd.s32 v6, v5  }
0x2cb: {  	v4 =	vand.u32 $0x7F, v4;
	v3 =	vor.u32 v3, v5  }
0x2cc: {  	v3 =	vor.u32 v4, v3;
	_ =	sdelay $0x3  }
0x2cd: {  	v45 =	vsel vm9, $0x3F800000, v2  }
0x2ce: {  	[tilespmem:v3+s16+$0x0] =	vst.idx.add.f32.msk $0xffff, v45  }
0x2cf: {  	v3 =	vld [tilespmem:s26+$0x2020];
	_ =	sdelay $0x2  }
0x2d0: {  	v4 =	vld [tilespmem:s26+$0x20];
	_ =	sdelay $0x1  }
0x2d1: {  	v3 =	vsub.s32 v3, v1  }
0x2d2: {  	vm10 =	vlt.u32 v3, $0x20  }
0x2d3: {  	v3 =	vnsel vm10, $0x0, v3  }
0x2d4: {  	v47 =	vshll.u32 v4, $0x3;
	v46 =	vshll.u32 v3, $0xB  }
0x2d5: {  	v6 =	vand.u32 $0xFFFFFC00, v47;
	v3 =	vshll.u32 v3, $0x7;
	v5 =	vand.u32 $0xFFFFC000, v46  }
0x2d6: {  	v3 =	vand.u32 $0x380, v3;
	v5 =	vadd.s32 v6, v5  }
0x2d7: {  	v4 =	vand.u32 $0x7F, v4;
	v3 =	vor.u32 v3, v5  }
0x2d8: {  	v3 =	vor.u32 v4, v3;
	_ =	sdelay $0x3  }
0x2d9: {  	v48 =	vsel vm10, $0x3F800000, v2  }
0x2da: {  	[tilespmem:v3+s16+$0x0] =	vst.idx.add.f32.msk $0xffff, v48  }
0x2db: {  	v3 =	vld [tilespmem:s26+$0x2030];
	_ =	sdelay $0x2  }
0x2dc: {  	v4 =	vld [tilespmem:s26+$0x30];
	_ =	sdelay $0x1  }
0x2dd: {  	v3 =	vsub.s32 v3, v1  }
0x2de: {  	vm11 =	vlt.u32 v3, $0x20  }
0x2df: {  	v3 =	vnsel vm11, $0x0, v3  }
0x2e0: {  	v50 =	vshll.u32 v4, $0x3;
	v49 =	vshll.u32 v3, $0xB  }
0x2e1: {  	v6 =	vand.u32 $0xFFFFFC00, v50;
	v3 =	vshll.u32 v3, $0x7;
	v5 =	vand.u32 $0xFFFFC000, v49  }
0x2e2: {  	v3 =	vand.u32 $0x380, v3;
	v5 =	vadd.s32 v6, v5  }
0x2e3: {  	v4 =	vand.u32 $0x7F, v4;
	v3 =	vor.u32 v3, v5  }
0x2e4: {  	v3 =	vor.u32 v4, v3;
	_ =	sdelay $0x3  }
0x2e5: {  	v51 =	vsel vm11, $0x3F800000, v2  }
0x2e6: {  	[tilespmem:v3+s16+$0x0] =	vst.idx.add.f32.msk $0xffff, v51  }
0x2e7: {  	v3 =	vld [tilespmem:s26+$0x2040];
	_ =	sdelay $0x2  }
0x2e8: {  	v4 =	vld [tilespmem:s26+$0x40];
	_ =	sdelay $0x1  }
0x2e9: {  	v3 =	vsub.s32 v3, v1  }
0x2ea: {  	vm12 =	vlt.u32 v3, $0x20  }
0x2eb: {  	v3 =	vnsel vm12, $0x0, v3  }
0x2ec: {  	v53 =	vshll.u32 v4, $0x3;
	v52 =	vshll.u32 v3, $0xB  }
0x2ed: {  	v6 =	vand.u32 $0xFFFFFC00, v53;
	v3 =	vshll.u32 v3, $0x7;
	v5 =	vand.u32 $0xFFFFC000, v52  }
0x2ee: {  	v3 =	vand.u32 $0x380, v3;
	v5 =	vadd.s32 v6, v5  }
0x2ef: {  	v4 =	vand.u32 $0x7F, v4;
	v3 =	vor.u32 v3, v5  }
0x2f0: {  	v3 =	vor.u32 v4, v3;
	_ =	sdelay $0x3  }
0x2f1: {  	v54 =	vsel vm12, $0x3F800000, v2  }
0x2f2: {  	[tilespmem:v3+s16+$0x0] =	vst.idx.add.f32.msk $0xffff, v54  }
0x2f3: {  	v3 =	vld [tilespmem:s26+$0x2050];
	_ =	sdelay $0x2  }
0x2f4: {  	v4 =	vld [tilespmem:s26+$0x50];
	_ =	sdelay $0x1  }
0x2f5: {  	v3 =	vsub.s32 v3, v1  }
0x2f6: {  	vm13 =	vlt.u32 v3, $0x20  }
0x2f7: {  	v3 =	vnsel vm13, $0x0, v3  }
0x2f8: {  	v56 =	vshll.u32 v4, $0x3;
	v55 =	vshll.u32 v3, $0xB  }
0x2f9: {  	v6 =	vand.u32 $0xFFFFFC00, v56;
	v3 =	vshll.u32 v3, $0x7;
	v5 =	vand.u32 $0xFFFFC000, v55  }
0x2fa: {  	v3 =	vand.u32 $0x380, v3;
	v5 =	vadd.s32 v6, v5  }
0x2fb: {  	v4 =	vand.u32 $0x7F, v4;
	v3 =	vor.u32 v3, v5  }
0x2fc: {  	v3 =	vor.u32 v4, v3;
	_ =	sdelay $0x3  }
0x2fd: {  	v57 =	vsel vm13, $0x3F800000, v2  }
0x2fe: {  	[tilespmem:v3+s16+$0x0] =	vst.idx.add.f32.msk $0xffff, v57  }
0x2ff: {  	v3 =	vld [tilespmem:s26+$0x2060];
	_ =	sdelay $0x2  }
0x300: {  	v4 =	vld [tilespmem:s26+$0x60];
	_ =	sdelay $0x1  }
0x301: {  	v3 =	vsub.s32 v3, v1  }
0x302: {  	vm14 =	vlt.u32 v3, $0x20  }
0x303: {  	v3 =	vnsel vm14, $0x0, v3  }
0x304: {  	v59 =	vshll.u32 v4, $0x3;
	v58 =	vshll.u32 v3, $0xB  }
0x305: {  	v6 =	vand.u32 $0xFFFFFC00, v59;
	v3 =	vshll.u32 v3, $0x7;
	v5 =	vand.u32 $0xFFFFC000, v58  }
0x306: {  	v3 =	vand.u32 $0x380, v3;
	v5 =	vadd.s32 v6, v5  }
0x307: {  	v4 =	vand.u32 $0x7F, v4;
	v3 =	vor.u32 v3, v5  }
0x308: {  	v3 =	vor.u32 v4, v3;
	_ =	sdelay $0x3  }
0x309: {  	v60 =	vsel vm14, $0x3F800000, v2  }
0x30a: {  	[tilespmem:v3+s16+$0x0] =	vst.idx.add.f32.msk $0xffff, v60  }
0x30b: {  	v3 =	vld [tilespmem:s26+$0x2070];
	_ =	sdelay $0x2  }
0x30c: {  	v4 =	vld [tilespmem:s26+$0x70];
	_ =	sdelay $0x1  }
0x30d: {  	v3 =	vsub.s32 v3, v1  }
0x30e: {  	vm15 =	vlt.u32 v3, $0x20  }
0x30f: {  	v3 =	vnsel vm15, $0x0, v3  }
0x310: {  	v62 =	vshll.u32 v4, $0x3;
	v61 =	vshll.u32 v3, $0xB  }
0x311: {  	v6 =	vand.u32 $0xFFFFFC00, v62;
	v3 =	vshll.u32 v3, $0x7;
	v5 =	vand.u32 $0xFFFFC000, v61  }
0x312: {  	v3 =	vand.u32 $0x380, v3;
	v5 =	vadd.s32 v6, v5  }
0x313: {  	v4 =	vand.u32 $0x7F, v4;
	v3 =	vor.u32 v3, v5  }
0x314: {  	p0 =	sne.s32 s25, $0x7E00;
	v3 =	vor.u32 v4, v3  }
.Ltmp6:
0x315: {  	_ = 	snop;
	(pc) =	sbr.rel @p0 .LBB2_14-.Ltmp6, $3  }
0x316: {  	_ =	sdelay $0x1  }
0x317: {  	v63 =	vsel vm15, $0x3F800000, v2  }
0x318: {  	s25 =	sadd.s32 $0x200, s25;
	[tilespmem:v3+s16+$0x0] =	vst.idx.add.f32.msk $0xffff, v63  }
0x319: {  	_ =	swait.ge [sflag:s22], $0x2000  }
0x31a: {  	[sflag:s22] =	ssyncset.done $0x0  }
0x31b: {  	[sflag:s22] =	ssyncadd.s32 $0xFFFFE000  }
0x31c: {  	_ =	swait.ge [sflag:s23], $0x2000  }
0x31d: {  	[sflag:s23] =	ssyncset.done $0x0  }
0x31e: {  	s25 =	simm.s32 $0x0;
	[sflag:s23] =	ssyncadd.s32 $0xFFFFE000  }
.LBB2_16:
0x31f: {  	s26 =	sshra.s32 s25, $0x2  }
0x320: {  	v3 =	vld [tilespmem:s26+$0x6000];
	_ =	sdelay $0x2  }
0x321: {  	v4 =	vld [tilespmem:s26+$0x4000];
	_ =	sdelay $0x1  }
0x322: {  	v3 =	vsub.s32 v3, v1  }
0x323: {  	vm0 =	vlt.u32 v3, $0x20  }
0x324: {  	v3 =	vnsel vm0, $0x0, v3  }
0x325: {  	v6 =	vshll.u32 v4, $0x3;
	v5 =	vshll.u32 v3, $0xB  }
0x326: {  	v6 =	vand.u32 $0xFFFFFC00, v6;
	v3 =	vshll.u32 v3, $0x7;
	v5 =	vand.u32 $0xFFFFC000, v5  }
0x327: {  	v3 =	vand.u32 $0x380, v3;
	v5 =	vadd.s32 v6, v5  }
0x328: {  	v4 =	vand.u32 $0x7F, v4;
	v3 =	vor.u32 v3, v5  }
0x329: {  	v3 =	vor.u32 v4, v3;
	_ =	sdelay $0x3  }
0x32a: {  	v42 =	vsel vm0, $0x3F800000, v2  }
0x32b: {  	[tilespmem:v3+s16+$0x0] =	vst.idx.add.f32.msk $0xffff, v42  }
0x32c: {  	v3 =	vld [tilespmem:s26+$0x6010];
	_ =	sdelay $0x2  }
0x32d: {  	v4 =	vld [tilespmem:s26+$0x4010];
	_ =	sdelay $0x1  }
0x32e: {  	v3 =	vsub.s32 v3, v1  }
0x32f: {  	vm9 =	vlt.u32 v3, $0x20  }
0x330: {  	v3 =	vnsel vm9, $0x0, v3  }
0x331: {  	v44 =	vshll.u32 v4, $0x3;
	v43 =	vshll.u32 v3, $0xB  }
0x332: {  	v6 =	vand.u32 $0xFFFFFC00, v44;
	v3 =	vshll.u32 v3, $0x7;
	v5 =	vand.u32 $0xFFFFC000, v43  }
0x333: {  	v3 =	vand.u32 $0x380, v3;
	v5 =	vadd.s32 v6, v5  }
0x334: {  	v4 =	vand.u32 $0x7F, v4;
	v3 =	vor.u32 v3, v5  }
0x335: {  	v3 =	vor.u32 v4, v3;
	_ =	sdelay $0x3  }
0x336: {  	v45 =	vsel vm9, $0x3F800000, v2  }
0x337: {  	[tilespmem:v3+s16+$0x0] =	vst.idx.add.f32.msk $0xffff, v45  }
0x338: {  	v3 =	vld [tilespmem:s26+$0x6020];
	_ =	sdelay $0x2  }
0x339: {  	v4 =	vld [tilespmem:s26+$0x4020];
	_ =	sdelay $0x1  }
0x33a: {  	v3 =	vsub.s32 v3, v1  }
0x33b: {  	vm10 =	vlt.u32 v3, $0x20  }
0x33c: {  	v3 =	vnsel vm10, $0x0, v3  }
0x33d: {  	v47 =	vshll.u32 v4, $0x3;
	v46 =	vshll.u32 v3, $0xB  }
0x33e: {  	v6 =	vand.u32 $0xFFFFFC00, v47;
	v3 =	vshll.u32 v3, $0x7;
	v5 =	vand.u32 $0xFFFFC000, v46  }
0x33f: {  	v3 =	vand.u32 $0x380, v3;
	v5 =	vadd.s32 v6, v5  }
0x340: {  	v4 =	vand.u32 $0x7F, v4;
	v3 =	vor.u32 v3, v5  }
0x341: {  	v3 =	vor.u32 v4, v3;
	_ =	sdelay $0x3  }
0x342: {  	v48 =	vsel vm10, $0x3F800000, v2  }
0x343: {  	[tilespmem:v3+s16+$0x0] =	vst.idx.add.f32.msk $0xffff, v48  }
0x344: {  	v3 =	vld [tilespmem:s26+$0x6030];
	_ =	sdelay $0x2  }
0x345: {  	v4 =	vld [tilespmem:s26+$0x4030];
	_ =	sdelay $0x1  }
0x346: {  	v3 =	vsub.s32 v3, v1  }
0x347: {  	vm11 =	vlt.u32 v3, $0x20  }
0x348: {  	v3 =	vnsel vm11, $0x0, v3  }
0x349: {  	v50 =	vshll.u32 v4, $0x3;
	v49 =	vshll.u32 v3, $0xB  }
0x34a: {  	v6 =	vand.u32 $0xFFFFFC00, v50;
	v3 =	vshll.u32 v3, $0x7;
	v5 =	vand.u32 $0xFFFFC000, v49  }
0x34b: {  	v3 =	vand.u32 $0x380, v3;
	v5 =	vadd.s32 v6, v5  }
0x34c: {  	v4 =	vand.u32 $0x7F, v4;
	v3 =	vor.u32 v3, v5  }
0x34d: {  	v3 =	vor.u32 v4, v3;
	_ =	sdelay $0x3  }
0x34e: {  	v51 =	vsel vm11, $0x3F800000, v2  }
0x34f: {  	[tilespmem:v3+s16+$0x0] =	vst.idx.add.f32.msk $0xffff, v51  }
0x350: {  	v3 =	vld [tilespmem:s26+$0x6040];
	_ =	sdelay $0x2  }
0x351: {  	v4 =	vld [tilespmem:s26+$0x4040];
	_ =	sdelay $0x1  }
0x352: {  	v3 =	vsub.s32 v3, v1  }
0x353: {  	vm12 =	vlt.u32 v3, $0x20  }
0x354: {  	v3 =	vnsel vm12, $0x0, v3  }
0x355: {  	v53 =	vshll.u32 v4, $0x3;
	v52 =	vshll.u32 v3, $0xB  }
0x356: {  	v6 =	vand.u32 $0xFFFFFC00, v53;
	v3 =	vshll.u32 v3, $0x7;
	v5 =	vand.u32 $0xFFFFC000, v52  }
0x357: {  	v3 =	vand.u32 $0x380, v3;
	v5 =	vadd.s32 v6, v5  }
0x358: {  	v4 =	vand.u32 $0x7F, v4;
	v3 =	vor.u32 v3, v5  }
0x359: {  	v3 =	vor.u32 v4, v3;
	_ =	sdelay $0x3  }
0x35a: {  	v54 =	vsel vm12, $0x3F800000, v2  }
0x35b: {  	[tilespmem:v3+s16+$0x0] =	vst.idx.add.f32.msk $0xffff, v54  }
0x35c: {  	v3 =	vld [tilespmem:s26+$0x6050];
	_ =	sdelay $0x2  }
0x35d: {  	v4 =	vld [tilespmem:s26+$0x4050];
	_ =	sdelay $0x1  }
0x35e: {  	v3 =	vsub.s32 v3, v1  }
0x35f: {  	vm13 =	vlt.u32 v3, $0x20  }
0x360: {  	v3 =	vnsel vm13, $0x0, v3  }
0x361: {  	v56 =	vshll.u32 v4, $0x3;
	v55 =	vshll.u32 v3, $0xB  }
0x362: {  	v6 =	vand.u32 $0xFFFFFC00, v56;
	v3 =	vshll.u32 v3, $0x7;
	v5 =	vand.u32 $0xFFFFC000, v55  }
0x363: {  	v3 =	vand.u32 $0x380, v3;
	v5 =	vadd.s32 v6, v5  }
0x364: {  	v4 =	vand.u32 $0x7F, v4;
	v3 =	vor.u32 v3, v5  }
0x365: {  	v3 =	vor.u32 v4, v3;
	_ =	sdelay $0x3  }
0x366: {  	v57 =	vsel vm13, $0x3F800000, v2  }
0x367: {  	[tilespmem:v3+s16+$0x0] =	vst.idx.add.f32.msk $0xffff, v57  }
0x368: {  	v3 =	vld [tilespmem:s26+$0x6060];
	_ =	sdelay $0x2  }
0x369: {  	v4 =	vld [tilespmem:s26+$0x4060];
	_ =	sdelay $0x1  }
0x36a: {  	v3 =	vsub.s32 v3, v1  }
0x36b: {  	vm14 =	vlt.u32 v3, $0x20  }
0x36c: {  	v3 =	vnsel vm14, $0x0, v3  }
0x36d: {  	v59 =	vshll.u32 v4, $0x3;
	v58 =	vshll.u32 v3, $0xB  }
0x36e: {  	v6 =	vand.u32 $0xFFFFFC00, v59;
	v3 =	vshll.u32 v3, $0x7;
	v5 =	vand.u32 $0xFFFFC000, v58  }
0x36f: {  	v3 =	vand.u32 $0x380, v3;
	v5 =	vadd.s32 v6, v5  }
0x370: {  	v4 =	vand.u32 $0x7F, v4;
	v3 =	vor.u32 v3, v5  }
0x371: {  	v3 =	vor.u32 v4, v3;
	_ =	sdelay $0x3  }
0x372: {  	v60 =	vsel vm14, $0x3F800000, v2  }
0x373: {  	[tilespmem:v3+s16+$0x0] =	vst.idx.add.f32.msk $0xffff, v60  }
0x374: {  	v3 =	vld [tilespmem:s26+$0x6070];
	_ =	sdelay $0x2  }
0x375: {  	v4 =	vld [tilespmem:s26+$0x4070];
	_ =	sdelay $0x1  }
0x376: {  	v3 =	vsub.s32 v3, v1  }
0x377: {  	vm15 =	vlt.u32 v3, $0x20  }
0x378: {  	v3 =	vnsel vm15, $0x0, v3  }
0x379: {  	v62 =	vshll.u32 v4, $0x3;
	v61 =	vshll.u32 v3, $0xB  }
0x37a: {  	v6 =	vand.u32 $0xFFFFFC00, v62;
	v3 =	vshll.u32 v3, $0x7;
	v5 =	vand.u32 $0xFFFFC000, v61  }
0x37b: {  	v3 =	vand.u32 $0x380, v3;
	v5 =	vadd.s32 v6, v5  }
0x37c: {  	v4 =	vand.u32 $0x7F, v4;
	v3 =	vor.u32 v3, v5  }
0x37d: {  	p0 =	sne.s32 s25, $0x7E00;
	v3 =	vor.u32 v4, v3  }
.Ltmp7:
0x37e: {  	_ = 	snop;
	(pc) =	sbr.rel @p0 .LBB2_16-.Ltmp7, $3  }
0x37f: {  	_ =	sdelay $0x1  }
0x380: {  	v63 =	vsel vm15, $0x3F800000, v2  }
0x381: {  	s25 =	sadd.s32 $0x200, s25;
	[tilespmem:v3+s16+$0x0] =	vst.idx.add.f32.msk $0xffff, v63  }
0x382: {  	s24 =	sadd.s32 $0x1, s24  }
0x383: {  	p0 =	sne.s32 s24, s14  }
.Ltmp8:
0x384: {  	_ = 	snop;
	(pc) =	sbr.rel @p0 .LBB2_1-.Ltmp8, $4  }
0x385: {  	[hbm4b:s13+s1] =	stream.linear.scatter [tilespmem:s16], [sflag:$0x5], $0x10000, $0x38;
	[tilespmem:$0x18000] =	vst v63  }
0x386: {  	_ =	swait.ge [sflag:s17], $0x10000  }
0x387: {  	[sflag:s17] =	ssyncset.done $0x0  }
0x388: {  	[sflag:s17] =	ssyncadd.s32 $0xFFFF0000  }
0x389: {  	_ =	sfence.sel $0x180000  }
0x38a: {  	[bflag:$0x0] =	sbarrier.arrive $0xFFFF  }
0x38b: {  	p0 =	sne.s32 s3, $0x0;
	_ =	strace $0x90000047  }
0x38c: {  	s0 =	sadd.s32 @!p0 $0x100000, s0;
	[bflag:$0x2] =	sbarrier.arrive $0xFFFF  }
0x38d: {  	[sflag:s0] =	ssyncadd.tile.s32 @!p0 $0x1;
	_ =	shalt  }
.Lfunc_end2:
_tile_overlayer_lowered:
.L_overlay_start_2:
0x38e: {  	(tag) =	ssettag $0x2  }
0x38f: {  	s0 =	rddreg [dreg:$0x0];
	s2 =	stileid.u32  }
0x390: {  	s1 =	rddreg [dreg:$0x1];
	p0 =	sne.s32 s2, $0x0  }
0x391: {  	s3 =	rddreg [dreg:$0x2];
	[bflag:$0x3] =	sbarrier.arrive $0xFFFF;
	s2 =	simm.s32 @!p0 $0x1C05  }
0x392: {  	[timem:s3], [sflag:s2] =	dma.local @!p0 [hbm:s0], s1  }
0x393: {  	s0 =	simm.s32 @!p0 $0x5  }
0x394: {  	_ =	swait.ge @!p0 [sflag:s0], s1  }
0x395: {  	s1 =	ssub.s32 @!p0 $0x0, s1;
	[sflag:s0] =	ssyncset.done @!p0 $0x0  }
0x396: {  	[sflag:s0] =	ssyncadd.s32 @!p0 s1  }
0x397: {  	[bflag:$0x3] =	sbarrier.arrive $0xFFFF  }
0x398: {  	_ =	shalt  }

</sc_bundles>
